<compile_context>
chip_gen: v7x
topology: tpu7x:2x2x1
jax: 0.10.2.dev20260603
libtpu: 0.0.44.dev20260713+nightly
codegen_flags: <defaults>
</compile_context>

<pallas_src>
import functools

import jax
import jax.numpy as jnp
from jax import lax
from jax.experimental import pallas as pl
from jax.experimental.pallas import tpu as pltpu
from jax.experimental.pallas import tpu_sc as plsc

N = 10000
E = 160000
H = 32
HE = 64
DEMB = 256
NG = 64
EPS = 1e-5

NC = 2
NS = 16
NW = NC * NS
EPW = E // NW
CH = 1000
NCH = EPW // CH
RPT = N // NS

EB = 640
_SC_MESH = plsc.VectorSubcoreMesh(core_axis_name="c", subcore_axis_name="s")
_SC_PARAMS = pltpu.CompilerParams(use_tc_tiling_on_sc=False)


@functools.partial(
    pl.kernel,
    out_type=jax.ShapeDtypeStruct((E, H), jnp.float32),
    mesh=_SC_MESH,
    scratch_types=[
        pltpu.VMEM((CH,), jnp.int32),
        pltpu.VMEM((CH,), jnp.int32),
        pltpu.VMEM((CH, H), jnp.float32),
        pltpu.VMEM((CH, H), jnp.float32),
        pltpu.SemaphoreType.DMA,
        pltpu.SemaphoreType.DMA,
    ],
    compiler_params=_SC_PARAMS,
)
def _sc_gather(table_hbm, ei_hbm, out_hbm, idx_a, idx_b, rows_a, rows_b,
               sem_a, sem_b):
    wid = lax.axis_index("c") * NS + lax.axis_index("s")
    bufs = [(idx_a, rows_a, sem_a), (idx_b, rows_b, sem_b)]
    pend = [None, None]
    pend_base = [None, None]
    for j in range(NCH):
        b = j % 2
        if pend[b] is not None:
            pend[b].wait()
            pltpu.sync_copy(bufs[b][1], out_hbm.at[pl.ds(pend_base[b], CH)])
        base = pl.multiple_of(wid * EPW + j * CH, 8)
        pltpu.sync_copy(ei_hbm.at[0, pl.ds(base, CH)], bufs[b][0])
        pend[b] = pltpu.async_copy(table_hbm.at[bufs[b][0]], bufs[b][1],
                                   bufs[b][2])
        pend_base[b] = base
    for j in (NCH - 1, NCH):
        b = j % 2
        if pend[b] is not None:
            pend[b].wait()
            pltpu.sync_copy(bufs[b][1], out_hbm.at[pl.ds(pend_base[b], CH)])
            pend[b] = None


@functools.partial(
    pl.kernel,
    out_type=jax.ShapeDtypeStruct((NC, N, H), jnp.float32),
    mesh=_SC_MESH,
    scratch_types=[
        pltpu.VMEM((CH,), jnp.int32),
        pltpu.VMEM((CH,), jnp.int32),
        pltpu.VMEM((CH, H), jnp.float32),
        pltpu.VMEM((CH, H), jnp.float32),
        pltpu.VMEM_SHARED((N, H), jnp.float32),
        pltpu.SemaphoreType.DMA,
        pltpu.SemaphoreType.DMA,
        pltpu.SemaphoreType.DMA,
        pltpu.SemaphoreType.DMA,
    ],
    compiler_params=_SC_PARAMS,
)
def _sc_scatter(msg_hbm, ei_hbm, zeros_hbm, out_hbm, idx_a, idx_b,
                rows_a, rows_b, agg_sh, si_a, si_b, sr_a, sr_b):
    c = lax.axis_index("c")
    s = lax.axis_index("s")
    wid = c * NS + s
    row0 = s * RPT
    idxs = [idx_a, idx_b]
    rows = [rows_a, rows_b]
    sems = [(si_a, sr_a), (si_b, sr_b)]

    def start_loads(j):
        b = j % 2
        base = pl.multiple_of(wid * EPW + j * CH, 8)
        di = pltpu.async_copy(ei_hbm.at[1, pl.ds(base, CH)], idxs[b],
                              sems[b][0])
        dr = pltpu.async_copy(msg_hbm.at[pl.ds(base, CH)], rows[b],
                              sems[b][1])
        return di, dr

    pend = start_loads(0)
    pltpu.sync_copy(zeros_hbm.at[pl.ds(row0, RPT)], agg_sh.at[pl.ds(row0, RPT)])
    plsc.subcore_barrier()
    for j in range(NCH):
        nxt = start_loads(j + 1) if j + 1 < NCH else None
        pend[0].wait()
        pend[1].wait()
        b = j % 2
        pltpu.sync_copy(rows[b], agg_sh.at[idxs[b]], add=True)
        pend = nxt
    plsc.subcore_barrier()
    pltpu.sync_copy(agg_sh.at[pl.ds(row0, RPT)], out_hbm.at[c, pl.ds(row0, RPT)])


E4 = E // 4
EB4 = 800


def _edge_body(ea, xj, w1b, b1b, w2b, b2bm, repb, foldb, out):
    h1 = jnp.maximum(
        jnp.dot(ea[...], w1b[...], preferred_element_type=jnp.float32) + b1b[...],
        0.0,
    )
    w = jnp.dot(h1.astype(jnp.bfloat16), w2b[...],
                preferred_element_type=jnp.float32)
    xjh = xj[...].astype(jnp.bfloat16)
    xr = jnp.dot(xjh, repb[...], preferred_element_type=jnp.float32)
    p = w * xr
    accs = []
    for u in range(4):
        acc = p[:, 1024 * u:1024 * u + 128]
        for j in range(1, 8):
            lo = 1024 * u + 128 * j
            acc = acc + p[:, lo:lo + 128]
        accs.append(acc)
    acc_cat = jnp.concatenate(accs, axis=1)
    out[...] = (jnp.dot(acc_cat, foldb[...], preferred_element_type=jnp.float32)
                + jnp.dot(xjh, b2bm[...], preferred_element_type=jnp.float32))


def _edge_messages(ea, xj, w1b, b1b, w2b, b2bm, repb, foldb):
    grid = (E4 // EB4,)
    return pl.pallas_call(
        _edge_body,
        grid=grid,
        in_specs=[
            pl.BlockSpec((EB4, 128), lambda i: (i, 0)),
            pl.BlockSpec((EB4, 128), lambda i: (i, 0)),
            pl.BlockSpec((128, 4 * HE), lambda i: (0, 0)),
            pl.BlockSpec((1, 4 * HE), lambda i: (0, 0)),
            pl.BlockSpec((4 * HE, 4 * H * H), lambda i: (0, 0)),
            pl.BlockSpec((128, 128), lambda i: (0, 0)),
            pl.BlockSpec((128, 4 * H * H), lambda i: (0, 0)),
            pl.BlockSpec((512, 128), lambda i: (0, 0)),
        ],
        out_specs=pl.BlockSpec((EB4, 128), lambda i: (i, 0)),
        out_shape=jax.ShapeDtypeStruct((E4, 128), jnp.float32),
    )(ea, xj, w1b, b1b, w2b, b2bm, repb, foldb)


def _node_body(aggp, h_in, root, bias, gamma, beta, out):
    agg = aggp[0] + aggp[1]
    t = agg + jnp.dot(h_in[...], root[...], preferred_element_type=jnp.float32)
    t = t + bias[...]
    mu = jnp.mean(t, axis=0, keepdims=True)
    var = jnp.mean((t - mu) ** 2, axis=0, keepdims=True)
    bn = gamma[...] * (t - mu) * lax.rsqrt(var + EPS) + beta[...]
    out[...] = jnp.maximum(bn, 0.0)


def _node_update(aggp, h_in, root, bias, gamma, beta):
    return pl.pallas_call(
        _node_body,
        out_shape=jax.ShapeDtypeStruct((N, H), jnp.float32),
    )(aggp, h_in, root, bias, gamma, beta)


def _final_body(aggp, h_in, root, bias, gamma, beta, batch2d, wro, bro, out):
    agg = aggp[0] + aggp[1]
    t = agg + jnp.dot(h_in[...], root[...], preferred_element_type=jnp.float32)
    t = t + bias[...]
    mu = jnp.mean(t, axis=0, keepdims=True)
    var = jnp.mean((t - mu) ** 2, axis=0, keepdims=True)
    bn = gamma[...] * (t - mu) * lax.rsqrt(var + EPS) + beta[...]
    h = jnp.maximum(bn, 0.0)
    gids = lax.broadcasted_iota(jnp.int32, (NG, N), 0)
    onehot = (gids == batch2d[...]).astype(jnp.float32)
    pooled = jnp.dot(onehot, h, preferred_element_type=jnp.float32)
    out[...] = jnp.dot(pooled, wro[...], preferred_element_type=jnp.float32) + bro[...]


def _final_update(aggp, h_in, root, bias, gamma, beta, batch2d, wro, bro):
    return pl.pallas_call(
        _final_body,
        out_shape=jax.ShapeDtypeStruct((NG, DEMB), jnp.float32),
    )(aggp, h_in, root, bias, gamma, beta, batch2d, wro, bro)


def kernel(x, edge_index, edge_attr, batch, ew1, eb1, ew2, eb2,
           root0, bias0, root1, bias1, gamma0, beta0, gamma1, beta1, Wro, bro):
    eb1r = eb1.reshape(1, HE)
    eb2r = eb2.reshape(1, H * H)
    bias0r = bias0.reshape(1, H)
    bias1r = bias1.reshape(1, H)
    gamma0r = gamma0.reshape(1, H)
    gamma1r = gamma1.reshape(1, H)
    beta0r = beta0.reshape(1, H)
    beta1r = beta1.reshape(1, H)
    bror = bro.reshape(1, DEMB)
    batch2d = batch.reshape(1, N)
    zeros_nh = jnp.zeros((N, H), jnp.float32)
    rep = jnp.repeat(jnp.eye(H, dtype=jnp.bfloat16), H, axis=1)
    fold = jnp.tile(jnp.eye(H, dtype=jnp.float32), (4, 1))
    bd = jax.scipy.linalg.block_diag
    w1b = bd(ew1, ew1, ew1, ew1)
    b1b = jnp.tile(eb1r, (1, 4))
    ew2h = ew2.astype(jnp.bfloat16)
    w2b = bd(ew2h, ew2h, ew2h, ew2h)
    b2m = eb2.reshape(H, H).astype(jnp.bfloat16)
    b2bm = bd(b2m, b2m, b2m, b2m)
    repb = bd(rep, rep, rep, rep)
    foldb = bd(fold, fold, fold, fold)
    eaP = edge_attr.reshape(E4, 128)

    xj0 = _sc_gather(x, edge_index)
    msg0 = _edge_messages(eaP, xj0.reshape(E4, 128),
                          w1b, b1b, w2b, b2bm, repb, foldb).reshape(E, H)
    agg0 = _sc_scatter(msg0, edge_index, zeros_nh)
    h1 = _node_update(agg0, x, root0, bias0r, gamma0r, beta0r)

    xj1 = _sc_gather(h1, edge_index)
    msg1 = _edge_messages(eaP, xj1.reshape(E4, 128),
                          w1b, b1b, w2b, b2bm, repb, foldb).reshape(E, H)
    agg1 = _sc_scatter(msg1, edge_index, zeros_nh)
    return _final_update(agg1, h1, root1, bias1r, gamma1r, beta1r,
                         batch2d, Wro, bror)

# --- scband reference (transcript-rebuilt; emitter-appended) ---
"""Pipeline reference for scband-gnn-14353780704002 (READ-ONLY COPY).

The authoritative reference and input builder live on the scoring server;
editing this copy changes nothing except your own understanding.
"""

import jax, jax.numpy as jnp
import numpy as np

N = 10000
E = 160000
H = 32          # ATOM_FDIM = BOND_FDIM = gnn_dim_hidden (forced equal by NNConv+shared edge_net)
HE = 64         # gnn_dim_hidden_edge
DEMB = 256      # gnn_dim_embed
NG = 64         # number of graphs in the batch
EPS = 1e-5


def setup_inputs(seed: int = 0) -> dict:
    key = jax.random.key(seed)
    ks = jax.random.split(key, 24)
    x = jax.random.normal(ks[0], (N, H), dtype=jnp.float32)
    edge_index = jax.random.randint(ks[1], (2, E), 0, N, dtype=jnp.int32)
    edge_attr = jax.random.normal(ks[2], (E, H), dtype=jnp.float32)
    batch = jnp.sort(jax.random.randint(ks[3], (N,), 0, NG, dtype=jnp.int32))
    s = 0.1
    return {
        "x": x,
        "edge_index": edge_index,
        "edge_attr": edge_attr,
        "batch": batch,
        # shared edge_net MLP: BOND_FDIM -> HE -> BOND_FDIM*H
        "ew1": jax.random.normal(ks[4], (H, HE), dtype=jnp.float32) * s,
        "eb1": jnp.zeros((HE,), dtype=jnp.float32),
        "ew2": jax.random.normal(ks[5], (HE, H * H), dtype=jnp.float32) * s,
        "eb2": jnp.zeros((H * H,), dtype=jnp.float32),
        # NNConv layer 0 root weight + bias
        "root0": jax.random.normal(ks[6], (H, H), dtype=jnp.float32) * s,
        "bias0": jnp.zeros((H,), dtype=jnp.float32),
        # NNConv layer 1 root weight + bias
        "root1": jax.random.normal(ks[7], (H, H), dtype=jnp.float32) * s,
        "bias1": jnp.zeros((H,), dtype=jnp.float32),
        # BatchNorm affine params (track_running_stats=False -> always batch stats)
        "gamma0": jnp.ones((H,), dtype=jnp.float32),
        "beta0": jnp.zeros((H,), dtype=jnp.float32),
        "gamma1": jnp.ones((H,), dtype=jnp.float32),
        "beta1": jnp.zeros((H,), dtype=jnp.float32),
        # readout linear
        "Wro": jax.random.normal(ks[8], (H, DEMB), dtype=jnp.float32) * s,
        "bro": jnp.zeros((DEMB,), dtype=jnp.float32),
    }


def reference(x, edge_index, edge_attr, batch, ew1, eb1, ew2, eb2,
              root0, bias0, root1, bias1, gamma0, beta0, gamma1, beta1, Wro, bro):
    src = edge_index[0]
    dst = edge_index[1]
    n_nodes = x.shape[0]

    def edge_weights():
        h = jax.nn.relu(edge_attr @ ew1 + eb1)
        w = h @ ew2 + eb2
        return w.reshape(edge_attr.shape[0], H, H)

    def nnconv(h_in, Wr, b):
        w = edge_weights()                       # [E, H, H] per-edge weight (shared edge_net)
        x_j = jnp.take(h_in, src, axis=0)        # gather source node features [E, H]
        msg = jnp.einsum('eh,eho->eo', x_j, w)   # per-edge matvec [E, H]
        agg = jax.ops.segment_sum(msg, dst, num_segments=n_nodes)  # scatter-add at dst
        return agg + h_in @ Wr + b               # root weight + bias

    def batchnorm(h, g, bt):
        mu = h.mean(axis=0)
        var = ((h - mu) ** 2).mean(axis=0)
        return g * (h - mu) / jnp.sqrt(var + EPS) + bt

    h = jax.nn.relu(batchnorm(nnconv(x, root0, bias0), gamma0, beta0))
    h = jax.nn.relu(batchnorm(nnconv(h, root1, bias1), gamma1, beta1))
    pooled = jax.ops.segment_sum(h, batch, num_segments=NG)  # global_add_pool
    return pooled @ Wro + bro

if __name__ == "__main__":
    import jax
    _d = setup_inputs()
    print(jax.jit(kernel)(*tuple(_d.values())))

</pallas_src>

<mosaic_0001>
#map = affine_map<(d0, d1) -> (0, 0)>
module attributes {stable_mosaic.version = 14 : i64} {
  func.func @_sc_gather(%arg0: i32, %arg1: i32, %arg2: memref<10000x32xf32, #tpu.memory_space<hbm>>, %arg3: memref<2x160000xi32, #tpu.memory_space<hbm>>, %arg4: memref<160000x32xf32, #tpu.memory_space<hbm>>, %arg5: memref<1000xi32, #tpu.memory_space<vmem>>, %arg6: memref<1000xi32, #tpu.memory_space<vmem>>, %arg7: memref<1000x32xf32, #tpu.memory_space<vmem>>, %arg8: memref<1000x32xf32, #tpu.memory_space<vmem>>, %arg9: memref<!tpu.dma_semaphore, #tpu.memory_space<semaphore_mem>>, %arg10: memref<!tpu.dma_semaphore, #tpu.memory_space<semaphore_mem>>) attributes {dimension_semantics = [#tpu.dimension_semantics<core_parallel>, #tpu.dimension_semantics<subcore_parallel>], iteration_bounds = array<i64: 2, 16>, scalar_prefetch = 0 : i64, scratch_operands = 6 : i64, tpu.core_type = #tpu.core_type<sc_vector_subcore>, window_params = [{transform_indices = #map}, {transform_indices = #map}, {transform_indices = #map}]} {
    %mul3A = arith.constant 16 : i32
    %mul3A_0 = arith.muli %arg0, %mul3A : i32
    %add3A = arith.addi %mul3A_0, %arg1 : i32
    %mul3A_1 = arith.constant 5000 : i32
    %mul3A_2 = arith.muli %add3A, %mul3A_1 : i32
    %add3A_3 = arith.constant 0 : i32
    %add3A_4 = arith.addi %mul3A_2, %add3A_3 : i32
    %multiple_of3A = tpu.assume_multiple %add3A_4, 8 : i32
    %run_scoped3A = arith.constant 0 : i32
    "tpu.region"() ({
      %run_scoped3A_57 = tpu.sem_alloc : memref<!tpu.dma_semaphore, #tpu.memory_space<semaphore_mem>>
      %dma_start3A_58 = tpu.memref_slice %arg3[%run_scoped3A, %multiple_of3A] : memref<2x160000xi32, #tpu.memory_space<hbm>> -> memref<1x1000xi32, #tpu.memory_space<hbm>>
      %dma_start3A_59 = tpu.memref_squeeze %dma_start3A_58 : memref<1x1000xi32, #tpu.memory_space<hbm>> -> memref<1000xi32, #tpu.memory_space<hbm>>
      %dma_start3A_60 = tpu.memref_slice %arg3[%run_scoped3A, %multiple_of3A] : memref<2x160000xi32, #tpu.memory_space<hbm>> -> memref<1x1000xi32, #tpu.memory_space<hbm>>
      %dma_start3A_61 = tpu.memref_squeeze %dma_start3A_60 : memref<1x1000xi32, #tpu.memory_space<hbm>> -> memref<1000xi32, #tpu.memory_space<hbm>>
      tpu.enqueue_dma source(%dma_start3A_61 : memref<1000xi32, #tpu.memory_space<hbm>>) target(%arg5 : memref<1000xi32, #tpu.memory_space<vmem>>) target_semaphore(%run_scoped3A_57 : memref<!tpu.dma_semaphore, #tpu.memory_space<semaphore_mem>>)
      %dma_wait3A_62 = tpu.memref_slice %arg3[%run_scoped3A, %multiple_of3A] : memref<2x160000xi32, #tpu.memory_space<hbm>> -> memref<1x1000xi32, #tpu.memory_space<hbm>>
      %dma_wait3A_63 = tpu.memref_squeeze %dma_wait3A_62 : memref<1x1000xi32, #tpu.memory_space<hbm>> -> memref<1000xi32, #tpu.memory_space<hbm>>
      %dma_wait3A_64 = tpu.memref_slice %arg3[%run_scoped3A, %multiple_of3A] : memref<2x160000xi32, #tpu.memory_space<hbm>> -> memref<1x1000xi32, #tpu.memory_space<hbm>>
      %dma_wait3A_65 = tpu.memref_squeeze %dma_wait3A_64 : memref<1x1000xi32, #tpu.memory_space<hbm>> -> memref<1000xi32, #tpu.memory_space<hbm>>
      tpu.wait_dma2 semaphore(%run_scoped3A_57 : memref<!tpu.dma_semaphore, #tpu.memory_space<semaphore_mem>>) src(%dma_wait3A_65 : memref<1000xi32, #tpu.memory_space<hbm>>) dst(%arg5 : memref<1000xi32, #tpu.memory_space<vmem>>)
      tpu.yield
    }) : () -> ()
    %dma_start3A = arith.constant 0 : i32
    %dma_start3A_5 = arith.constant 0 : i32
    %dma_start3A_6 = tpu.memref_slice %arg2[%dma_start3A, %dma_start3A_5] : memref<10000x32xf32, #tpu.memory_space<hbm>> -> memref<10000x32xf32, #tpu.memory_space<hbm>>
    tpu.enqueue_indirect_dma source(%dma_start3A_6 : memref<10000x32xf32, #tpu.memory_space<hbm>>) target(%arg7 : memref<1000x32xf32, #tpu.memory_space<vmem>>) offsets(%arg5 : memref<1000xi32, #tpu.memory_space<vmem>>) semaphore(%arg9 : memref<!tpu.dma_semaphore, #tpu.memory_space<semaphore_mem>>)
    %mul3A_7 = arith.constant 5000 : i32
    %mul3A_8 = arith.muli %add3A, %mul3A_7 : i32
    %add3A_9 = arith.constant 1000 : i32
    %add3A_10 = arith.addi %mul3A_8, %add3A_9 : i32
    %multiple_of3A_11 = tpu.assume_multiple %add3A_10, 8 : i32
    %run_scoped3A_12 = arith.constant 0 : i32
    "tpu.region"() ({
      %run_scoped3A_57 = tpu.sem_alloc : memref<!tpu.dma_semaphore, #tpu.memory_space<semaphore_mem>>
      %dma_start3A_58 = tpu.memref_slice %arg3[%run_scoped3A_12, %multiple_of3A_11] : memref<2x160000xi32, #tpu.memory_space<hbm>> -> memref<1x1000xi32, #tpu.memory_space<hbm>>
      %dma_start3A_59 = tpu.memref_squeeze %dma_start3A_58 : memref<1x1000xi32, #tpu.memory_space<hbm>> -> memref<1000xi32, #tpu.memory_space<hbm>>
      %dma_start3A_60 = tpu.memref_slice %arg3[%run_scoped3A_12, %multiple_of3A_11] : memref<2x160000xi32, #tpu.memory_space<hbm>> -> memref<1x1000xi32, #tpu.memory_space<hbm>>
      %dma_start3A_61 = tpu.memref_squeeze %dma_start3A_60 : memref<1x1000xi32, #tpu.memory_space<hbm>> -> memref<1000xi32, #tpu.memory_space<hbm>>
      tpu.enqueue_dma source(%dma_start3A_61 : memref<1000xi32, #tpu.memory_space<hbm>>) target(%arg6 : memref<1000xi32, #tpu.memory_space<vmem>>) target_semaphore(%run_scoped3A_57 : memref<!tpu.dma_semaphore, #tpu.memory_space<semaphore_mem>>)
      %dma_wait3A_62 = tpu.memref_slice %arg3[%run_scoped3A_12, %multiple_of3A_11] : memref<2x160000xi32, #tpu.memory_space<hbm>> -> memref<1x1000xi32, #tpu.memory_space<hbm>>
      %dma_wait3A_63 = tpu.memref_squeeze %dma_wait3A_62 : memref<1x1000xi32, #tpu.memory_space<hbm>> -> memref<1000xi32, #tpu.memory_space<hbm>>
      %dma_wait3A_64 = tpu.memref_slice %arg3[%run_scoped3A_12, %multiple_of3A_11] : memref<2x160000xi32, #tpu.memory_space<hbm>> -> memref<1x1000xi32, #tpu.memory_space<hbm>>
      %dma_wait3A_65 = tpu.memref_squeeze %dma_wait3A_64 : memref<1x1000xi32, #tpu.memory_space<hbm>> -> memref<1000xi32, #tpu.memory_space<hbm>>
      tpu.wait_dma2 semaphore(%run_scoped3A_57 : memref<!tpu.dma_semaphore, #tpu.memory_space<semaphore_mem>>) src(%dma_wait3A_65 : memref<1000xi32, #tpu.memory_space<hbm>>) dst(%arg6 : memref<1000xi32, #tpu.memory_space<vmem>>)
      tpu.yield
    }) : () -> ()
    %dma_start3A_13 = arith.constant 0 : i32
    %dma_start3A_14 = arith.constant 0 : i32
    %dma_start3A_15 = tpu.memref_slice %arg2[%dma_start3A_13, %dma_start3A_14] : memref<10000x32xf32, #tpu.memory_space<hbm>> -> memref<10000x32xf32, #tpu.memory_space<hbm>>
    tpu.enqueue_indirect_dma source(%dma_start3A_15 : memref<10000x32xf32, #tpu.memory_space<hbm>>) target(%arg8 : memref<1000x32xf32, #tpu.memory_space<vmem>>) offsets(%arg6 : memref<1000xi32, #tpu.memory_space<vmem>>) semaphore(%arg10 : memref<!tpu.dma_semaphore, #tpu.memory_space<semaphore_mem>>)
    %dma_wait3A = arith.constant 0 : i32
    %dma_wait3A_16 = arith.constant 0 : i32
    %dma_wait3A_17 = tpu.memref_slice %arg2[%dma_wait3A, %dma_wait3A_16] : memref<10000x32xf32, #tpu.memory_space<hbm>> -> memref<10000x32xf32, #tpu.memory_space<hbm>>
    tpu.wait_indirect_dma semaphore(%arg9 : memref<!tpu.dma_semaphore, #tpu.memory_space<semaphore_mem>>) src(%dma_wait3A_17 : memref<10000x32xf32, #tpu.memory_space<hbm>>) dst(%arg7 : memref<1000x32xf32, #tpu.memory_space<vmem>>)
    "tpu.region"() ({
      %run_scoped3A_57 = tpu.sem_alloc : memref<!tpu.dma_semaphore, #tpu.memory_space<semaphore_mem>>
      %dma_start3A_58 = arith.constant 0 : i32
      %dma_start3A_59 = tpu.memref_slice %arg4[%multiple_of3A, %dma_start3A_58] : memref<160000x32xf32, #tpu.memory_space<hbm>> -> memref<1000x32xf32, #tpu.memory_space<hbm>>
      %dma_start3A_60 = arith.constant 0 : i32
      %dma_start3A_61 = tpu.memref_slice %arg4[%multiple_of3A, %dma_start3A_60] : memref<160000x32xf32, #tpu.memory_space<hbm>> -> memref<1000x32xf32, #tpu.memory_space<hbm>>
      tpu.enqueue_dma source(%arg7 : memref<1000x32xf32, #tpu.memory_space<vmem>>) target(%dma_start3A_61 : memref<1000x32xf32, #tpu.memory_space<hbm>>) target_semaphore(%run_scoped3A_57 : memref<!tpu.dma_semaphore, #tpu.memory_space<semaphore_mem>>)
      %dma_wait3A_62 = arith.constant 0 : i32
      %dma_wait3A_63 = tpu.memref_slice %arg4[%multiple_of3A, %dma_wait3A_62] : memref<160000x32xf32, #tpu.memory_space<hbm>> -> memref<1000x32xf32, #tpu.memory_space<hbm>>
      %dma_wait3A_64 = arith.constant 0 : i32
      %dma_wait3A_65 = tpu.memref_slice %arg4[%multiple_of3A, %dma_wait3A_64] : memref<160000x32xf32, #tpu.memory_space<hbm>> -> memref<1000x32xf32, #tpu.memory_space<hbm>>
      tpu.wait_dma2 semaphore(%run_scoped3A_57 : memref<!tpu.dma_semaphore, #tpu.memory_space<semaphore_mem>>) src(%arg7 : memref<1000x32xf32, #tpu.memory_space<vmem>>) dst(%dma_wait3A_65 : memref<1000x32xf32, #tpu.memory_space<hbm>>)
      tpu.yield
    }) : () -> ()
    %mul3A_18 = arith.constant 5000 : i32
    %mul3A_19 = arith.muli %add3A, %mul3A_18 : i32
    %add3A_20 = arith.constant 2000 : i32
    %add3A_21 = arith.addi %mul3A_19, %add3A_20 : i32
    %multiple_of3A_22 = tpu.assume_multiple %add3A_21, 8 : i32
    %run_scoped3A_23 = arith.constant 0 : i32
    "tpu.region"() ({
      %run_scoped3A_57 = tpu.sem_alloc : memref<!tpu.dma_semaphore, #tpu.memory_space<semaphore_mem>>
      %dma_start3A_58 = tpu.memref_slice %arg3[%run_scoped3A_23, %multiple_of3A_22] : memref<2x160000xi32, #tpu.memory_space<hbm>> -> memref<1x1000xi32, #tpu.memory_space<hbm>>
      %dma_start3A_59 = tpu.memref_squeeze %dma_start3A_58 : memref<1x1000xi32, #tpu.memory_space<hbm>> -> memref<1000xi32, #tpu.memory_space<hbm>>
      %dma_start3A_60 = tpu.memref_slice %arg3[%run_scoped3A_23, %multiple_of3A_22] : memref<2x160000xi32, #tpu.memory_space<hbm>> -> memref<1x1000xi32, #tpu.memory_space<hbm>>
      %dma_start3A_61 = tpu.memref_squeeze %dma_start3A_60 : memref<1x1000xi32, #tpu.memory_space<hbm>> -> memref<1000xi32, #tpu.memory_space<hbm>>
      tpu.enqueue_dma source(%dma_start3A_61 : memref<1000xi32, #tpu.memory_space<hbm>>) target(%arg5 : memref<1000xi32, #tpu.memory_space<vmem>>) target_semaphore(%run_scoped3A_57 : memref<!tpu.dma_semaphore, #tpu.memory_space<semaphore_mem>>)
      %dma_wait3A_62 = tpu.memref_slice %arg3[%run_scoped3A_23, %multiple_of3A_22] : memref<2x160000xi32, #tpu.memory_space<hbm>> -> memref<1x1000xi32, #tpu.memory_space<hbm>>
      %dma_wait3A_63 = tpu.memref_squeeze %dma_wait3A_62 : memref<1x1000xi32, #tpu.memory_space<hbm>> -> memref<1000xi32, #tpu.memory_space<hbm>>
      %dma_wait3A_64 = tpu.memref_slice %arg3[%run_scoped3A_23, %multiple_of3A_22] : memref<2x160000xi32, #tpu.memory_space<hbm>> -> memref<1x1000xi32, #tpu.memory_space<hbm>>
      %dma_wait3A_65 = tpu.memref_squeeze %dma_wait3A_64 : memref<1x1000xi32, #tpu.memory_space<hbm>> -> memref<1000xi32, #tpu.memory_space<hbm>>
      tpu.wait_dma2 semaphore(%run_scoped3A_57 : memref<!tpu.dma_semaphore, #tpu.memory_space<semaphore_mem>>) src(%dma_wait3A_65 : memref<1000xi32, #tpu.memory_space<hbm>>) dst(%arg5 : memref<1000xi32, #tpu.memory_space<vmem>>)
      tpu.yield
    }) : () -> ()
    %dma_start3A_24 = arith.constant 0 : i32
    %dma_start3A_25 = arith.constant 0 : i32
    %dma_start3A_26 = tpu.memref_slice %arg2[%dma_start3A_24, %dma_start3A_25] : memref<10000x32xf32, #tpu.memory_space<hbm>> -> memref<10000x32xf32, #tpu.memory_space<hbm>>
    tpu.enqueue_indirect_dma source(%dma_start3A_26 : memref<10000x32xf32, #tpu.memory_space<hbm>>) target(%arg7 : memref<1000x32xf32, #tpu.memory_space<vmem>>) offsets(%arg5 : memref<1000xi32, #tpu.memory_space<vmem>>) semaphore(%arg9 : memref<!tpu.dma_semaphore, #tpu.memory_space<semaphore_mem>>)
    %dma_wait3A_27 = arith.constant 0 : i32
    %dma_wait3A_28 = arith.constant 0 : i32
    %dma_wait3A_29 = tpu.memref_slice %arg2[%dma_wait3A_27, %dma_wait3A_28] : memref<10000x32xf32, #tpu.memory_space<hbm>> -> memref<10000x32xf32, #tpu.memory_space<hbm>>
    tpu.wait_indirect_dma semaphore(%arg10 : memref<!tpu.dma_semaphore, #tpu.memory_space<semaphore_mem>>) src(%dma_wait3A_29 : memref<10000x32xf32, #tpu.memory_space<hbm>>) dst(%arg8 : memref<1000x32xf32, #tpu.memory_space<vmem>>)
    "tpu.region"() ({
      %run_scoped3A_57 = tpu.sem_alloc : memref<!tpu.dma_semaphore, #tpu.memory_space<semaphore_mem>>
      %dma_start3A_58 = arith.constant 0 : i32
      %dma_start3A_59 = tpu.memref_slice %arg4[%multiple_of3A_11, %dma_start3A_58] : memref<160000x32xf32, #tpu.memory_space<hbm>> -> memref<1000x32xf32, #tpu.memory_space<hbm>>
      %dma_start3A_60 = arith.constant 0 : i32
      %dma_start3A_61 = tpu.memref_slice %arg4[%multiple_of3A_11, %dma_start3A_60] : memref<160000x32xf32, #tpu.memory_space<hbm>> -> memref<1000x32xf32, #tpu.memory_space<hbm>>
      tpu.enqueue_dma source(%arg8 : memref<1000x32xf32, #tpu.memory_space<vmem>>) target(%dma_start3A_61 : memref<1000x32xf32, #tpu.memory_space<hbm>>) target_semaphore(%run_scoped3A_57 : memref<!tpu.dma_semaphore, #tpu.memory_space<semaphore_mem>>)
      %dma_wait3A_62 = arith.constant 0 : i32
      %dma_wait3A_63 = tpu.memref_slice %arg4[%multiple_of3A_11, %dma_wait3A_62] : memref<160000x32xf32, #tpu.memory_space<hbm>> -> memref<1000x32xf32, #tpu.memory_space<hbm>>
      %dma_wait3A_64 = arith.constant 0 : i32
      %dma_wait3A_65 = tpu.memref_slice %arg4[%multiple_of3A_11, %dma_wait3A_64] : memref<160000x32xf32, #tpu.memory_space<hbm>> -> memref<1000x32xf32, #tpu.memory_space<hbm>>
      tpu.wait_dma2 semaphore(%run_scoped3A_57 : memref<!tpu.dma_semaphore, #tpu.memory_space<semaphore_mem>>) src(%arg8 : memref<1000x32xf32, #tpu.memory_space<vmem>>) dst(%dma_wait3A_65 : memref<1000x32xf32, #tpu.memory_space<hbm>>)
      tpu.yield
    }) : () -> ()
    %mul3A_30 = arith.constant 5000 : i32
    %mul3A_31 = arith.muli %add3A, %mul3A_30 : i32
    %add3A_32 = arith.constant 3000 : i32
    %add3A_33 = arith.addi %mul3A_31, %add3A_32 : i32
    %multiple_of3A_34 = tpu.assume_multiple %add3A_33, 8 : i32
    %run_scoped3A_35 = arith.constant 0 : i32
    "tpu.region"() ({
      %run_scoped3A_57 = tpu.sem_alloc : memref<!tpu.dma_semaphore, #tpu.memory_space<semaphore_mem>>
      %dma_start3A_58 = tpu.memref_slice %arg3[%run_scoped3A_35, %multiple_of3A_34] : memref<2x160000xi32, #tpu.memory_space<hbm>> -> memref<1x1000xi32, #tpu.memory_space<hbm>>
      %dma_start3A_59 = tpu.memref_squeeze %dma_start3A_58 : memref<1x1000xi32, #tpu.memory_space<hbm>> -> memref<1000xi32, #tpu.memory_space<hbm>>
      %dma_start3A_60 = tpu.memref_slice %arg3[%run_scoped3A_35, %multiple_of3A_34] : memref<2x160000xi32, #tpu.memory_space<hbm>> -> memref<1x1000xi32, #tpu.memory_space<hbm>>
      %dma_start3A_61 = tpu.memref_squeeze %dma_start3A_60 : memref<1x1000xi32, #tpu.memory_space<hbm>> -> memref<1000xi32, #tpu.memory_space<hbm>>
      tpu.enqueue_dma source(%dma_start3A_61 : memref<1000xi32, #tpu.memory_space<hbm>>) target(%arg6 : memref<1000xi32, #tpu.memory_space<vmem>>) target_semaphore(%run_scoped3A_57 : memref<!tpu.dma_semaphore, #tpu.memory_space<semaphore_mem>>)
      %dma_wait3A_62 = tpu.memref_slice %arg3[%run_scoped3A_35, %multiple_of3A_34] : memref<2x160000xi32, #tpu.memory_space<hbm>> -> memref<1x1000xi32, #tpu.memory_space<hbm>>
      %dma_wait3A_63 = tpu.memref_squeeze %dma_wait3A_62 : memref<1x1000xi32, #tpu.memory_space<hbm>> -> memref<1000xi32, #tpu.memory_space<hbm>>
      %dma_wait3A_64 = tpu.memref_slice %arg3[%run_scoped3A_35, %multiple_of3A_34] : memref<2x160000xi32, #tpu.memory_space<hbm>> -> memref<1x1000xi32, #tpu.memory_space<hbm>>
      %dma_wait3A_65 = tpu.memref_squeeze %dma_wait3A_64 : memref<1x1000xi32, #tpu.memory_space<hbm>> -> memref<1000xi32, #tpu.memory_space<hbm>>
      tpu.wait_dma2 semaphore(%run_scoped3A_57 : memref<!tpu.dma_semaphore, #tpu.memory_space<semaphore_mem>>) src(%dma_wait3A_65 : memref<1000xi32, #tpu.memory_space<hbm>>) dst(%arg6 : memref<1000xi32, #tpu.memory_space<vmem>>)
      tpu.yield
    }) : () -> ()
    %dma_start3A_36 = arith.constant 0 : i32
    %dma_start3A_37 = arith.constant 0 : i32
    %dma_start3A_38 = tpu.memref_slice %arg2[%dma_start3A_36, %dma_start3A_37] : memref<10000x32xf32, #tpu.memory_space<hbm>> -> memref<10000x32xf32, #tpu.memory_space<hbm>>
    tpu.enqueue_indirect_dma source(%dma_start3A_38 : memref<10000x32xf32, #tpu.memory_space<hbm>>) target(%arg8 : memref<1000x32xf32, #tpu.memory_space<vmem>>) offsets(%arg6 : memref<1000xi32, #tpu.memory_space<vmem>>) semaphore(%arg10 : memref<!tpu.dma_semaphore, #tpu.memory_space<semaphore_mem>>)
    %dma_wait3A_39 = arith.constant 0 : i32
    %dma_wait3A_40 = arith.constant 0 : i32
    %dma_wait3A_41 = tpu.memref_slice %arg2[%dma_wait3A_39, %dma_wait3A_40] : memref<10000x32xf32, #tpu.memory_space<hbm>> -> memref<10000x32xf32, #tpu.memory_space<hbm>>
    tpu.wait_indirect_dma semaphore(%arg9 : memref<!tpu.dma_semaphore, #tpu.memory_space<semaphore_mem>>) src(%dma_wait3A_41 : memref<10000x32xf32, #tpu.memory_space<hbm>>) dst(%arg7 : memref<1000x32xf32, #tpu.memory_space<vmem>>)
    "tpu.region"() ({
      %run_scoped3A_57 = tpu.sem_alloc : memref<!tpu.dma_semaphore, #tpu.memory_space<semaphore_mem>>
      %dma_start3A_58 = arith.constant 0 : i32
      %dma_start3A_59 = tpu.memref_slice %arg4[%multiple_of3A_22, %dma_start3A_58] : memref<160000x32xf32, #tpu.memory_space<hbm>> -> memref<1000x32xf32, #tpu.memory_space<hbm>>
      %dma_start3A_60 = arith.constant 0 : i32
      %dma_start3A_61 = tpu.memref_slice %arg4[%multiple_of3A_22, %dma_start3A_60] : memref<160000x32xf32, #tpu.memory_space<hbm>> -> memref<1000x32xf32, #tpu.memory_space<hbm>>
      tpu.enqueue_dma source(%arg7 : memref<1000x32xf32, #tpu.memory_space<vmem>>) target(%dma_start3A_61 : memref<1000x32xf32, #tpu.memory_space<hbm>>) target_semaphore(%run_scoped3A_57 : memref<!tpu.dma_semaphore, #tpu.memory_space<semaphore_mem>>)
      %dma_wait3A_62 = arith.constant 0 : i32
      %dma_wait3A_63 = tpu.memref_slice %arg4[%multiple_of3A_22, %dma_wait3A_62] : memref<160000x32xf32, #tpu.memory_space<hbm>> -> memref<1000x32xf32, #tpu.memory_space<hbm>>
      %dma_wait3A_64 = arith.constant 0 : i32
      %dma_wait3A_65 = tpu.memref_slice %arg4[%multiple_of3A_22, %dma_wait3A_64] : memref<160000x32xf32, #tpu.memory_space<hbm>> -> memref<1000x32xf32, #tpu.memory_space<hbm>>
      tpu.wait_dma2 semaphore(%run_scoped3A_57 : memref<!tpu.dma_semaphore, #tpu.memory_space<semaphore_mem>>) src(%arg7 : memref<1000x32xf32, #tpu.memory_space<vmem>>) dst(%dma_wait3A_65 : memref<1000x32xf32, #tpu.memory_space<hbm>>)
      tpu.yield
    }) : () -> ()
    %mul3A_42 = arith.constant 5000 : i32
    %mul3A_43 = arith.muli %add3A, %mul3A_42 : i32
    %add3A_44 = arith.constant 4000 : i32
    %add3A_45 = arith.addi %mul3A_43, %add3A_44 : i32
    %multiple_of3A_46 = tpu.assume_multiple %add3A_45, 8 : i32
    %run_scoped3A_47 = arith.constant 0 : i32
    "tpu.region"() ({
      %run_scoped3A_57 = tpu.sem_alloc : memref<!tpu.dma_semaphore, #tpu.memory_space<semaphore_mem>>
      %dma_start3A_58 = tpu.memref_slice %arg3[%run_scoped3A_47, %multiple_of3A_46] : memref<2x160000xi32, #tpu.memory_space<hbm>> -> memref<1x1000xi32, #tpu.memory_space<hbm>>
      %dma_start3A_59 = tpu.memref_squeeze %dma_start3A_58 : memref<1x1000xi32, #tpu.memory_space<hbm>> -> memref<1000xi32, #tpu.memory_space<hbm>>
      %dma_start3A_60 = tpu.memref_slice %arg3[%run_scoped3A_47, %multiple_of3A_46] : memref<2x160000xi32, #tpu.memory_space<hbm>> -> memref<1x1000xi32, #tpu.memory_space<hbm>>
      %dma_start3A_61 = tpu.memref_squeeze %dma_start3A_60 : memref<1x1000xi32, #tpu.memory_space<hbm>> -> memref<1000xi32, #tpu.memory_space<hbm>>
      tpu.enqueue_dma source(%dma_start3A_61 : memref<1000xi32, #tpu.memory_space<hbm>>) target(%arg5 : memref<1000xi32, #tpu.memory_space<vmem>>) target_semaphore(%run_scoped3A_57 : memref<!tpu.dma_semaphore, #tpu.memory_space<semaphore_mem>>)
      %dma_wait3A_62 = tpu.memref_slice %arg3[%run_scoped3A_47, %multiple_of3A_46] : memref<2x160000xi32, #tpu.memory_space<hbm>> -> memref<1x1000xi32, #tpu.memory_space<hbm>>
      %dma_wait3A_63 = tpu.memref_squeeze %dma_wait3A_62 : memref<1x1000xi32, #tpu.memory_space<hbm>> -> memref<1000xi32, #tpu.memory_space<hbm>>
      %dma_wait3A_64 = tpu.memref_slice %arg3[%run_scoped3A_47, %multiple_of3A_46] : memref<2x160000xi32, #tpu.memory_space<hbm>> -> memref<1x1000xi32, #tpu.memory_space<hbm>>
      %dma_wait3A_65 = tpu.memref_squeeze %dma_wait3A_64 : memref<1x1000xi32, #tpu.memory_space<hbm>> -> memref<1000xi32, #tpu.memory_space<hbm>>
      tpu.wait_dma2 semaphore(%run_scoped3A_57 : memref<!tpu.dma_semaphore, #tpu.memory_space<semaphore_mem>>) src(%dma_wait3A_65 : memref<1000xi32, #tpu.memory_space<hbm>>) dst(%arg5 : memref<1000xi32, #tpu.memory_space<vmem>>)
      tpu.yield
    }) : () -> ()
    %dma_start3A_48 = arith.constant 0 : i32
    %dma_start3A_49 = arith.constant 0 : i32
    %dma_start3A_50 = tpu.memref_slice %arg2[%dma_start3A_48, %dma_start3A_49] : memref<10000x32xf32, #tpu.memory_space<hbm>> -> memref<10000x32xf32, #tpu.memory_space<hbm>>
    tpu.enqueue_indirect_dma source(%dma_start3A_50 : memref<10000x32xf32, #tpu.memory_space<hbm>>) target(%arg7 : memref<1000x32xf32, #tpu.memory_space<vmem>>) offsets(%arg5 : memref<1000xi32, #tpu.memory_space<vmem>>) semaphore(%arg9 : memref<!tpu.dma_semaphore, #tpu.memory_space<semaphore_mem>>)
    %dma_wait3A_51 = arith.constant 0 : i32
    %dma_wait3A_52 = arith.constant 0 : i32
    %dma_wait3A_53 = tpu.memref_slice %arg2[%dma_wait3A_51, %dma_wait3A_52] : memref<10000x32xf32, #tpu.memory_space<hbm>> -> memref<10000x32xf32, #tpu.memory_space<hbm>>
    tpu.wait_indirect_dma semaphore(%arg9 : memref<!tpu.dma_semaphore, #tpu.memory_space<semaphore_mem>>) src(%dma_wait3A_53 : memref<10000x32xf32, #tpu.memory_space<hbm>>) dst(%arg7 : memref<1000x32xf32, #tpu.memory_space<vmem>>)
    "tpu.region"() ({
      %run_scoped3A_57 = tpu.sem_alloc : memref<!tpu.dma_semaphore, #tpu.memory_space<semaphore_mem>>
      %dma_start3A_58 = arith.constant 0 : i32
      %dma_start3A_59 = tpu.memref_slice %arg4[%multiple_of3A_46, %dma_start3A_58] : memref<160000x32xf32, #tpu.memory_space<hbm>> -> memref<1000x32xf32, #tpu.memory_space<hbm>>
      %dma_start3A_60 = arith.constant 0 : i32
      %dma_start3A_61 = tpu.memref_slice %arg4[%multiple_of3A_46, %dma_start3A_60] : memref<160000x32xf32, #tpu.memory_space<hbm>> -> memref<1000x32xf32, #tpu.memory_space<hbm>>
      tpu.enqueue_dma source(%arg7 : memref<1000x32xf32, #tpu.memory_space<vmem>>) target(%dma_start3A_61 : memref<1000x32xf32, #tpu.memory_space<hbm>>) target_semaphore(%run_scoped3A_57 : memref<!tpu.dma_semaphore, #tpu.memory_space<semaphore_mem>>)
      %dma_wait3A_62 = arith.constant 0 : i32
      %dma_wait3A_63 = tpu.memref_slice %arg4[%multiple_of3A_46, %dma_wait3A_62] : memref<160000x32xf32, #tpu.memory_space<hbm>> -> memref<1000x32xf32, #tpu.memory_space<hbm>>
      %dma_wait3A_64 = arith.constant 0 : i32
      %dma_wait3A_65 = tpu.memref_slice %arg4[%multiple_of3A_46, %dma_wait3A_64] : memref<160000x32xf32, #tpu.memory_space<hbm>> -> memref<1000x32xf32, #tpu.memory_space<hbm>>
      tpu.wait_dma2 semaphore(%run_scoped3A_57 : memref<!tpu.dma_semaphore, #tpu.memory_space<semaphore_mem>>) src(%arg7 : memref<1000x32xf32, #tpu.memory_space<vmem>>) dst(%dma_wait3A_65 : memref<1000x32xf32, #tpu.memory_space<hbm>>)
      tpu.yield
    }) : () -> ()
    %dma_wait3A_54 = arith.constant 0 : i32
    %dma_wait3A_55 = arith.constant 0 : i32
    %dma_wait3A_56 = tpu.memref_slice %arg2[%dma_wait3A_54, %dma_wait3A_55] : memref<10000x32xf32, #tpu.memory_space<hbm>> -> memref<10000x32xf32, #tpu.memory_space<hbm>>
    tpu.wait_indirect_dma semaphore(%arg10 : memref<!tpu.dma_semaphore, #tpu.memory_space<semaphore_mem>>) src(%dma_wait3A_56 : memref<10000x32xf32, #tpu.memory_space<hbm>>) dst(%arg8 : memref<1000x32xf32, #tpu.memory_space<vmem>>)
    "tpu.region"() ({
      %run_scoped3A_57 = tpu.sem_alloc : memref<!tpu.dma_semaphore, #tpu.memory_space<semaphore_mem>>
      %dma_start3A_58 = arith.constant 0 : i32
      %dma_start3A_59 = tpu.memref_slice %arg4[%multiple_of3A_34, %dma_start3A_58] : memref<160000x32xf32, #tpu.memory_space<hbm>> -> memref<1000x32xf32, #tpu.memory_space<hbm>>
      %dma_start3A_60 = arith.constant 0 : i32
      %dma_start3A_61 = tpu.memref_slice %arg4[%multiple_of3A_34, %dma_start3A_60] : memref<160000x32xf32, #tpu.memory_space<hbm>> -> memref<1000x32xf32, #tpu.memory_space<hbm>>
      tpu.enqueue_dma source(%arg8 : memref<1000x32xf32, #tpu.memory_space<vmem>>) target(%dma_start3A_61 : memref<1000x32xf32, #tpu.memory_space<hbm>>) target_semaphore(%run_scoped3A_57 : memref<!tpu.dma_semaphore, #tpu.memory_space<semaphore_mem>>)
      %dma_wait3A_62 = arith.constant 0 : i32
      %dma_wait3A_63 = tpu.memref_slice %arg4[%multiple_of3A_34, %dma_wait3A_62] : memref<160000x32xf32, #tpu.memory_space<hbm>> -> memref<1000x32xf32, #tpu.memory_space<hbm>>
      %dma_wait3A_64 = arith.constant 0 : i32
      %dma_wait3A_65 = tpu.memref_slice %arg4[%multiple_of3A_34, %dma_wait3A_64] : memref<160000x32xf32, #tpu.memory_space<hbm>> -> memref<1000x32xf32, #tpu.memory_space<hbm>>
      tpu.wait_dma2 semaphore(%run_scoped3A_57 : memref<!tpu.dma_semaphore, #tpu.memory_space<semaphore_mem>>) src(%arg8 : memref<1000x32xf32, #tpu.memory_space<vmem>>) dst(%dma_wait3A_65 : memref<1000x32xf32, #tpu.memory_space<hbm>>)
      tpu.yield
    }) : () -> ()
    return
  }
}

#map = affine_map<(d0, d1) -> (0, 0)>
#map1 = affine_map<(d0, d1) -> (0, 0, 0)>
module attributes {stable_mosaic.version = 14 : i64} {
  func.func @_sc_scatter(%arg0: i32, %arg1: i32, %arg2: memref<160000x32xf32, #tpu.memory_space<hbm>>, %arg3: memref<2x160000xi32, #tpu.memory_space<hbm>>, %arg4: memref<10000x32xf32, #tpu.memory_space<hbm>>, %arg5: memref<2x10000x32xf32, #tpu.memory_space<hbm>>, %arg6: memref<1000xi32, #tpu.memory_space<vmem>>, %arg7: memref<1000xi32, #tpu.memory_space<vmem>>, %arg8: memref<1000x32xf32, #tpu.memory_space<vmem>>, %arg9: memref<1000x32xf32, #tpu.memory_space<vmem>>, %arg10: memref<10000x32xf32, #tpu.memory_space<vmem_shared>>, %arg11: memref<!tpu.dma_semaphore, #tpu.memory_space<semaphore_mem>>, %arg12: memref<!tpu.dma_semaphore, #tpu.memory_space<semaphore_mem>>, %arg13: memref<!tpu.dma_semaphore, #tpu.memory_space<semaphore_mem>>, %arg14: memref<!tpu.dma_semaphore, #tpu.memory_space<semaphore_mem>>) attributes {dimension_semantics = [#tpu.dimension_semantics<core_parallel>, #tpu.dimension_semantics<subcore_parallel>], iteration_bounds = array<i64: 2, 16>, scalar_prefetch = 0 : i64, scratch_operands = 9 : i64, tpu.core_type = #tpu.core_type<sc_vector_subcore>, window_params = [{transform_indices = #map}, {transform_indices = #map}, {transform_indices = #map}, {transform_indices = #map1}]} {
    %mul3A = arith.constant 16 : i32
    %mul3A_0 = arith.muli %arg0, %mul3A : i32
    %add3A = arith.addi %mul3A_0, %arg1 : i32
    %mul3A_1 = arith.constant 625 : i32
    %mul3A_2 = arith.muli %arg1, %mul3A_1 : i32
    %mul3A_3 = arith.constant 5000 : i32
    %mul3A_4 = arith.muli %add3A, %mul3A_3 : i32
    %add3A_5 = arith.constant 0 : i32
    %add3A_6 = arith.addi %mul3A_4, %add3A_5 : i32
    %multiple_of3A = tpu.assume_multiple %add3A_6, 8 : i32
    %dma_start3A = arith.constant 1 : i32
    %dma_start3A_7 = tpu.memref_slice %arg3[%dma_start3A, %multiple_of3A] : memref<2x160000xi32, #tpu.memory_space<hbm>> -> memref<1x1000xi32, #tpu.memory_space<hbm>>
    %dma_start3A_8 = tpu.memref_squeeze %dma_start3A_7 : memref<1x1000xi32, #tpu.memory_space<hbm>> -> memref<1000xi32, #tpu.memory_space<hbm>>
    %dma_start3A_9 = tpu.memref_slice %arg3[%dma_start3A, %multiple_of3A] : memref<2x160000xi32, #tpu.memory_space<hbm>> -> memref<1x1000xi32, #tpu.memory_space<hbm>>
    %dma_start3A_10 = tpu.memref_squeeze %dma_start3A_9 : memref<1x1000xi32, #tpu.memory_space<hbm>> -> memref<1000xi32, #tpu.memory_space<hbm>>
    tpu.enqueue_dma source(%dma_start3A_10 : memref<1000xi32, #tpu.memory_space<hbm>>) target(%arg6 : memref<1000xi32, #tpu.memory_space<vmem>>) target_semaphore(%arg11 : memref<!tpu.dma_semaphore, #tpu.memory_space<semaphore_mem>>)
    %dma_start3A_11 = arith.constant 0 : i32
    %dma_start3A_12 = tpu.memref_slice %arg2[%multiple_of3A, %dma_start3A_11] : memref<160000x32xf32, #tpu.memory_space<hbm>> -> memref<1000x32xf32, #tpu.memory_space<hbm>>
    %dma_start3A_13 = arith.constant 0 : i32
    %dma_start3A_14 = tpu.memref_slice %arg2[%multiple_of3A, %dma_start3A_13] : memref<160000x32xf32, #tpu.memory_space<hbm>> -> memref<1000x32xf32, #tpu.memory_space<hbm>>
    tpu.enqueue_dma source(%dma_start3A_14 : memref<1000x32xf32, #tpu.memory_space<hbm>>) target(%arg8 : memref<1000x32xf32, #tpu.memory_space<vmem>>) target_semaphore(%arg13 : memref<!tpu.dma_semaphore, #tpu.memory_space<semaphore_mem>>)
    "tpu.region"() ({
      %run_scoped3A = tpu.sem_alloc : memref<!tpu.dma_semaphore, #tpu.memory_space<semaphore_mem>>
      %dma_start3A_116 = arith.constant 0 : i32
      %dma_start3A_117 = tpu.memref_slice %arg10[%mul3A_2, %dma_start3A_116] : memref<10000x32xf32, #tpu.memory_space<vmem_shared>> -> memref<625x32xf32, #tpu.memory_space<vmem_shared>>
      %dma_start3A_118 = arith.constant 0 : i32
      %dma_start3A_119 = tpu.memref_slice %arg4[%mul3A_2, %dma_start3A_118] : memref<10000x32xf32, #tpu.memory_space<hbm>> -> memref<625x32xf32, #tpu.memory_space<hbm>>
      tpu.enqueue_dma source(%dma_start3A_119 : memref<625x32xf32, #tpu.memory_space<hbm>>) target(%dma_start3A_117 : memref<625x32xf32, #tpu.memory_space<vmem_shared>>) target_semaphore(%run_scoped3A : memref<!tpu.dma_semaphore, #tpu.memory_space<semaphore_mem>>)
      %dma_wait3A_120 = arith.constant 0 : i32
      %dma_wait3A_121 = tpu.memref_slice %arg10[%mul3A_2, %dma_wait3A_120] : memref<10000x32xf32, #tpu.memory_space<vmem_shared>> -> memref<625x32xf32, #tpu.memory_space<vmem_shared>>
      %dma_wait3A_122 = arith.constant 0 : i32
      %dma_wait3A_123 = tpu.memref_slice %arg4[%mul3A_2, %dma_wait3A_122] : memref<10000x32xf32, #tpu.memory_space<hbm>> -> memref<625x32xf32, #tpu.memory_space<hbm>>
      tpu.wait_dma2 semaphore(%run_scoped3A : memref<!tpu.dma_semaphore, #tpu.memory_space<semaphore_mem>>) src(%dma_wait3A_123 : memref<625x32xf32, #tpu.memory_space<hbm>>) dst(%dma_wait3A_121 : memref<625x32xf32, #tpu.memory_space<vmem_shared>>)
      tpu.yield
    }) : () -> ()
    %barrier3A = arith.constant 0 : index
    tpu.barrier barrier_id(%barrier3A)
    %mul3A_15 = arith.constant 5000 : i32
    %mul3A_16 = arith.muli %add3A, %mul3A_15 : i32
    %add3A_17 = arith.constant 1000 : i32
    %add3A_18 = arith.addi %mul3A_16, %add3A_17 : i32
    %multiple_of3A_19 = tpu.assume_multiple %add3A_18, 8 : i32
    %dma_start3A_20 = arith.constant 1 : i32
    %dma_start3A_21 = tpu.memref_slice %arg3[%dma_start3A_20, %multiple_of3A_19] : memref<2x160000xi32, #tpu.memory_space<hbm>> -> memref<1x1000xi32, #tpu.memory_space<hbm>>
    %dma_start3A_22 = tpu.memref_squeeze %dma_start3A_21 : memref<1x1000xi32, #tpu.memory_space<hbm>> -> memref<1000xi32, #tpu.memory_space<hbm>>
    %dma_start3A_23 = tpu.memref_slice %arg3[%dma_start3A_20, %multiple_of3A_19] : memref<2x160000xi32, #tpu.memory_space<hbm>> -> memref<1x1000xi32, #tpu.memory_space<hbm>>
    %dma_start3A_24 = tpu.memref_squeeze %dma_start3A_23 : memref<1x1000xi32, #tpu.memory_space<hbm>> -> memref<1000xi32, #tpu.memory_space<hbm>>
    tpu.enqueue_dma source(%dma_start3A_24 : memref<1000xi32, #tpu.memory_space<hbm>>) target(%arg7 : memref<1000xi32, #tpu.memory_space<vmem>>) target_semaphore(%arg12 : memref<!tpu.dma_semaphore, #tpu.memory_space<semaphore_mem>>)
    %dma_start3A_25 = arith.constant 0 : i32
    %dma_start3A_26 = tpu.memref_slice %arg2[%multiple_of3A_19, %dma_start3A_25] : memref<160000x32xf32, #tpu.memory_space<hbm>> -> memref<1000x32xf32, #tpu.memory_space<hbm>>
    %dma_start3A_27 = arith.constant 0 : i32
    %dma_start3A_28 = tpu.memref_slice %arg2[%multiple_of3A_19, %dma_start3A_27] : memref<160000x32xf32, #tpu.memory_space<hbm>> -> memref<1000x32xf32, #tpu.memory_space<hbm>>
    tpu.enqueue_dma source(%dma_start3A_28 : memref<1000x32xf32, #tpu.memory_space<hbm>>) target(%arg9 : memref<1000x32xf32, #tpu.memory_space<vmem>>) target_semaphore(%arg14 : memref<!tpu.dma_semaphore, #tpu.memory_space<semaphore_mem>>)
    %dma_wait3A = arith.constant 1 : i32
    %dma_wait3A_29 = tpu.memref_slice %arg3[%dma_wait3A, %multiple_of3A] : memref<2x160000xi32, #tpu.memory_space<hbm>> -> memref<1x1000xi32, #tpu.memory_space<hbm>>
    %dma_wait3A_30 = tpu.memref_squeeze %dma_wait3A_29 : memref<1x1000xi32, #tpu.memory_space<hbm>> -> memref<1000xi32, #tpu.memory_space<hbm>>
    %dma_wait3A_31 = tpu.memref_slice %arg3[%dma_wait3A, %multiple_of3A] : memref<2x160000xi32, #tpu.memory_space<hbm>> -> memref<1x1000xi32, #tpu.memory_space<hbm>>
    %dma_wait3A_32 = tpu.memref_squeeze %dma_wait3A_31 : memref<1x1000xi32, #tpu.memory_space<hbm>> -> memref<1000xi32, #tpu.memory_space<hbm>>
    tpu.wait_dma2 semaphore(%arg11 : memref<!tpu.dma_semaphore, #tpu.memory_space<semaphore_mem>>) src(%dma_wait3A_32 : memref<1000xi32, #tpu.memory_space<hbm>>) dst(%arg6 : memref<1000xi32, #tpu.memory_space<vmem>>)
    %dma_wait3A_33 = arith.constant 0 : i32
    %dma_wait3A_34 = tpu.memref_slice %arg2[%multiple_of3A, %dma_wait3A_33] : memref<160000x32xf32, #tpu.memory_space<hbm>> -> memref<1000x32xf32, #tpu.memory_space<hbm>>
    %dma_wait3A_35 = arith.constant 0 : i32
    %dma_wait3A_36 = tpu.memref_slice %arg2[%multiple_of3A, %dma_wait3A_35] : memref<160000x32xf32, #tpu.memory_space<hbm>> -> memref<1000x32xf32, #tpu.memory_space<hbm>>
    tpu.wait_dma2 semaphore(%arg13 : memref<!tpu.dma_semaphore, #tpu.memory_space<semaphore_mem>>) src(%dma_wait3A_36 : memref<1000x32xf32, #tpu.memory_space<hbm>>) dst(%arg8 : memref<1000x32xf32, #tpu.memory_space<vmem>>)
    "tpu.region"() ({
      %run_scoped3A = tpu.sem_alloc : memref<!tpu.dma_semaphore, #tpu.memory_space<semaphore_mem>>
      %dma_start3A_116 = arith.constant 0 : i32
      %dma_start3A_117 = arith.constant 0 : i32
      %dma_start3A_118 = tpu.memref_slice %arg10[%dma_start3A_116, %dma_start3A_117] : memref<10000x32xf32, #tpu.memory_space<vmem_shared>> -> memref<10000x32xf32, #tpu.memory_space<vmem_shared>>
      tpu.enqueue_indirect_dma source(%arg8 : memref<1000x32xf32, #tpu.memory_space<vmem>>) target(%dma_start3A_118 : memref<10000x32xf32, #tpu.memory_space<vmem_shared>>) offsets(%arg6 : memref<1000xi32, #tpu.memory_space<vmem>>) semaphore(%run_scoped3A : memref<!tpu.dma_semaphore, #tpu.memory_space<semaphore_mem>>) {add = true}
      %dma_wait3A_119 = arith.constant 0 : i32
      %dma_wait3A_120 = arith.constant 0 : i32
      %dma_wait3A_121 = tpu.memref_slice %arg10[%dma_wait3A_119, %dma_wait3A_120] : memref<10000x32xf32, #tpu.memory_space<vmem_shared>> -> memref<10000x32xf32, #tpu.memory_space<vmem_shared>>
      tpu.wait_indirect_dma semaphore(%run_scoped3A : memref<!tpu.dma_semaphore, #tpu.memory_space<semaphore_mem>>) src(%arg8 : memref<1000x32xf32, #tpu.memory_space<vmem>>) dst(%dma_wait3A_121 : memref<10000x32xf32, #tpu.memory_space<vmem_shared>>)
      tpu.yield
    }) : () -> ()
    %mul3A_37 = arith.constant 5000 : i32
    %mul3A_38 = arith.muli %add3A, %mul3A_37 : i32
    %add3A_39 = arith.constant 2000 : i32
    %add3A_40 = arith.addi %mul3A_38, %add3A_39 : i32
    %multiple_of3A_41 = tpu.assume_multiple %add3A_40, 8 : i32
    %dma_start3A_42 = arith.constant 1 : i32
    %dma_start3A_43 = tpu.memref_slice %arg3[%dma_start3A_42, %multiple_of3A_41] : memref<2x160000xi32, #tpu.memory_space<hbm>> -> memref<1x1000xi32, #tpu.memory_space<hbm>>
    %dma_start3A_44 = tpu.memref_squeeze %dma_start3A_43 : memref<1x1000xi32, #tpu.memory_space<hbm>> -> memref<1000xi32, #tpu.memory_space<hbm>>
    %dma_start3A_45 = tpu.memref_slice %arg3[%dma_start3A_42, %multiple_of3A_41] : memref<2x160000xi32, #tpu.memory_space<hbm>> -> memref<1x1000xi32, #tpu.memory_space<hbm>>
    %dma_start3A_46 = tpu.memref_squeeze %dma_start3A_45 : memref<1x1000xi32, #tpu.memory_space<hbm>> -> memref<1000xi32, #tpu.memory_space<hbm>>
    tpu.enqueue_dma source(%dma_start3A_46 : memref<1000xi32, #tpu.memory_space<hbm>>) target(%arg6 : memref<1000xi32, #tpu.memory_space<vmem>>) target_semaphore(%arg11 : memref<!tpu.dma_semaphore, #tpu.memory_space<semaphore_mem>>)
    %dma_start3A_47 = arith.constant 0 : i32
    %dma_start3A_48 = tpu.memref_slice %arg2[%multiple_of3A_41, %dma_start3A_47] : memref<160000x32xf32, #tpu.memory_space<hbm>> -> memref<1000x32xf32, #tpu.memory_space<hbm>>
    %dma_start3A_49 = arith.constant 0 : i32
    %dma_start3A_50 = tpu.memref_slice %arg2[%multiple_of3A_41, %dma_start3A_49] : memref<160000x32xf32, #tpu.memory_space<hbm>> -> memref<1000x32xf32, #tpu.memory_space<hbm>>
    tpu.enqueue_dma source(%dma_start3A_50 : memref<1000x32xf32, #tpu.memory_space<hbm>>) target(%arg8 : memref<1000x32xf32, #tpu.memory_space<vmem>>) target_semaphore(%arg13 : memref<!tpu.dma_semaphore, #tpu.memory_space<semaphore_mem>>)
    %dma_wait3A_51 = arith.constant 1 : i32
    %dma_wait3A_52 = tpu.memref_slice %arg3[%dma_wait3A_51, %multiple_of3A_19] : memref<2x160000xi32, #tpu.memory_space<hbm>> -> memref<1x1000xi32, #tpu.memory_space<hbm>>
    %dma_wait3A_53 = tpu.memref_squeeze %dma_wait3A_52 : memref<1x1000xi32, #tpu.memory_space<hbm>> -> memref<1000xi32, #tpu.memory_space<hbm>>
    %dma_wait3A_54 = tpu.memref_slice %arg3[%dma_wait3A_51, %multiple_of3A_19] : memref<2x160000xi32, #tpu.memory_space<hbm>> -> memref<1x1000xi32, #tpu.memory_space<hbm>>
    %dma_wait3A_55 = tpu.memref_squeeze %dma_wait3A_54 : memref<1x1000xi32, #tpu.memory_space<hbm>> -> memref<1000xi32, #tpu.memory_space<hbm>>
    tpu.wait_dma2 semaphore(%arg12 : memref<!tpu.dma_semaphore, #tpu.memory_space<semaphore_mem>>) src(%dma_wait3A_55 : memref<1000xi32, #tpu.memory_space<hbm>>) dst(%arg7 : memref<1000xi32, #tpu.memory_space<vmem>>)
    %dma_wait3A_56 = arith.constant 0 : i32
    %dma_wait3A_57 = tpu.memref_slice %arg2[%multiple_of3A_19, %dma_wait3A_56] : memref<160000x32xf32, #tpu.memory_space<hbm>> -> memref<1000x32xf32, #tpu.memory_space<hbm>>
    %dma_wait3A_58 = arith.constant 0 : i32
    %dma_wait3A_59 = tpu.memref_slice %arg2[%multiple_of3A_19, %dma_wait3A_58] : memref<160000x32xf32, #tpu.memory_space<hbm>> -> memref<1000x32xf32, #tpu.memory_space<hbm>>
    tpu.wait_dma2 semaphore(%arg14 : memref<!tpu.dma_semaphore, #tpu.memory_space<semaphore_mem>>) src(%dma_wait3A_59 : memref<1000x32xf32, #tpu.memory_space<hbm>>) dst(%arg9 : memref<1000x32xf32, #tpu.memory_space<vmem>>)
    "tpu.region"() ({
      %run_scoped3A = tpu.sem_alloc : memref<!tpu.dma_semaphore, #tpu.memory_space<semaphore_mem>>
      %dma_start3A_116 = arith.constant 0 : i32
      %dma_start3A_117 = arith.constant 0 : i32
      %dma_start3A_118 = tpu.memref_slice %arg10[%dma_start3A_116, %dma_start3A_117] : memref<10000x32xf32, #tpu.memory_space<vmem_shared>> -> memref<10000x32xf32, #tpu.memory_space<vmem_shared>>
      tpu.enqueue_indirect_dma source(%arg9 : memref<1000x32xf32, #tpu.memory_space<vmem>>) target(%dma_start3A_118 : memref<10000x32xf32, #tpu.memory_space<vmem_shared>>) offsets(%arg7 : memref<1000xi32, #tpu.memory_space<vmem>>) semaphore(%run_scoped3A : memref<!tpu.dma_semaphore, #tpu.memory_space<semaphore_mem>>) {add = true}
      %dma_wait3A_119 = arith.constant 0 : i32
      %dma_wait3A_120 = arith.constant 0 : i32
      %dma_wait3A_121 = tpu.memref_slice %arg10[%dma_wait3A_119, %dma_wait3A_120] : memref<10000x32xf32, #tpu.memory_space<vmem_shared>> -> memref<10000x32xf32, #tpu.memory_space<vmem_shared>>
      tpu.wait_indirect_dma semaphore(%run_scoped3A : memref<!tpu.dma_semaphore, #tpu.memory_space<semaphore_mem>>) src(%arg9 : memref<1000x32xf32, #tpu.memory_space<vmem>>) dst(%dma_wait3A_121 : memref<10000x32xf32, #tpu.memory_space<vmem_shared>>)
      tpu.yield
    }) : () -> ()
    %mul3A_60 = arith.constant 5000 : i32
    %mul3A_61 = arith.muli %add3A, %mul3A_60 : i32
    %add3A_62 = arith.constant 3000 : i32
    %add3A_63 = arith.addi %mul3A_61, %add3A_62 : i32
    %multiple_of3A_64 = tpu.assume_multiple %add3A_63, 8 : i32
    %dma_start3A_65 = arith.constant 1 : i32
    %dma_start3A_66 = tpu.memref_slice %arg3[%dma_start3A_65, %multiple_of3A_64] : memref<2x160000xi32, #tpu.memory_space<hbm>> -> memref<1x1000xi32, #tpu.memory_space<hbm>>
    %dma_start3A_67 = tpu.memref_squeeze %dma_start3A_66 : memref<1x1000xi32, #tpu.memory_space<hbm>> -> memref<1000xi32, #tpu.memory_space<hbm>>
    %dma_start3A_68 = tpu.memref_slice %arg3[%dma_start3A_65, %multiple_of3A_64] : memref<2x160000xi32, #tpu.memory_space<hbm>> -> memref<1x1000xi32, #tpu.memory_space<hbm>>
    %dma_start3A_69 = tpu.memref_squeeze %dma_start3A_68 : memref<1x1000xi32, #tpu.memory_space<hbm>> -> memref<1000xi32, #tpu.memory_space<hbm>>
    tpu.enqueue_dma source(%dma_start3A_69 : memref<1000xi32, #tpu.memory_space<hbm>>) target(%arg7 : memref<1000xi32, #tpu.memory_space<vmem>>) target_semaphore(%arg12 : memref<!tpu.dma_semaphore, #tpu.memory_space<semaphore_mem>>)
    %dma_start3A_70 = arith.constant 0 : i32
    %dma_start3A_71 = tpu.memref_slice %arg2[%multiple_of3A_64, %dma_start3A_70] : memref<160000x32xf32, #tpu.memory_space<hbm>> -> memref<1000x32xf32, #tpu.memory_space<hbm>>
    %dma_start3A_72 = arith.constant 0 : i32
    %dma_start3A_73 = tpu.memref_slice %arg2[%multiple_of3A_64, %dma_start3A_72] : memref<160000x32xf32, #tpu.memory_space<hbm>> -> memref<1000x32xf32, #tpu.memory_space<hbm>>
    tpu.enqueue_dma source(%dma_start3A_73 : memref<1000x32xf32, #tpu.memory_space<hbm>>) target(%arg9 : memref<1000x32xf32, #tpu.memory_space<vmem>>) target_semaphore(%arg14 : memref<!tpu.dma_semaphore, #tpu.memory_space<semaphore_mem>>)
    %dma_wait3A_74 = arith.constant 1 : i32
    %dma_wait3A_75 = tpu.memref_slice %arg3[%dma_wait3A_74, %multiple_of3A_41] : memref<2x160000xi32, #tpu.memory_space<hbm>> -> memref<1x1000xi32, #tpu.memory_space<hbm>>
    %dma_wait3A_76 = tpu.memref_squeeze %dma_wait3A_75 : memref<1x1000xi32, #tpu.memory_space<hbm>> -> memref<1000xi32, #tpu.memory_space<hbm>>
    %dma_wait3A_77 = tpu.memref_slice %arg3[%dma_wait3A_74, %multiple_of3A_41] : memref<2x160000xi32, #tpu.memory_space<hbm>> -> memref<1x1000xi32, #tpu.memory_space<hbm>>
    %dma_wait3A_78 = tpu.memref_squeeze %dma_wait3A_77 : memref<1x1000xi32, #tpu.memory_space<hbm>> -> memref<1000xi32, #tpu.memory_space<hbm>>
    tpu.wait_dma2 semaphore(%arg11 : memref<!tpu.dma_semaphore, #tpu.memory_space<semaphore_mem>>) src(%dma_wait3A_78 : memref<1000xi32, #tpu.memory_space<hbm>>) dst(%arg6 : memref<1000xi32, #tpu.memory_space<vmem>>)
    %dma_wait3A_79 = arith.constant 0 : i32
    %dma_wait3A_80 = tpu.memref_slice %arg2[%multiple_of3A_41, %dma_wait3A_79] : memref<160000x32xf32, #tpu.memory_space<hbm>> -> memref<1000x32xf32, #tpu.memory_space<hbm>>
    %dma_wait3A_81 = arith.constant 0 : i32
    %dma_wait3A_82 = tpu.memref_slice %arg2[%multiple_of3A_41, %dma_wait3A_81] : memref<160000x32xf32, #tpu.memory_space<hbm>> -> memref<1000x32xf32, #tpu.memory_space<hbm>>
    tpu.wait_dma2 semaphore(%arg13 : memref<!tpu.dma_semaphore, #tpu.memory_space<semaphore_mem>>) src(%dma_wait3A_82 : memref<1000x32xf32, #tpu.memory_space<hbm>>) dst(%arg8 : memref<1000x32xf32, #tpu.memory_space<vmem>>)
    "tpu.region"() ({
      %run_scoped3A = tpu.sem_alloc : memref<!tpu.dma_semaphore, #tpu.memory_space<semaphore_mem>>
      %dma_start3A_116 = arith.constant 0 : i32
      %dma_start3A_117 = arith.constant 0 : i32
      %dma_start3A_118 = tpu.memref_slice %arg10[%dma_start3A_116, %dma_start3A_117] : memref<10000x32xf32, #tpu.memory_space<vmem_shared>> -> memref<10000x32xf32, #tpu.memory_space<vmem_shared>>
      tpu.enqueue_indirect_dma source(%arg8 : memref<1000x32xf32, #tpu.memory_space<vmem>>) target(%dma_start3A_118 : memref<10000x32xf32, #tpu.memory_space<vmem_shared>>) offsets(%arg6 : memref<1000xi32, #tpu.memory_space<vmem>>) semaphore(%run_scoped3A : memref<!tpu.dma_semaphore, #tpu.memory_space<semaphore_mem>>) {add = true}
      %dma_wait3A_119 = arith.constant 0 : i32
      %dma_wait3A_120 = arith.constant 0 : i32
      %dma_wait3A_121 = tpu.memref_slice %arg10[%dma_wait3A_119, %dma_wait3A_120] : memref<10000x32xf32, #tpu.memory_space<vmem_shared>> -> memref<10000x32xf32, #tpu.memory_space<vmem_shared>>
      tpu.wait_indirect_dma semaphore(%run_scoped3A : memref<!tpu.dma_semaphore, #tpu.memory_space<semaphore_mem>>) src(%arg8 : memref<1000x32xf32, #tpu.memory_space<vmem>>) dst(%dma_wait3A_121 : memref<10000x32xf32, #tpu.memory_space<vmem_shared>>)
      tpu.yield
    }) : () -> ()
    %mul3A_83 = arith.constant 5000 : i32
    %mul3A_84 = arith.muli %add3A, %mul3A_83 : i32
    %add3A_85 = arith.constant 4000 : i32
    %add3A_86 = arith.addi %mul3A_84, %add3A_85 : i32
    %multiple_of3A_87 = tpu.assume_multiple %add3A_86, 8 : i32
    %dma_start3A_88 = arith.constant 1 : i32
    %dma_start3A_89 = tpu.memref_slice %arg3[%dma_start3A_88, %multiple_of3A_87] : memref<2x160000xi32, #tpu.memory_space<hbm>> -> memref<1x1000xi32, #tpu.memory_space<hbm>>
    %dma_start3A_90 = tpu.memref_squeeze %dma_start3A_89 : memref<1x1000xi32, #tpu.memory_space<hbm>> -> memref<1000xi32, #tpu.memory_space<hbm>>
    %dma_start3A_91 = tpu.memref_slice %arg3[%dma_start3A_88, %multiple_of3A_87] : memref<2x160000xi32, #tpu.memory_space<hbm>> -> memref<1x1000xi32, #tpu.memory_space<hbm>>
    %dma_start3A_92 = tpu.memref_squeeze %dma_start3A_91 : memref<1x1000xi32, #tpu.memory_space<hbm>> -> memref<1000xi32, #tpu.memory_space<hbm>>
    tpu.enqueue_dma source(%dma_start3A_92 : memref<1000xi32, #tpu.memory_space<hbm>>) target(%arg6 : memref<1000xi32, #tpu.memory_space<vmem>>) target_semaphore(%arg11 : memref<!tpu.dma_semaphore, #tpu.memory_space<semaphore_mem>>)
    %dma_start3A_93 = arith.constant 0 : i32
    %dma_start3A_94 = tpu.memref_slice %arg2[%multiple_of3A_87, %dma_start3A_93] : memref<160000x32xf32, #tpu.memory_space<hbm>> -> memref<1000x32xf32, #tpu.memory_space<hbm>>
    %dma_start3A_95 = arith.constant 0 : i32
    %dma_start3A_96 = tpu.memref_slice %arg2[%multiple_of3A_87, %dma_start3A_95] : memref<160000x32xf32, #tpu.memory_space<hbm>> -> memref<1000x32xf32, #tpu.memory_space<hbm>>
    tpu.enqueue_dma source(%dma_start3A_96 : memref<1000x32xf32, #tpu.memory_space<hbm>>) target(%arg8 : memref<1000x32xf32, #tpu.memory_space<vmem>>) target_semaphore(%arg13 : memref<!tpu.dma_semaphore, #tpu.memory_space<semaphore_mem>>)
    %dma_wait3A_97 = arith.constant 1 : i32
    %dma_wait3A_98 = tpu.memref_slice %arg3[%dma_wait3A_97, %multiple_of3A_64] : memref<2x160000xi32, #tpu.memory_space<hbm>> -> memref<1x1000xi32, #tpu.memory_space<hbm>>
    %dma_wait3A_99 = tpu.memref_squeeze %dma_wait3A_98 : memref<1x1000xi32, #tpu.memory_space<hbm>> -> memref<1000xi32, #tpu.memory_space<hbm>>
    %dma_wait3A_100 = tpu.memref_slice %arg3[%dma_wait3A_97, %multiple_of3A_64] : memref<2x160000xi32, #tpu.memory_space<hbm>> -> memref<1x1000xi32, #tpu.memory_space<hbm>>
    %dma_wait3A_101 = tpu.memref_squeeze %dma_wait3A_100 : memref<1x1000xi32, #tpu.memory_space<hbm>> -> memref<1000xi32, #tpu.memory_space<hbm>>
    tpu.wait_dma2 semaphore(%arg12 : memref<!tpu.dma_semaphore, #tpu.memory_space<semaphore_mem>>) src(%dma_wait3A_101 : memref<1000xi32, #tpu.memory_space<hbm>>) dst(%arg7 : memref<1000xi32, #tpu.memory_space<vmem>>)
    %dma_wait3A_102 = arith.constant 0 : i32
    %dma_wait3A_103 = tpu.memref_slice %arg2[%multiple_of3A_64, %dma_wait3A_102] : memref<160000x32xf32, #tpu.memory_space<hbm>> -> memref<1000x32xf32, #tpu.memory_space<hbm>>
    %dma_wait3A_104 = arith.constant 0 : i32
    %dma_wait3A_105 = tpu.memref_slice %arg2[%multiple_of3A_64, %dma_wait3A_104] : memref<160000x32xf32, #tpu.memory_space<hbm>> -> memref<1000x32xf32, #tpu.memory_space<hbm>>
    tpu.wait_dma2 semaphore(%arg14 : memref<!tpu.dma_semaphore, #tpu.memory_space<semaphore_mem>>) src(%dma_wait3A_105 : memref<1000x32xf32, #tpu.memory_space<hbm>>) dst(%arg9 : memref<1000x32xf32, #tpu.memory_space<vmem>>)
    "tpu.region"() ({
      %run_scoped3A = tpu.sem_alloc : memref<!tpu.dma_semaphore, #tpu.memory_space<semaphore_mem>>
      %dma_start3A_116 = arith.constant 0 : i32
      %dma_start3A_117 = arith.constant 0 : i32
      %dma_start3A_118 = tpu.memref_slice %arg10[%dma_start3A_116, %dma_start3A_117] : memref<10000x32xf32, #tpu.memory_space<vmem_shared>> -> memref<10000x32xf32, #tpu.memory_space<vmem_shared>>
      tpu.enqueue_indirect_dma source(%arg9 : memref<1000x32xf32, #tpu.memory_space<vmem>>) target(%dma_start3A_118 : memref<10000x32xf32, #tpu.memory_space<vmem_shared>>) offsets(%arg7 : memref<1000xi32, #tpu.memory_space<vmem>>) semaphore(%run_scoped3A : memref<!tpu.dma_semaphore, #tpu.memory_space<semaphore_mem>>) {add = true}
      %dma_wait3A_119 = arith.constant 0 : i32
      %dma_wait3A_120 = arith.constant 0 : i32
      %dma_wait3A_121 = tpu.memref_slice %arg10[%dma_wait3A_119, %dma_wait3A_120] : memref<10000x32xf32, #tpu.memory_space<vmem_shared>> -> memref<10000x32xf32, #tpu.memory_space<vmem_shared>>
      tpu.wait_indirect_dma semaphore(%run_scoped3A : memref<!tpu.dma_semaphore, #tpu.memory_space<semaphore_mem>>) src(%arg9 : memref<1000x32xf32, #tpu.memory_space<vmem>>) dst(%dma_wait3A_121 : memref<10000x32xf32, #tpu.memory_space<vmem_shared>>)
      tpu.yield
    }) : () -> ()
    %dma_wait3A_106 = arith.constant 1 : i32
    %dma_wait3A_107 = tpu.memref_slice %arg3[%dma_wait3A_106, %multiple_of3A_87] : memref<2x160000xi32, #tpu.memory_space<hbm>> -> memref<1x1000xi32, #tpu.memory_space<hbm>>
    %dma_wait3A_108 = tpu.memref_squeeze %dma_wait3A_107 : memref<1x1000xi32, #tpu.memory_space<hbm>> -> memref<1000xi32, #tpu.memory_space<hbm>>
    %dma_wait3A_109 = tpu.memref_slice %arg3[%dma_wait3A_106, %multiple_of3A_87] : memref<2x160000xi32, #tpu.memory_space<hbm>> -> memref<1x1000xi32, #tpu.memory_space<hbm>>
    %dma_wait3A_110 = tpu.memref_squeeze %dma_wait3A_109 : memref<1x1000xi32, #tpu.memory_space<hbm>> -> memref<1000xi32, #tpu.memory_space<hbm>>
    tpu.wait_dma2 semaphore(%arg11 : memref<!tpu.dma_semaphore, #tpu.memory_space<semaphore_mem>>) src(%dma_wait3A_110 : memref<1000xi32, #tpu.memory_space<hbm>>) dst(%arg6 : memref<1000xi32, #tpu.memory_space<vmem>>)
    %dma_wait3A_111 = arith.constant 0 : i32
    %dma_wait3A_112 = tpu.memref_slice %arg2[%multiple_of3A_87, %dma_wait3A_111] : memref<160000x32xf32, #tpu.memory_space<hbm>> -> memref<1000x32xf32, #tpu.memory_space<hbm>>
    %dma_wait3A_113 = arith.constant 0 : i32
    %dma_wait3A_114 = tpu.memref_slice %arg2[%multiple_of3A_87, %dma_wait3A_113] : memref<160000x32xf32, #tpu.memory_space<hbm>> -> memref<1000x32xf32, #tpu.memory_space<hbm>>
    tpu.wait_dma2 semaphore(%arg13 : memref<!tpu.dma_semaphore, #tpu.memory_space<semaphore_mem>>) src(%dma_wait3A_114 : memref<1000x32xf32, #tpu.memory_space<hbm>>) dst(%arg8 : memref<1000x32xf32, #tpu.memory_space<vmem>>)
    "tpu.region"() ({
      %run_scoped3A = tpu.sem_alloc : memref<!tpu.dma_semaphore, #tpu.memory_space<semaphore_mem>>
      %dma_start3A_116 = arith.constant 0 : i32
      %dma_start3A_117 = arith.constant 0 : i32
      %dma_start3A_118 = tpu.memref_slice %arg10[%dma_start3A_116, %dma_start3A_117] : memref<10000x32xf32, #tpu.memory_space<vmem_shared>> -> memref<10000x32xf32, #tpu.memory_space<vmem_shared>>
      tpu.enqueue_indirect_dma source(%arg8 : memref<1000x32xf32, #tpu.memory_space<vmem>>) target(%dma_start3A_118 : memref<10000x32xf32, #tpu.memory_space<vmem_shared>>) offsets(%arg6 : memref<1000xi32, #tpu.memory_space<vmem>>) semaphore(%run_scoped3A : memref<!tpu.dma_semaphore, #tpu.memory_space<semaphore_mem>>) {add = true}
      %dma_wait3A_119 = arith.constant 0 : i32
      %dma_wait3A_120 = arith.constant 0 : i32
      %dma_wait3A_121 = tpu.memref_slice %arg10[%dma_wait3A_119, %dma_wait3A_120] : memref<10000x32xf32, #tpu.memory_space<vmem_shared>> -> memref<10000x32xf32, #tpu.memory_space<vmem_shared>>
      tpu.wait_indirect_dma semaphore(%run_scoped3A : memref<!tpu.dma_semaphore, #tpu.memory_space<semaphore_mem>>) src(%arg8 : memref<1000x32xf32, #tpu.memory_space<vmem>>) dst(%dma_wait3A_121 : memref<10000x32xf32, #tpu.memory_space<vmem_shared>>)
      tpu.yield
    }) : () -> ()
    %barrier3A_115 = arith.constant 0 : index
    tpu.barrier barrier_id(%barrier3A_115)
    "tpu.region"() ({
      %run_scoped3A = tpu.sem_alloc : memref<!tpu.dma_semaphore, #tpu.memory_space<semaphore_mem>>
      %dma_start3A_116 = arith.constant 0 : i32
      %dma_start3A_117 = tpu.memref_slice %arg5[%arg0, %mul3A_2, %dma_start3A_116] : memref<2x10000x32xf32, #tpu.memory_space<hbm>> -> memref<1x625x32xf32, #tpu.memory_space<hbm>>
      %dma_start3A_118 = tpu.memref_squeeze %dma_start3A_117 : memref<1x625x32xf32, #tpu.memory_space<hbm>> -> memref<625x32xf32, #tpu.memory_space<hbm>>
      %dma_start3A_119 = arith.constant 0 : i32
      %dma_start3A_120 = tpu.memref_slice %arg10[%mul3A_2, %dma_start3A_119] : memref<10000x32xf32, #tpu.memory_space<vmem_shared>> -> memref<625x32xf32, #tpu.memory_space<vmem_shared>>
      tpu.enqueue_dma source(%dma_start3A_120 : memref<625x32xf32, #tpu.memory_space<vmem_shared>>) target(%dma_start3A_118 : memref<625x32xf32, #tpu.memory_space<hbm>>) target_semaphore(%run_scoped3A : memref<!tpu.dma_semaphore, #tpu.memory_space<semaphore_mem>>)
      %dma_wait3A_121 = arith.constant 0 : i32
      %dma_wait3A_122 = tpu.memref_slice %arg5[%arg0, %mul3A_2, %dma_wait3A_121] : memref<2x10000x32xf32, #tpu.memory_space<hbm>> -> memref<1x625x32xf32, #tpu.memory_space<hbm>>
      %dma_wait3A_123 = tpu.memref_squeeze %dma_wait3A_122 : memref<1x625x32xf32, #tpu.memory_space<hbm>> -> memref<625x32xf32, #tpu.memory_space<hbm>>
      %dma_wait3A_124 = arith.constant 0 : i32
      %dma_wait3A_125 = tpu.memref_slice %arg10[%mul3A_2, %dma_wait3A_124] : memref<10000x32xf32, #tpu.memory_space<vmem_shared>> -> memref<625x32xf32, #tpu.memory_space<vmem_shared>>
      tpu.wait_dma2 semaphore(%run_scoped3A : memref<!tpu.dma_semaphore, #tpu.memory_space<semaphore_mem>>) src(%dma_wait3A_125 : memref<625x32xf32, #tpu.memory_space<vmem_shared>>) dst(%dma_wait3A_123 : memref<625x32xf32, #tpu.memory_space<hbm>>)
      tpu.yield
    }) : () -> ()
    return
  }
}

#map = affine_map<(d0, d1) -> (0, 0)>
#map1 = affine_map<(d0, d1) -> (0, 0, 0)>
module attributes {stable_mosaic.version = 14 : i64} {
  func.func @_sc_scatter(%arg0: i32, %arg1: i32, %arg2: memref<160000x32xf32, #tpu.memory_space<hbm>>, %arg3: memref<2x160000xi32, #tpu.memory_space<hbm>>, %arg4: memref<10000x32xf32, #tpu.memory_space<hbm>>, %arg5: memref<2x10000x32xf32, #tpu.memory_space<hbm>>, %arg6: memref<1000xi32, #tpu.memory_space<vmem>>, %arg7: memref<1000xi32, #tpu.memory_space<vmem>>, %arg8: memref<1000x32xf32, #tpu.memory_space<vmem>>, %arg9: memref<1000x32xf32, #tpu.memory_space<vmem>>, %arg10: memref<10000x32xf32, #tpu.memory_space<vmem_shared>>, %arg11: memref<!tpu.dma_semaphore, #tpu.memory_space<semaphore_mem>>, %arg12: memref<!tpu.dma_semaphore, #tpu.memory_space<semaphore_mem>>, %arg13: memref<!tpu.dma_semaphore, #tpu.memory_space<semaphore_mem>>, %arg14: memref<!tpu.dma_semaphore, #tpu.memory_space<semaphore_mem>>) attributes {dimension_semantics = [#tpu.dimension_semantics<core_parallel>, #tpu.dimension_semantics<subcore_parallel>], iteration_bounds = array<i64: 2, 16>, scalar_prefetch = 0 : i64, scratch_operands = 9 : i64, tpu.core_type = #tpu.core_type<sc_vector_subcore>, window_params = [{transform_indices = #map}, {transform_indices = #map}, {transform_indices = #map}, {transform_indices = #map1}]} {
    %mul3A = arith.constant 16 : i32
    %mul3A_0 = arith.muli %arg0, %mul3A : i32
    %add3A = arith.addi %mul3A_0, %arg1 : i32
    %mul3A_1 = arith.constant 625 : i32
    %mul3A_2 = arith.muli %arg1, %mul3A_1 : i32
    %mul3A_3 = arith.constant 5000 : i32
    %mul3A_4 = arith.muli %add3A, %mul3A_3 : i32
    %add3A_5 = arith.constant 0 : i32
    %add3A_6 = arith.addi %mul3A_4, %add3A_5 : i32
    %multiple_of3A = tpu.assume_multiple %add3A_6, 8 : i32
    %dma_start3A = arith.constant 1 : i32
    %dma_start3A_7 = tpu.memref_slice %arg3[%dma_start3A, %multiple_of3A] : memref<2x160000xi32, #tpu.memory_space<hbm>> -> memref<1x1000xi32, #tpu.memory_space<hbm>>
    %dma_start3A_8 = tpu.memref_squeeze %dma_start3A_7 : memref<1x1000xi32, #tpu.memory_space<hbm>> -> memref<1000xi32, #tpu.memory_space<hbm>>
    %dma_start3A_9 = tpu.memref_slice %arg3[%dma_start3A, %multiple_of3A] : memref<2x160000xi32, #tpu.memory_space<hbm>> -> memref<1x1000xi32, #tpu.memory_space<hbm>>
    %dma_start3A_10 = tpu.memref_squeeze %dma_start3A_9 : memref<1x1000xi32, #tpu.memory_space<hbm>> -> memref<1000xi32, #tpu.memory_space<hbm>>
    tpu.enqueue_dma source(%dma_start3A_10 : memref<1000xi32, #tpu.memory_space<hbm>>) target(%arg6 : memref<1000xi32, #tpu.memory_space<vmem>>) target_semaphore(%arg11 : memref<!tpu.dma_semaphore, #tpu.memory_space<semaphore_mem>>)
    %dma_start3A_11 = arith.constant 0 : i32
    %dma_start3A_12 = tpu.memref_slice %arg2[%multiple_of3A, %dma_start3A_11] : memref<160000x32xf32, #tpu.memory_space<hbm>> -> memref<1000x32xf32, #tpu.memory_space<hbm>>
    %dma_start3A_13 = arith.constant 0 : i32
    %dma_start3A_14 = tpu.memref_slice %arg2[%multiple_of3A, %dma_start3A_13] : memref<160000x32xf32, #tpu.memory_space<hbm>> -> memref<1000x32xf32, #tpu.memory_space<hbm>>
    tpu.enqueue_dma source(%dma_start3A_14 : memref<1000x32xf32, #tpu.memory_space<hbm>>) target(%arg8 : memref<1000x32xf32, #tpu.memory_space<vmem>>) target_semaphore(%arg13 : memref<!tpu.dma_semaphore, #tpu.memory_space<semaphore_mem>>)
    "tpu.region"() ({
      %run_scoped3A = tpu.sem_alloc : memref<!tpu.dma_semaphore, #tpu.memory_space<semaphore_mem>>
      %dma_start3A_116 = arith.constant 0 : i32
      %dma_start3A_117 = tpu.memref_slice %arg10[%mul3A_2, %dma_start3A_116] : memref<10000x32xf32, #tpu.memory_space<vmem_shared>> -> memref<625x32xf32, #tpu.memory_space<vmem_shared>>
      %dma_start3A_118 = arith.constant 0 : i32
      %dma_start3A_119 = tpu.memref_slice %arg4[%mul3A_2, %dma_start3A_118] : memref<10000x32xf32, #tpu.memory_space<hbm>> -> memref<625x32xf32, #tpu.memory_space<hbm>>
      tpu.enqueue_dma source(%dma_start3A_119 : memref<625x32xf32, #tpu.memory_space<hbm>>) target(%dma_start3A_117 : memref<625x32xf32, #tpu.memory_space<vmem_shared>>) target_semaphore(%run_scoped3A : memref<!tpu.dma_semaphore, #tpu.memory_space<semaphore_mem>>)
      %dma_wait3A_120 = arith.constant 0 : i32
      %dma_wait3A_121 = tpu.memref_slice %arg10[%mul3A_2, %dma_wait3A_120] : memref<10000x32xf32, #tpu.memory_space<vmem_shared>> -> memref<625x32xf32, #tpu.memory_space<vmem_shared>>
      %dma_wait3A_122 = arith.constant 0 : i32
      %dma_wait3A_123 = tpu.memref_slice %arg4[%mul3A_2, %dma_wait3A_122] : memref<10000x32xf32, #tpu.memory_space<hbm>> -> memref<625x32xf32, #tpu.memory_space<hbm>>
      tpu.wait_dma2 semaphore(%run_scoped3A : memref<!tpu.dma_semaphore, #tpu.memory_space<semaphore_mem>>) src(%dma_wait3A_123 : memref<625x32xf32, #tpu.memory_space<hbm>>) dst(%dma_wait3A_121 : memref<625x32xf32, #tpu.memory_space<vmem_shared>>)
      tpu.yield
    }) : () -> ()
    %barrier3A = arith.constant 0 : index
    tpu.barrier barrier_id(%barrier3A)
    %mul3A_15 = arith.constant 5000 : i32
    %mul3A_16 = arith.muli %add3A, %mul3A_15 : i32
    %add3A_17 = arith.constant 1000 : i32
    %add3A_18 = arith.addi %mul3A_16, %add3A_17 : i32
    %multiple_of3A_19 = tpu.assume_multiple %add3A_18, 8 : i32
    %dma_start3A_20 = arith.constant 1 : i32
    %dma_start3A_21 = tpu.memref_slice %arg3[%dma_start3A_20, %multiple_of3A_19] : memref<2x160000xi32, #tpu.memory_space<hbm>> -> memref<1x1000xi32, #tpu.memory_space<hbm>>
    %dma_start3A_22 = tpu.memref_squeeze %dma_start3A_21 : memref<1x1000xi32, #tpu.memory_space<hbm>> -> memref<1000xi32, #tpu.memory_space<hbm>>
    %dma_start3A_23 = tpu.memref_slice %arg3[%dma_start3A_20, %multiple_of3A_19] : memref<2x160000xi32, #tpu.memory_space<hbm>> -> memref<1x1000xi32, #tpu.memory_space<hbm>>
    %dma_start3A_24 = tpu.memref_squeeze %dma_start3A_23 : memref<1x1000xi32, #tpu.memory_space<hbm>> -> memref<1000xi32, #tpu.memory_space<hbm>>
    tpu.enqueue_dma source(%dma_start3A_24 : memref<1000xi32, #tpu.memory_space<hbm>>) target(%arg7 : memref<1000xi32, #tpu.memory_space<vmem>>) target_semaphore(%arg12 : memref<!tpu.dma_semaphore, #tpu.memory_space<semaphore_mem>>)
    %dma_start3A_25 = arith.constant 0 : i32
    %dma_start3A_26 = tpu.memref_slice %arg2[%multiple_of3A_19, %dma_start3A_25] : memref<160000x32xf32, #tpu.memory_space<hbm>> -> memref<1000x32xf32, #tpu.memory_space<hbm>>
    %dma_start3A_27 = arith.constant 0 : i32
    %dma_start3A_28 = tpu.memref_slice %arg2[%multiple_of3A_19, %dma_start3A_27] : memref<160000x32xf32, #tpu.memory_space<hbm>> -> memref<1000x32xf32, #tpu.memory_space<hbm>>
    tpu.enqueue_dma source(%dma_start3A_28 : memref<1000x32xf32, #tpu.memory_space<hbm>>) target(%arg9 : memref<1000x32xf32, #tpu.memory_space<vmem>>) target_semaphore(%arg14 : memref<!tpu.dma_semaphore, #tpu.memory_space<semaphore_mem>>)
    %dma_wait3A = arith.constant 1 : i32
    %dma_wait3A_29 = tpu.memref_slice %arg3[%dma_wait3A, %multiple_of3A] : memref<2x160000xi32, #tpu.memory_space<hbm>> -> memref<1x1000xi32, #tpu.memory_space<hbm>>
    %dma_wait3A_30 = tpu.memref_squeeze %dma_wait3A_29 : memref<1x1000xi32, #tpu.memory_space<hbm>> -> memref<1000xi32, #tpu.memory_space<hbm>>
    %dma_wait3A_31 = tpu.memref_slice %arg3[%dma_wait3A, %multiple_of3A] : memref<2x160000xi32, #tpu.memory_space<hbm>> -> memref<1x1000xi32, #tpu.memory_space<hbm>>
    %dma_wait3A_32 = tpu.memref_squeeze %dma_wait3A_31 : memref<1x1000xi32, #tpu.memory_space<hbm>> -> memref<1000xi32, #tpu.memory_space<hbm>>
    tpu.wait_dma2 semaphore(%arg11 : memref<!tpu.dma_semaphore, #tpu.memory_space<semaphore_mem>>) src(%dma_wait3A_32 : memref<1000xi32, #tpu.memory_space<hbm>>) dst(%arg6 : memref<1000xi32, #tpu.memory_space<vmem>>)
    %dma_wait3A_33 = arith.constant 0 : i32
    %dma_wait3A_34 = tpu.memref_slice %arg2[%multiple_of3A, %dma_wait3A_33] : memref<160000x32xf32, #tpu.memory_space<hbm>> -> memref<1000x32xf32, #tpu.memory_space<hbm>>
    %dma_wait3A_35 = arith.constant 0 : i32
    %dma_wait3A_36 = tpu.memref_slice %arg2[%multiple_of3A, %dma_wait3A_35] : memref<160000x32xf32, #tpu.memory_space<hbm>> -> memref<1000x32xf32, #tpu.memory_space<hbm>>
    tpu.wait_dma2 semaphore(%arg13 : memref<!tpu.dma_semaphore, #tpu.memory_space<semaphore_mem>>) src(%dma_wait3A_36 : memref<1000x32xf32, #tpu.memory_space<hbm>>) dst(%arg8 : memref<1000x32xf32, #tpu.memory_space<vmem>>)
    "tpu.region"() ({
      %run_scoped3A = tpu.sem_alloc : memref<!tpu.dma_semaphore, #tpu.memory_space<semaphore_mem>>
      %dma_start3A_116 = arith.constant 0 : i32
      %dma_start3A_117 = arith.constant 0 : i32
      %dma_start3A_118 = tpu.memref_slice %arg10[%dma_start3A_116, %dma_start3A_117] : memref<10000x32xf32, #tpu.memory_space<vmem_shared>> -> memref<10000x32xf32, #tpu.memory_space<vmem_shared>>
      tpu.enqueue_indirect_dma source(%arg8 : memref<1000x32xf32, #tpu.memory_space<vmem>>) target(%dma_start3A_118 : memref<10000x32xf32, #tpu.memory_space<vmem_shared>>) offsets(%arg6 : memref<1000xi32, #tpu.memory_space<vmem>>) semaphore(%run_scoped3A : memref<!tpu.dma_semaphore, #tpu.memory_space<semaphore_mem>>) {add = true}
      %dma_wait3A_119 = arith.constant 0 : i32
      %dma_wait3A_120 = arith.constant 0 : i32
      %dma_wait3A_121 = tpu.memref_slice %arg10[%dma_wait3A_119, %dma_wait3A_120] : memref<10000x32xf32, #tpu.memory_space<vmem_shared>> -> memref<10000x32xf32, #tpu.memory_space<vmem_shared>>
      tpu.wait_indirect_dma semaphore(%run_scoped3A : memref<!tpu.dma_semaphore, #tpu.memory_space<semaphore_mem>>) src(%arg8 : memref<1000x32xf32, #tpu.memory_space<vmem>>) dst(%dma_wait3A_121 : memref<10000x32xf32, #tpu.memory_space<vmem_shared>>)
      tpu.yield
    }) : () -> ()
    %mul3A_37 = arith.constant 5000 : i32
    %mul3A_38 = arith.muli %add3A, %mul3A_37 : i32
    %add3A_39 = arith.constant 2000 : i32
    %add3A_40 = arith.addi %mul3A_38, %add3A_39 : i32
    %multiple_of3A_41 = tpu.assume_multiple %add3A_40, 8 : i32
    %dma_start3A_42 = arith.constant 1 : i32
    %dma_start3A_43 = tpu.memref_slice %arg3[%dma_start3A_42, %multiple_of3A_41] : memref<2x160000xi32, #tpu.memory_space<hbm>> -> memref<1x1000xi32, #tpu.memory_space<hbm>>
    %dma_start3A_44 = tpu.memref_squeeze %dma_start3A_43 : memref<1x1000xi32, #tpu.memory_space<hbm>> -> memref<1000xi32, #tpu.memory_space<hbm>>
    %dma_start3A_45 = tpu.memref_slice %arg3[%dma_start3A_42, %multiple_of3A_41] : memref<2x160000xi32, #tpu.memory_space<hbm>> -> memref<1x1000xi32, #tpu.memory_space<hbm>>
    %dma_start3A_46 = tpu.memref_squeeze %dma_start3A_45 : memref<1x1000xi32, #tpu.memory_space<hbm>> -> memref<1000xi32, #tpu.memory_space<hbm>>
    tpu.enqueue_dma source(%dma_start3A_46 : memref<1000xi32, #tpu.memory_space<hbm>>) target(%arg6 : memref<1000xi32, #tpu.memory_space<vmem>>) target_semaphore(%arg11 : memref<!tpu.dma_semaphore, #tpu.memory_space<semaphore_mem>>)
    %dma_start3A_47 = arith.constant 0 : i32
    %dma_start3A_48 = tpu.memref_slice %arg2[%multiple_of3A_41, %dma_start3A_47] : memref<160000x32xf32, #tpu.memory_space<hbm>> -> memref<1000x32xf32, #tpu.memory_space<hbm>>
    %dma_start3A_49 = arith.constant 0 : i32
    %dma_start3A_50 = tpu.memref_slice %arg2[%multiple_of3A_41, %dma_start3A_49] : memref<160000x32xf32, #tpu.memory_space<hbm>> -> memref<1000x32xf32, #tpu.memory_space<hbm>>
    tpu.enqueue_dma source(%dma_start3A_50 : memref<1000x32xf32, #tpu.memory_space<hbm>>) target(%arg8 : memref<1000x32xf32, #tpu.memory_space<vmem>>) target_semaphore(%arg13 : memref<!tpu.dma_semaphore, #tpu.memory_space<semaphore_mem>>)
    %dma_wait3A_51 = arith.constant 1 : i32
    %dma_wait3A_52 = tpu.memref_slice %arg3[%dma_wait3A_51, %multiple_of3A_19] : memref<2x160000xi32, #tpu.memory_space<hbm>> -> memref<1x1000xi32, #tpu.memory_space<hbm>>
    %dma_wait3A_53 = tpu.memref_squeeze %dma_wait3A_52 : memref<1x1000xi32, #tpu.memory_space<hbm>> -> memref<1000xi32, #tpu.memory_space<hbm>>
    %dma_wait3A_54 = tpu.memref_slice %arg3[%dma_wait3A_51, %multiple_of3A_19] : memref<2x160000xi32, #tpu.memory_space<hbm>> -> memref<1x1000xi32, #tpu.memory_space<hbm>>
    %dma_wait3A_55 = tpu.memref_squeeze %dma_wait3A_54 : memref<1x1000xi32, #tpu.memory_space<hbm>> -> memref<1000xi32, #tpu.memory_space<hbm>>
    tpu.wait_dma2 semaphore(%arg12 : memref<!tpu.dma_semaphore, #tpu.memory_space<semaphore_mem>>) src(%dma_wait3A_55 : memref<1000xi32, #tpu.memory_space<hbm>>) dst(%arg7 : memref<1000xi32, #tpu.memory_space<vmem>>)
    %dma_wait3A_56 = arith.constant 0 : i32
    %dma_wait3A_57 = tpu.memref_slice %arg2[%multiple_of3A_19, %dma_wait3A_56] : memref<160000x32xf32, #tpu.memory_space<hbm>> -> memref<1000x32xf32, #tpu.memory_space<hbm>>
    %dma_wait3A_58 = arith.constant 0 : i32
    %dma_wait3A_59 = tpu.memref_slice %arg2[%multiple_of3A_19, %dma_wait3A_58] : memref<160000x32xf32, #tpu.memory_space<hbm>> -> memref<1000x32xf32, #tpu.memory_space<hbm>>
    tpu.wait_dma2 semaphore(%arg14 : memref<!tpu.dma_semaphore, #tpu.memory_space<semaphore_mem>>) src(%dma_wait3A_59 : memref<1000x32xf32, #tpu.memory_space<hbm>>) dst(%arg9 : memref<1000x32xf32, #tpu.memory_space<vmem>>)
    "tpu.region"() ({
      %run_scoped3A = tpu.sem_alloc : memref<!tpu.dma_semaphore, #tpu.memory_space<semaphore_mem>>
      %dma_start3A_116 = arith.constant 0 : i32
      %dma_start3A_117 = arith.constant 0 : i32
      %dma_start3A_118 = tpu.memref_slice %arg10[%dma_start3A_116, %dma_start3A_117] : memref<10000x32xf32, #tpu.memory_space<vmem_shared>> -> memref<10000x32xf32, #tpu.memory_space<vmem_shared>>
      tpu.enqueue_indirect_dma source(%arg9 : memref<1000x32xf32, #tpu.memory_space<vmem>>) target(%dma_start3A_118 : memref<10000x32xf32, #tpu.memory_space<vmem_shared>>) offsets(%arg7 : memref<1000xi32, #tpu.memory_space<vmem>>) semaphore(%run_scoped3A : memref<!tpu.dma_semaphore, #tpu.memory_space<semaphore_mem>>) {add = true}
      %dma_wait3A_119 = arith.constant 0 : i32
      %dma_wait3A_120 = arith.constant 0 : i32
      %dma_wait3A_121 = tpu.memref_slice %arg10[%dma_wait3A_119, %dma_wait3A_120] : memref<10000x32xf32, #tpu.memory_space<vmem_shared>> -> memref<10000x32xf32, #tpu.memory_space<vmem_shared>>
      tpu.wait_indirect_dma semaphore(%run_scoped3A : memref<!tpu.dma_semaphore, #tpu.memory_space<semaphore_mem>>) src(%arg9 : memref<1000x32xf32, #tpu.memory_space<vmem>>) dst(%dma_wait3A_121 : memref<10000x32xf32, #tpu.memory_space<vmem_shared>>)
      tpu.yield
    }) : () -> ()
    %mul3A_60 = arith.constant 5000 : i32
    %mul3A_61 = arith.muli %add3A, %mul3A_60 : i32
    %add3A_62 = arith.constant 3000 : i32
    %add3A_63 = arith.addi %mul3A_61, %add3A_62 : i32
    %multiple_of3A_64 = tpu.assume_multiple %add3A_63, 8 : i32
    %dma_start3A_65 = arith.constant 1 : i32
    %dma_start3A_66 = tpu.memref_slice %arg3[%dma_start3A_65, %multiple_of3A_64] : memref<2x160000xi32, #tpu.memory_space<hbm>> -> memref<1x1000xi32, #tpu.memory_space<hbm>>
    %dma_start3A_67 = tpu.memref_squeeze %dma_start3A_66 : memref<1x1000xi32, #tpu.memory_space<hbm>> -> memref<1000xi32, #tpu.memory_space<hbm>>
    %dma_start3A_68 = tpu.memref_slice %arg3[%dma_start3A_65, %multiple_of3A_64] : memref<2x160000xi32, #tpu.memory_space<hbm>> -> memref<1x1000xi32, #tpu.memory_space<hbm>>
    %dma_start3A_69 = tpu.memref_squeeze %dma_start3A_68 : memref<1x1000xi32, #tpu.memory_space<hbm>> -> memref<1000xi32, #tpu.memory_space<hbm>>
    tpu.enqueue_dma source(%dma_start3A_69 : memref<1000xi32, #tpu.memory_space<hbm>>) target(%arg7 : memref<1000xi32, #tpu.memory_space<vmem>>) target_semaphore(%arg12 : memref<!tpu.dma_semaphore, #tpu.memory_space<semaphore_mem>>)
    %dma_start3A_70 = arith.constant 0 : i32
    %dma_start3A_71 = tpu.memref_slice %arg2[%multiple_of3A_64, %dma_start3A_70] : memref<160000x32xf32, #tpu.memory_space<hbm>> -> memref<1000x32xf32, #tpu.memory_space<hbm>>
    %dma_start3A_72 = arith.constant 0 : i32
    %dma_start3A_73 = tpu.memref_slice %arg2[%multiple_of3A_64, %dma_start3A_72] : memref<160000x32xf32, #tpu.memory_space<hbm>> -> memref<1000x32xf32, #tpu.memory_space<hbm>>
    tpu.enqueue_dma source(%dma_start3A_73 : memref<1000x32xf32, #tpu.memory_space<hbm>>) target(%arg9 : memref<1000x32xf32, #tpu.memory_space<vmem>>) target_semaphore(%arg14 : memref<!tpu.dma_semaphore, #tpu.memory_space<semaphore_mem>>)
    %dma_wait3A_74 = arith.constant 1 : i32
    %dma_wait3A_75 = tpu.memref_slice %arg3[%dma_wait3A_74, %multiple_of3A_41] : memref<2x160000xi32, #tpu.memory_space<hbm>> -> memref<1x1000xi32, #tpu.memory_space<hbm>>
    %dma_wait3A_76 = tpu.memref_squeeze %dma_wait3A_75 : memref<1x1000xi32, #tpu.memory_space<hbm>> -> memref<1000xi32, #tpu.memory_space<hbm>>
    %dma_wait3A_77 = tpu.memref_slice %arg3[%dma_wait3A_74, %multiple_of3A_41] : memref<2x160000xi32, #tpu.memory_space<hbm>> -> memref<1x1000xi32, #tpu.memory_space<hbm>>
    %dma_wait3A_78 = tpu.memref_squeeze %dma_wait3A_77 : memref<1x1000xi32, #tpu.memory_space<hbm>> -> memref<1000xi32, #tpu.memory_space<hbm>>
    tpu.wait_dma2 semaphore(%arg11 : memref<!tpu.dma_semaphore, #tpu.memory_space<semaphore_mem>>) src(%dma_wait3A_78 : memref<1000xi32, #tpu.memory_space<hbm>>) dst(%arg6 : memref<1000xi32, #tpu.memory_space<vmem>>)
    %dma_wait3A_79 = arith.constant 0 : i32
    %dma_wait3A_80 = tpu.memref_slice %arg2[%multiple_of3A_41, %dma_wait3A_79] : memref<160000x32xf32, #tpu.memory_space<hbm>> -> memref<1000x32xf32, #tpu.memory_space<hbm>>
    %dma_wait3A_81 = arith.constant 0 : i32
    %dma_wait3A_82 = tpu.memref_slice %arg2[%multiple_of3A_41, %dma_wait3A_81] : memref<160000x32xf32, #tpu.memory_space<hbm>> -> memref<1000x32xf32, #tpu.memory_space<hbm>>
    tpu.wait_dma2 semaphore(%arg13 : memref<!tpu.dma_semaphore, #tpu.memory_space<semaphore_mem>>) src(%dma_wait3A_82 : memref<1000x32xf32, #tpu.memory_space<hbm>>) dst(%arg8 : memref<1000x32xf32, #tpu.memory_space<vmem>>)
    "tpu.region"() ({
      %run_scoped3A = tpu.sem_alloc : memref<!tpu.dma_semaphore, #tpu.memory_space<semaphore_mem>>
      %dma_start3A_116 = arith.constant 0 : i32
      %dma_start3A_117 = arith.constant 0 : i32
      %dma_start3A_118 = tpu.memref_slice %arg10[%dma_start3A_116, %dma_start3A_117] : memref<10000x32xf32, #tpu.memory_space<vmem_shared>> -> memref<10000x32xf32, #tpu.memory_space<vmem_shared>>
      tpu.enqueue_indirect_dma source(%arg8 : memref<1000x32xf32, #tpu.memory_space<vmem>>) target(%dma_start3A_118 : memref<10000x32xf32, #tpu.memory_space<vmem_shared>>) offsets(%arg6 : memref<1000xi32, #tpu.memory_space<vmem>>) semaphore(%run_scoped3A : memref<!tpu.dma_semaphore, #tpu.memory_space<semaphore_mem>>) {add = true}
      %dma_wait3A_119 = arith.constant 0 : i32
      %dma_wait3A_120 = arith.constant 0 : i32
      %dma_wait3A_121 = tpu.memref_slice %arg10[%dma_wait3A_119, %dma_wait3A_120] : memref<10000x32xf32, #tpu.memory_space<vmem_shared>> -> memref<10000x32xf32, #tpu.memory_space<vmem_shared>>
      tpu.wait_indirect_dma semaphore(%run_scoped3A : memref<!tpu.dma_semaphore, #tpu.memory_space<semaphore_mem>>) src(%arg8 : memref<1000x32xf32, #tpu.memory_space<vmem>>) dst(%dma_wait3A_121 : memref<10000x32xf32, #tpu.memory_space<vmem_shared>>)
      tpu.yield
    }) : () -> ()
    %mul3A_83 = arith.constant 5000 : i32
    %mul3A_84 = arith.muli %add3A, %mul3A_83 : i32
    %add3A_85 = arith.constant 4000 : i32
    %add3A_86 = arith.addi %mul3A_84, %add3A_85 : i32
    %multiple_of3A_87 = tpu.assume_multiple %add3A_86, 8 : i32
    %dma_start3A_88 = arith.constant 1 : i32
    %dma_start3A_89 = tpu.memref_slice %arg3[%dma_start3A_88, %multiple_of3A_87] : memref<2x160000xi32, #tpu.memory_space<hbm>> -> memref<1x1000xi32, #tpu.memory_space<hbm>>
    %dma_start3A_90 = tpu.memref_squeeze %dma_start3A_89 : memref<1x1000xi32, #tpu.memory_space<hbm>> -> memref<1000xi32, #tpu.memory_space<hbm>>
    %dma_start3A_91 = tpu.memref_slice %arg3[%dma_start3A_88, %multiple_of3A_87] : memref<2x160000xi32, #tpu.memory_space<hbm>> -> memref<1x1000xi32, #tpu.memory_space<hbm>>
    %dma_start3A_92 = tpu.memref_squeeze %dma_start3A_91 : memref<1x1000xi32, #tpu.memory_space<hbm>> -> memref<1000xi32, #tpu.memory_space<hbm>>
    tpu.enqueue_dma source(%dma_start3A_92 : memref<1000xi32, #tpu.memory_space<hbm>>) target(%arg6 : memref<1000xi32, #tpu.memory_space<vmem>>) target_semaphore(%arg11 : memref<!tpu.dma_semaphore, #tpu.memory_space<semaphore_mem>>)
    %dma_start3A_93 = arith.constant 0 : i32
    %dma_start3A_94 = tpu.memref_slice %arg2[%multiple_of3A_87, %dma_start3A_93] : memref<160000x32xf32, #tpu.memory_space<hbm>> -> memref<1000x32xf32, #tpu.memory_space<hbm>>
    %dma_start3A_95 = arith.constant 0 : i32
    %dma_start3A_96 = tpu.memref_slice %arg2[%multiple_of3A_87, %dma_start3A_95] : memref<160000x32xf32, #tpu.memory_space<hbm>> -> memref<1000x32xf32, #tpu.memory_space<hbm>>
    tpu.enqueue_dma source(%dma_start3A_96 : memref<1000x32xf32, #tpu.memory_space<hbm>>) target(%arg8 : memref<1000x32xf32, #tpu.memory_space<vmem>>) target_semaphore(%arg13 : memref<!tpu.dma_semaphore, #tpu.memory_space<semaphore_mem>>)
    %dma_wait3A_97 = arith.constant 1 : i32
    %dma_wait3A_98 = tpu.memref_slice %arg3[%dma_wait3A_97, %multiple_of3A_64] : memref<2x160000xi32, #tpu.memory_space<hbm>> -> memref<1x1000xi32, #tpu.memory_space<hbm>>
    %dma_wait3A_99 = tpu.memref_squeeze %dma_wait3A_98 : memref<1x1000xi32, #tpu.memory_space<hbm>> -> memref<1000xi32, #tpu.memory_space<hbm>>
    %dma_wait3A_100 = tpu.memref_slice %arg3[%dma_wait3A_97, %multiple_of3A_64] : memref<2x160000xi32, #tpu.memory_space<hbm>> -> memref<1x1000xi32, #tpu.memory_space<hbm>>
    %dma_wait3A_101 = tpu.memref_squeeze %dma_wait3A_100 : memref<1x1000xi32, #tpu.memory_space<hbm>> -> memref<1000xi32, #tpu.memory_space<hbm>>
    tpu.wait_dma2 semaphore(%arg12 : memref<!tpu.dma_semaphore, #tpu.memory_space<semaphore_mem>>) src(%dma_wait3A_101 : memref<1000xi32, #tpu.memory_space<hbm>>) dst(%arg7 : memref<1000xi32, #tpu.memory_space<vmem>>)
    %dma_wait3A_102 = arith.constant 0 : i32
    %dma_wait3A_103 = tpu.memref_slice %arg2[%multiple_of3A_64, %dma_wait3A_102] : memref<160000x32xf32, #tpu.memory_space<hbm>> -> memref<1000x32xf32, #tpu.memory_space<hbm>>
    %dma_wait3A_104 = arith.constant 0 : i32
    %dma_wait3A_105 = tpu.memref_slice %arg2[%multiple_of3A_64, %dma_wait3A_104] : memref<160000x32xf32, #tpu.memory_space<hbm>> -> memref<1000x32xf32, #tpu.memory_space<hbm>>
    tpu.wait_dma2 semaphore(%arg14 : memref<!tpu.dma_semaphore, #tpu.memory_space<semaphore_mem>>) src(%dma_wait3A_105 : memref<1000x32xf32, #tpu.memory_space<hbm>>) dst(%arg9 : memref<1000x32xf32, #tpu.memory_space<vmem>>)
    "tpu.region"() ({
      %run_scoped3A = tpu.sem_alloc : memref<!tpu.dma_semaphore, #tpu.memory_space<semaphore_mem>>
      %dma_start3A_116 = arith.constant 0 : i32
      %dma_start3A_117 = arith.constant 0 : i32
      %dma_start3A_118 = tpu.memref_slice %arg10[%dma_start3A_116, %dma_start3A_117] : memref<10000x32xf32, #tpu.memory_space<vmem_shared>> -> memref<10000x32xf32, #tpu.memory_space<vmem_shared>>
      tpu.enqueue_indirect_dma source(%arg9 : memref<1000x32xf32, #tpu.memory_space<vmem>>) target(%dma_start3A_118 : memref<10000x32xf32, #tpu.memory_space<vmem_shared>>) offsets(%arg7 : memref<1000xi32, #tpu.memory_space<vmem>>) semaphore(%run_scoped3A : memref<!tpu.dma_semaphore, #tpu.memory_space<semaphore_mem>>) {add = true}
      %dma_wait3A_119 = arith.constant 0 : i32
      %dma_wait3A_120 = arith.constant 0 : i32
      %dma_wait3A_121 = tpu.memref_slice %arg10[%dma_wait3A_119, %dma_wait3A_120] : memref<10000x32xf32, #tpu.memory_space<vmem_shared>> -> memref<10000x32xf32, #tpu.memory_space<vmem_shared>>
      tpu.wait_indirect_dma semaphore(%run_scoped3A : memref<!tpu.dma_semaphore, #tpu.memory_space<semaphore_mem>>) src(%arg9 : memref<1000x32xf32, #tpu.memory_space<vmem>>) dst(%dma_wait3A_121 : memref<10000x32xf32, #tpu.memory_space<vmem_shared>>)
      tpu.yield
    }) : () -> ()
    %dma_wait3A_106 = arith.constant 1 : i32
    %dma_wait3A_107 = tpu.memref_slice %arg3[%dma_wait3A_106, %multiple_of3A_87] : memref<2x160000xi32, #tpu.memory_space<hbm>> -> memref<1x1000xi32, #tpu.memory_space<hbm>>
    %dma_wait3A_108 = tpu.memref_squeeze %dma_wait3A_107 : memref<1x1000xi32, #tpu.memory_space<hbm>> -> memref<1000xi32, #tpu.memory_space<hbm>>
    %dma_wait3A_109 = tpu.memref_slice %arg3[%dma_wait3A_106, %multiple_of3A_87] : memref<2x160000xi32, #tpu.memory_space<hbm>> -> memref<1x1000xi32, #tpu.memory_space<hbm>>
    %dma_wait3A_110 = tpu.memref_squeeze %dma_wait3A_109 : memref<1x1000xi32, #tpu.memory_space<hbm>> -> memref<1000xi32, #tpu.memory_space<hbm>>
    tpu.wait_dma2 semaphore(%arg11 : memref<!tpu.dma_semaphore, #tpu.memory_space<semaphore_mem>>) src(%dma_wait3A_110 : memref<1000xi32, #tpu.memory_space<hbm>>) dst(%arg6 : memref<1000xi32, #tpu.memory_space<vmem>>)
    %dma_wait3A_111 = arith.constant 0 : i32
    %dma_wait3A_112 = tpu.memref_slice %arg2[%multiple_of3A_87, %dma_wait3A_111] : memref<160000x32xf32, #tpu.memory_space<hbm>> -> memref<1000x32xf32, #tpu.memory_space<hbm>>
    %dma_wait3A_113 = arith.constant 0 : i32
    %dma_wait3A_114 = tpu.memref_slice %arg2[%multiple_of3A_87, %dma_wait3A_113] : memref<160000x32xf32, #tpu.memory_space<hbm>> -> memref<1000x32xf32, #tpu.memory_space<hbm>>
    tpu.wait_dma2 semaphore(%arg13 : memref<!tpu.dma_semaphore, #tpu.memory_space<semaphore_mem>>) src(%dma_wait3A_114 : memref<1000x32xf32, #tpu.memory_space<hbm>>) dst(%arg8 : memref<1000x32xf32, #tpu.memory_space<vmem>>)
    "tpu.region"() ({
      %run_scoped3A = tpu.sem_alloc : memref<!tpu.dma_semaphore, #tpu.memory_space<semaphore_mem>>
      %dma_start3A_116 = arith.constant 0 : i32
      %dma_start3A_117 = arith.constant 0 : i32
      %dma_start3A_118 = tpu.memref_slice %arg10[%dma_start3A_116, %dma_start3A_117] : memref<10000x32xf32, #tpu.memory_space<vmem_shared>> -> memref<10000x32xf32, #tpu.memory_space<vmem_shared>>
      tpu.enqueue_indirect_dma source(%arg8 : memref<1000x32xf32, #tpu.memory_space<vmem>>) target(%dma_start3A_118 : memref<10000x32xf32, #tpu.memory_space<vmem_shared>>) offsets(%arg6 : memref<1000xi32, #tpu.memory_space<vmem>>) semaphore(%run_scoped3A : memref<!tpu.dma_semaphore, #tpu.memory_space<semaphore_mem>>) {add = true}
      %dma_wait3A_119 = arith.constant 0 : i32
      %dma_wait3A_120 = arith.constant 0 : i32
      %dma_wait3A_121 = tpu.memref_slice %arg10[%dma_wait3A_119, %dma_wait3A_120] : memref<10000x32xf32, #tpu.memory_space<vmem_shared>> -> memref<10000x32xf32, #tpu.memory_space<vmem_shared>>
      tpu.wait_indirect_dma semaphore(%run_scoped3A : memref<!tpu.dma_semaphore, #tpu.memory_space<semaphore_mem>>) src(%arg8 : memref<1000x32xf32, #tpu.memory_space<vmem>>) dst(%dma_wait3A_121 : memref<10000x32xf32, #tpu.memory_space<vmem_shared>>)
      tpu.yield
    }) : () -> ()
    %barrier3A_115 = arith.constant 0 : index
    tpu.barrier barrier_id(%barrier3A_115)
    "tpu.region"() ({
      %run_scoped3A = tpu.sem_alloc : memref<!tpu.dma_semaphore, #tpu.memory_space<semaphore_mem>>
      %dma_start3A_116 = arith.constant 0 : i32
      %dma_start3A_117 = tpu.memref_slice %arg5[%arg0, %mul3A_2, %dma_start3A_116] : memref<2x10000x32xf32, #tpu.memory_space<hbm>> -> memref<1x625x32xf32, #tpu.memory_space<hbm>>
      %dma_start3A_118 = tpu.memref_squeeze %dma_start3A_117 : memref<1x625x32xf32, #tpu.memory_space<hbm>> -> memref<625x32xf32, #tpu.memory_space<hbm>>
      %dma_start3A_119 = arith.constant 0 : i32
      %dma_start3A_120 = tpu.memref_slice %arg10[%mul3A_2, %dma_start3A_119] : memref<10000x32xf32, #tpu.memory_space<vmem_shared>> -> memref<625x32xf32, #tpu.memory_space<vmem_shared>>
      tpu.enqueue_dma source(%dma_start3A_120 : memref<625x32xf32, #tpu.memory_space<vmem_shared>>) target(%dma_start3A_118 : memref<625x32xf32, #tpu.memory_space<hbm>>) target_semaphore(%run_scoped3A : memref<!tpu.dma_semaphore, #tpu.memory_space<semaphore_mem>>)
      %dma_wait3A_121 = arith.constant 0 : i32
      %dma_wait3A_122 = tpu.memref_slice %arg5[%arg0, %mul3A_2, %dma_wait3A_121] : memref<2x10000x32xf32, #tpu.memory_space<hbm>> -> memref<1x625x32xf32, #tpu.memory_space<hbm>>
      %dma_wait3A_123 = tpu.memref_squeeze %dma_wait3A_122 : memref<1x625x32xf32, #tpu.memory_space<hbm>> -> memref<625x32xf32, #tpu.memory_space<hbm>>
      %dma_wait3A_124 = arith.constant 0 : i32
      %dma_wait3A_125 = tpu.memref_slice %arg10[%mul3A_2, %dma_wait3A_124] : memref<10000x32xf32, #tpu.memory_space<vmem_shared>> -> memref<625x32xf32, #tpu.memory_space<vmem_shared>>
      tpu.wait_dma2 semaphore(%run_scoped3A : memref<!tpu.dma_semaphore, #tpu.memory_space<semaphore_mem>>) src(%dma_wait3A_125 : memref<625x32xf32, #tpu.memory_space<vmem_shared>>) dst(%dma_wait3A_123 : memref<625x32xf32, #tpu.memory_space<hbm>>)
      tpu.yield
    }) : () -> ()
    return
  }
}

#map = affine_map<(d0, d1) -> (0, 0)>
module attributes {stable_mosaic.version = 14 : i64} {
  func.func @_sc_gather(%arg0: i32, %arg1: i32, %arg2: memref<10000x32xf32, #tpu.memory_space<hbm>>, %arg3: memref<2x160000xi32, #tpu.memory_space<hbm>>, %arg4: memref<160000x32xf32, #tpu.memory_space<hbm>>, %arg5: memref<1000xi32, #tpu.memory_space<vmem>>, %arg6: memref<1000xi32, #tpu.memory_space<vmem>>, %arg7: memref<1000x32xf32, #tpu.memory_space<vmem>>, %arg8: memref<1000x32xf32, #tpu.memory_space<vmem>>, %arg9: memref<!tpu.dma_semaphore, #tpu.memory_space<semaphore_mem>>, %arg10: memref<!tpu.dma_semaphore, #tpu.memory_space<semaphore_mem>>) attributes {dimension_semantics = [#tpu.dimension_semantics<core_parallel>, #tpu.dimension_semantics<subcore_parallel>], iteration_bounds = array<i64: 2, 16>, scalar_prefetch = 0 : i64, scratch_operands = 6 : i64, tpu.core_type = #tpu.core_type<sc_vector_subcore>, window_params = [{transform_indices = #map}, {transform_indices = #map}, {transform_indices = #map}]} {
    %mul3A = arith.constant 16 : i32
    %mul3A_0 = arith.muli %arg0, %mul3A : i32
    %add3A = arith.addi %mul3A_0, %arg1 : i32
    %mul3A_1 = arith.constant 5000 : i32
    %mul3A_2 = arith.muli %add3A, %mul3A_1 : i32
    %add3A_3 = arith.constant 0 : i32
    %add3A_4 = arith.addi %mul3A_2, %add3A_3 : i32
    %multiple_of3A = tpu.assume_multiple %add3A_4, 8 : i32
    %run_scoped3A = arith.constant 0 : i32
    "tpu.region"() ({
      %run_scoped3A_57 = tpu.sem_alloc : memref<!tpu.dma_semaphore, #tpu.memory_space<semaphore_mem>>
      %dma_start3A_58 = tpu.memref_slice %arg3[%run_scoped3A, %multiple_of3A] : memref<2x160000xi32, #tpu.memory_space<hbm>> -> memref<1x1000xi32, #tpu.memory_space<hbm>>
      %dma_start3A_59 = tpu.memref_squeeze %dma_start3A_58 : memref<1x1000xi32, #tpu.memory_space<hbm>> -> memref<1000xi32, #tpu.memory_space<hbm>>
      %dma_start3A_60 = tpu.memref_slice %arg3[%run_scoped3A, %multiple_of3A] : memref<2x160000xi32, #tpu.memory_space<hbm>> -> memref<1x1000xi32, #tpu.memory_space<hbm>>
      %dma_start3A_61 = tpu.memref_squeeze %dma_start3A_60 : memref<1x1000xi32, #tpu.memory_space<hbm>> -> memref<1000xi32, #tpu.memory_space<hbm>>
      tpu.enqueue_dma source(%dma_start3A_61 : memref<1000xi32, #tpu.memory_space<hbm>>) target(%arg5 : memref<1000xi32, #tpu.memory_space<vmem>>) target_semaphore(%run_scoped3A_57 : memref<!tpu.dma_semaphore, #tpu.memory_space<semaphore_mem>>)
      %dma_wait3A_62 = tpu.memref_slice %arg3[%run_scoped3A, %multiple_of3A] : memref<2x160000xi32, #tpu.memory_space<hbm>> -> memref<1x1000xi32, #tpu.memory_space<hbm>>
      %dma_wait3A_63 = tpu.memref_squeeze %dma_wait3A_62 : memref<1x1000xi32, #tpu.memory_space<hbm>> -> memref<1000xi32, #tpu.memory_space<hbm>>
      %dma_wait3A_64 = tpu.memref_slice %arg3[%run_scoped3A, %multiple_of3A] : memref<2x160000xi32, #tpu.memory_space<hbm>> -> memref<1x1000xi32, #tpu.memory_space<hbm>>
      %dma_wait3A_65 = tpu.memref_squeeze %dma_wait3A_64 : memref<1x1000xi32, #tpu.memory_space<hbm>> -> memref<1000xi32, #tpu.memory_space<hbm>>
      tpu.wait_dma2 semaphore(%run_scoped3A_57 : memref<!tpu.dma_semaphore, #tpu.memory_space<semaphore_mem>>) src(%dma_wait3A_65 : memref<1000xi32, #tpu.memory_space<hbm>>) dst(%arg5 : memref<1000xi32, #tpu.memory_space<vmem>>)
      tpu.yield
    }) : () -> ()
    %dma_start3A = arith.constant 0 : i32
    %dma_start3A_5 = arith.constant 0 : i32
    %dma_start3A_6 = tpu.memref_slice %arg2[%dma_start3A, %dma_start3A_5] : memref<10000x32xf32, #tpu.memory_space<hbm>> -> memref<10000x32xf32, #tpu.memory_space<hbm>>
    tpu.enqueue_indirect_dma source(%dma_start3A_6 : memref<10000x32xf32, #tpu.memory_space<hbm>>) target(%arg7 : memref<1000x32xf32, #tpu.memory_space<vmem>>) offsets(%arg5 : memref<1000xi32, #tpu.memory_space<vmem>>) semaphore(%arg9 : memref<!tpu.dma_semaphore, #tpu.memory_space<semaphore_mem>>)
    %mul3A_7 = arith.constant 5000 : i32
    %mul3A_8 = arith.muli %add3A, %mul3A_7 : i32
    %add3A_9 = arith.constant 1000 : i32
    %add3A_10 = arith.addi %mul3A_8, %add3A_9 : i32
    %multiple_of3A_11 = tpu.assume_multiple %add3A_10, 8 : i32
    %run_scoped3A_12 = arith.constant 0 : i32
    "tpu.region"() ({
      %run_scoped3A_57 = tpu.sem_alloc : memref<!tpu.dma_semaphore, #tpu.memory_space<semaphore_mem>>
      %dma_start3A_58 = tpu.memref_slice %arg3[%run_scoped3A_12, %multiple_of3A_11] : memref<2x160000xi32, #tpu.memory_space<hbm>> -> memref<1x1000xi32, #tpu.memory_space<hbm>>
      %dma_start3A_59 = tpu.memref_squeeze %dma_start3A_58 : memref<1x1000xi32, #tpu.memory_space<hbm>> -> memref<1000xi32, #tpu.memory_space<hbm>>
      %dma_start3A_60 = tpu.memref_slice %arg3[%run_scoped3A_12, %multiple_of3A_11] : memref<2x160000xi32, #tpu.memory_space<hbm>> -> memref<1x1000xi32, #tpu.memory_space<hbm>>
      %dma_start3A_61 = tpu.memref_squeeze %dma_start3A_60 : memref<1x1000xi32, #tpu.memory_space<hbm>> -> memref<1000xi32, #tpu.memory_space<hbm>>
      tpu.enqueue_dma source(%dma_start3A_61 : memref<1000xi32, #tpu.memory_space<hbm>>) target(%arg6 : memref<1000xi32, #tpu.memory_space<vmem>>) target_semaphore(%run_scoped3A_57 : memref<!tpu.dma_semaphore, #tpu.memory_space<semaphore_mem>>)
      %dma_wait3A_62 = tpu.memref_slice %arg3[%run_scoped3A_12, %multiple_of3A_11] : memref<2x160000xi32, #tpu.memory_space<hbm>> -> memref<1x1000xi32, #tpu.memory_space<hbm>>
      %dma_wait3A_63 = tpu.memref_squeeze %dma_wait3A_62 : memref<1x1000xi32, #tpu.memory_space<hbm>> -> memref<1000xi32, #tpu.memory_space<hbm>>
      %dma_wait3A_64 = tpu.memref_slice %arg3[%run_scoped3A_12, %multiple_of3A_11] : memref<2x160000xi32, #tpu.memory_space<hbm>> -> memref<1x1000xi32, #tpu.memory_space<hbm>>
      %dma_wait3A_65 = tpu.memref_squeeze %dma_wait3A_64 : memref<1x1000xi32, #tpu.memory_space<hbm>> -> memref<1000xi32, #tpu.memory_space<hbm>>
      tpu.wait_dma2 semaphore(%run_scoped3A_57 : memref<!tpu.dma_semaphore, #tpu.memory_space<semaphore_mem>>) src(%dma_wait3A_65 : memref<1000xi32, #tpu.memory_space<hbm>>) dst(%arg6 : memref<1000xi32, #tpu.memory_space<vmem>>)
      tpu.yield
    }) : () -> ()
    %dma_start3A_13 = arith.constant 0 : i32
    %dma_start3A_14 = arith.constant 0 : i32
    %dma_start3A_15 = tpu.memref_slice %arg2[%dma_start3A_13, %dma_start3A_14] : memref<10000x32xf32, #tpu.memory_space<hbm>> -> memref<10000x32xf32, #tpu.memory_space<hbm>>
    tpu.enqueue_indirect_dma source(%dma_start3A_15 : memref<10000x32xf32, #tpu.memory_space<hbm>>) target(%arg8 : memref<1000x32xf32, #tpu.memory_space<vmem>>) offsets(%arg6 : memref<1000xi32, #tpu.memory_space<vmem>>) semaphore(%arg10 : memref<!tpu.dma_semaphore, #tpu.memory_space<semaphore_mem>>)
    %dma_wait3A = arith.constant 0 : i32
    %dma_wait3A_16 = arith.constant 0 : i32
    %dma_wait3A_17 = tpu.memref_slice %arg2[%dma_wait3A, %dma_wait3A_16] : memref<10000x32xf32, #tpu.memory_space<hbm>> -> memref<10000x32xf32, #tpu.memory_space<hbm>>
    tpu.wait_indirect_dma semaphore(%arg9 : memref<!tpu.dma_semaphore, #tpu.memory_space<semaphore_mem>>) src(%dma_wait3A_17 : memref<10000x32xf32, #tpu.memory_space<hbm>>) dst(%arg7 : memref<1000x32xf32, #tpu.memory_space<vmem>>)
    "tpu.region"() ({
      %run_scoped3A_57 = tpu.sem_alloc : memref<!tpu.dma_semaphore, #tpu.memory_space<semaphore_mem>>
      %dma_start3A_58 = arith.constant 0 : i32
      %dma_start3A_59 = tpu.memref_slice %arg4[%multiple_of3A, %dma_start3A_58] : memref<160000x32xf32, #tpu.memory_space<hbm>> -> memref<1000x32xf32, #tpu.memory_space<hbm>>
      %dma_start3A_60 = arith.constant 0 : i32
      %dma_start3A_61 = tpu.memref_slice %arg4[%multiple_of3A, %dma_start3A_60] : memref<160000x32xf32, #tpu.memory_space<hbm>> -> memref<1000x32xf32, #tpu.memory_space<hbm>>
      tpu.enqueue_dma source(%arg7 : memref<1000x32xf32, #tpu.memory_space<vmem>>) target(%dma_start3A_61 : memref<1000x32xf32, #tpu.memory_space<hbm>>) target_semaphore(%run_scoped3A_57 : memref<!tpu.dma_semaphore, #tpu.memory_space<semaphore_mem>>)
      %dma_wait3A_62 = arith.constant 0 : i32
      %dma_wait3A_63 = tpu.memref_slice %arg4[%multiple_of3A, %dma_wait3A_62] : memref<160000x32xf32, #tpu.memory_space<hbm>> -> memref<1000x32xf32, #tpu.memory_space<hbm>>
      %dma_wait3A_64 = arith.constant 0 : i32
      %dma_wait3A_65 = tpu.memref_slice %arg4[%multiple_of3A, %dma_wait3A_64] : memref<160000x32xf32, #tpu.memory_space<hbm>> -> memref<1000x32xf32, #tpu.memory_space<hbm>>
      tpu.wait_dma2 semaphore(%run_scoped3A_57 : memref<!tpu.dma_semaphore, #tpu.memory_space<semaphore_mem>>) src(%arg7 : memref<1000x32xf32, #tpu.memory_space<vmem>>) dst(%dma_wait3A_65 : memref<1000x32xf32, #tpu.memory_space<hbm>>)
      tpu.yield
    }) : () -> ()
    %mul3A_18 = arith.constant 5000 : i32
    %mul3A_19 = arith.muli %add3A, %mul3A_18 : i32
    %add3A_20 = arith.constant 2000 : i32
    %add3A_21 = arith.addi %mul3A_19, %add3A_20 : i32
    %multiple_of3A_22 = tpu.assume_multiple %add3A_21, 8 : i32
    %run_scoped3A_23 = arith.constant 0 : i32
    "tpu.region"() ({
      %run_scoped3A_57 = tpu.sem_alloc : memref<!tpu.dma_semaphore, #tpu.memory_space<semaphore_mem>>
      %dma_start3A_58 = tpu.memref_slice %arg3[%run_scoped3A_23, %multiple_of3A_22] : memref<2x160000xi32, #tpu.memory_space<hbm>> -> memref<1x1000xi32, #tpu.memory_space<hbm>>
      %dma_start3A_59 = tpu.memref_squeeze %dma_start3A_58 : memref<1x1000xi32, #tpu.memory_space<hbm>> -> memref<1000xi32, #tpu.memory_space<hbm>>
      %dma_start3A_60 = tpu.memref_slice %arg3[%run_scoped3A_23, %multiple_of3A_22] : memref<2x160000xi32, #tpu.memory_space<hbm>> -> memref<1x1000xi32, #tpu.memory_space<hbm>>
      %dma_start3A_61 = tpu.memref_squeeze %dma_start3A_60 : memref<1x1000xi32, #tpu.memory_space<hbm>> -> memref<1000xi32, #tpu.memory_space<hbm>>
      tpu.enqueue_dma source(%dma_start3A_61 : memref<1000xi32, #tpu.memory_space<hbm>>) target(%arg5 : memref<1000xi32, #tpu.memory_space<vmem>>) target_semaphore(%run_scoped3A_57 : memref<!tpu.dma_semaphore, #tpu.memory_space<semaphore_mem>>)
      %dma_wait3A_62 = tpu.memref_slice %arg3[%run_scoped3A_23, %multiple_of3A_22] : memref<2x160000xi32, #tpu.memory_space<hbm>> -> memref<1x1000xi32, #tpu.memory_space<hbm>>
      %dma_wait3A_63 = tpu.memref_squeeze %dma_wait3A_62 : memref<1x1000xi32, #tpu.memory_space<hbm>> -> memref<1000xi32, #tpu.memory_space<hbm>>
      %dma_wait3A_64 = tpu.memref_slice %arg3[%run_scoped3A_23, %multiple_of3A_22] : memref<2x160000xi32, #tpu.memory_space<hbm>> -> memref<1x1000xi32, #tpu.memory_space<hbm>>
      %dma_wait3A_65 = tpu.memref_squeeze %dma_wait3A_64 : memref<1x1000xi32, #tpu.memory_space<hbm>> -> memref<1000xi32, #tpu.memory_space<hbm>>
      tpu.wait_dma2 semaphore(%run_scoped3A_57 : memref<!tpu.dma_semaphore, #tpu.memory_space<semaphore_mem>>) src(%dma_wait3A_65 : memref<1000xi32, #tpu.memory_space<hbm>>) dst(%arg5 : memref<1000xi32, #tpu.memory_space<vmem>>)
      tpu.yield
    }) : () -> ()
    %dma_start3A_24 = arith.constant 0 : i32
    %dma_start3A_25 = arith.constant 0 : i32
    %dma_start3A_26 = tpu.memref_slice %arg2[%dma_start3A_24, %dma_start3A_25] : memref<10000x32xf32, #tpu.memory_space<hbm>> -> memref<10000x32xf32, #tpu.memory_space<hbm>>
    tpu.enqueue_indirect_dma source(%dma_start3A_26 : memref<10000x32xf32, #tpu.memory_space<hbm>>) target(%arg7 : memref<1000x32xf32, #tpu.memory_space<vmem>>) offsets(%arg5 : memref<1000xi32, #tpu.memory_space<vmem>>) semaphore(%arg9 : memref<!tpu.dma_semaphore, #tpu.memory_space<semaphore_mem>>)
    %dma_wait3A_27 = arith.constant 0 : i32
    %dma_wait3A_28 = arith.constant 0 : i32
    %dma_wait3A_29 = tpu.memref_slice %arg2[%dma_wait3A_27, %dma_wait3A_28] : memref<10000x32xf32, #tpu.memory_space<hbm>> -> memref<10000x32xf32, #tpu.memory_space<hbm>>
    tpu.wait_indirect_dma semaphore(%arg10 : memref<!tpu.dma_semaphore, #tpu.memory_space<semaphore_mem>>) src(%dma_wait3A_29 : memref<10000x32xf32, #tpu.memory_space<hbm>>) dst(%arg8 : memref<1000x32xf32, #tpu.memory_space<vmem>>)
    "tpu.region"() ({
      %run_scoped3A_57 = tpu.sem_alloc : memref<!tpu.dma_semaphore, #tpu.memory_space<semaphore_mem>>
      %dma_start3A_58 = arith.constant 0 : i32
      %dma_start3A_59 = tpu.memref_slice %arg4[%multiple_of3A_11, %dma_start3A_58] : memref<160000x32xf32, #tpu.memory_space<hbm>> -> memref<1000x32xf32, #tpu.memory_space<hbm>>
      %dma_start3A_60 = arith.constant 0 : i32
      %dma_start3A_61 = tpu.memref_slice %arg4[%multiple_of3A_11, %dma_start3A_60] : memref<160000x32xf32, #tpu.memory_space<hbm>> -> memref<1000x32xf32, #tpu.memory_space<hbm>>
      tpu.enqueue_dma source(%arg8 : memref<1000x32xf32, #tpu.memory_space<vmem>>) target(%dma_start3A_61 : memref<1000x32xf32, #tpu.memory_space<hbm>>) target_semaphore(%run_scoped3A_57 : memref<!tpu.dma_semaphore, #tpu.memory_space<semaphore_mem>>)
      %dma_wait3A_62 = arith.constant 0 : i32
      %dma_wait3A_63 = tpu.memref_slice %arg4[%multiple_of3A_11, %dma_wait3A_62] : memref<160000x32xf32, #tpu.memory_space<hbm>> -> memref<1000x32xf32, #tpu.memory_space<hbm>>
      %dma_wait3A_64 = arith.constant 0 : i32
      %dma_wait3A_65 = tpu.memref_slice %arg4[%multiple_of3A_11, %dma_wait3A_64] : memref<160000x32xf32, #tpu.memory_space<hbm>> -> memref<1000x32xf32, #tpu.memory_space<hbm>>
      tpu.wait_dma2 semaphore(%run_scoped3A_57 : memref<!tpu.dma_semaphore, #tpu.memory_space<semaphore_mem>>) src(%arg8 : memref<1000x32xf32, #tpu.memory_space<vmem>>) dst(%dma_wait3A_65 : memref<1000x32xf32, #tpu.memory_space<hbm>>)
      tpu.yield
    }) : () -> ()
    %mul3A_30 = arith.constant 5000 : i32
    %mul3A_31 = arith.muli %add3A, %mul3A_30 : i32
    %add3A_32 = arith.constant 3000 : i32
    %add3A_33 = arith.addi %mul3A_31, %add3A_32 : i32
    %multiple_of3A_34 = tpu.assume_multiple %add3A_33, 8 : i32
    %run_scoped3A_35 = arith.constant 0 : i32
    "tpu.region"() ({
      %run_scoped3A_57 = tpu.sem_alloc : memref<!tpu.dma_semaphore, #tpu.memory_space<semaphore_mem>>
      %dma_start3A_58 = tpu.memref_slice %arg3[%run_scoped3A_35, %multiple_of3A_34] : memref<2x160000xi32, #tpu.memory_space<hbm>> -> memref<1x1000xi32, #tpu.memory_space<hbm>>
      %dma_start3A_59 = tpu.memref_squeeze %dma_start3A_58 : memref<1x1000xi32, #tpu.memory_space<hbm>> -> memref<1000xi32, #tpu.memory_space<hbm>>
      %dma_start3A_60 = tpu.memref_slice %arg3[%run_scoped3A_35, %multiple_of3A_34] : memref<2x160000xi32, #tpu.memory_space<hbm>> -> memref<1x1000xi32, #tpu.memory_space<hbm>>
      %dma_start3A_61 = tpu.memref_squeeze %dma_start3A_60 : memref<1x1000xi32, #tpu.memory_space<hbm>> -> memref<1000xi32, #tpu.memory_space<hbm>>
      tpu.enqueue_dma source(%dma_start3A_61 : memref<1000xi32, #tpu.memory_space<hbm>>) target(%arg6 : memref<1000xi32, #tpu.memory_space<vmem>>) target_semaphore(%run_scoped3A_57 : memref<!tpu.dma_semaphore, #tpu.memory_space<semaphore_mem>>)
      %dma_wait3A_62 = tpu.memref_slice %arg3[%run_scoped3A_35, %multiple_of3A_34] : memref<2x160000xi32, #tpu.memory_space<hbm>> -> memref<1x1000xi32, #tpu.memory_space<hbm>>
      %dma_wait3A_63 = tpu.memref_squeeze %dma_wait3A_62 : memref<1x1000xi32, #tpu.memory_space<hbm>> -> memref<1000xi32, #tpu.memory_space<hbm>>
      %dma_wait3A_64 = tpu.memref_slice %arg3[%run_scoped3A_35, %multiple_of3A_34] : memref<2x160000xi32, #tpu.memory_space<hbm>> -> memref<1x1000xi32, #tpu.memory_space<hbm>>
      %dma_wait3A_65 = tpu.memref_squeeze %dma_wait3A_64 : memref<1x1000xi32, #tpu.memory_space<hbm>> -> memref<1000xi32, #tpu.memory_space<hbm>>
      tpu.wait_dma2 semaphore(%run_scoped3A_57 : memref<!tpu.dma_semaphore, #tpu.memory_space<semaphore_mem>>) src(%dma_wait3A_65 : memref<1000xi32, #tpu.memory_space<hbm>>) dst(%arg6 : memref<1000xi32, #tpu.memory_space<vmem>>)
      tpu.yield
    }) : () -> ()
    %dma_start3A_36 = arith.constant 0 : i32
    %dma_start3A_37 = arith.constant 0 : i32
    %dma_start3A_38 = tpu.memref_slice %arg2[%dma_start3A_36, %dma_start3A_37] : memref<10000x32xf32, #tpu.memory_space<hbm>> -> memref<10000x32xf32, #tpu.memory_space<hbm>>
    tpu.enqueue_indirect_dma source(%dma_start3A_38 : memref<10000x32xf32, #tpu.memory_space<hbm>>) target(%arg8 : memref<1000x32xf32, #tpu.memory_space<vmem>>) offsets(%arg6 : memref<1000xi32, #tpu.memory_space<vmem>>) semaphore(%arg10 : memref<!tpu.dma_semaphore, #tpu.memory_space<semaphore_mem>>)
    %dma_wait3A_39 = arith.constant 0 : i32
    %dma_wait3A_40 = arith.constant 0 : i32
    %dma_wait3A_41 = tpu.memref_slice %arg2[%dma_wait3A_39, %dma_wait3A_40] : memref<10000x32xf32, #tpu.memory_space<hbm>> -> memref<10000x32xf32, #tpu.memory_space<hbm>>
    tpu.wait_indirect_dma semaphore(%arg9 : memref<!tpu.dma_semaphore, #tpu.memory_space<semaphore_mem>>) src(%dma_wait3A_41 : memref<10000x32xf32, #tpu.memory_space<hbm>>) dst(%arg7 : memref<1000x32xf32, #tpu.memory_space<vmem>>)
    "tpu.region"() ({
      %run_scoped3A_57 = tpu.sem_alloc : memref<!tpu.dma_semaphore, #tpu.memory_space<semaphore_mem>>
      %dma_start3A_58 = arith.constant 0 : i32
      %dma_start3A_59 = tpu.memref_slice %arg4[%multiple_of3A_22, %dma_start3A_58] : memref<160000x32xf32, #tpu.memory_space<hbm>> -> memref<1000x32xf32, #tpu.memory_space<hbm>>
      %dma_start3A_60 = arith.constant 0 : i32
      %dma_start3A_61 = tpu.memref_slice %arg4[%multiple_of3A_22, %dma_start3A_60] : memref<160000x32xf32, #tpu.memory_space<hbm>> -> memref<1000x32xf32, #tpu.memory_space<hbm>>
      tpu.enqueue_dma source(%arg7 : memref<1000x32xf32, #tpu.memory_space<vmem>>) target(%dma_start3A_61 : memref<1000x32xf32, #tpu.memory_space<hbm>>) target_semaphore(%run_scoped3A_57 : memref<!tpu.dma_semaphore, #tpu.memory_space<semaphore_mem>>)
      %dma_wait3A_62 = arith.constant 0 : i32
      %dma_wait3A_63 = tpu.memref_slice %arg4[%multiple_of3A_22, %dma_wait3A_62] : memref<160000x32xf32, #tpu.memory_space<hbm>> -> memref<1000x32xf32, #tpu.memory_space<hbm>>
      %dma_wait3A_64 = arith.constant 0 : i32
      %dma_wait3A_65 = tpu.memref_slice %arg4[%multiple_of3A_22, %dma_wait3A_64] : memref<160000x32xf32, #tpu.memory_space<hbm>> -> memref<1000x32xf32, #tpu.memory_space<hbm>>
      tpu.wait_dma2 semaphore(%run_scoped3A_57 : memref<!tpu.dma_semaphore, #tpu.memory_space<semaphore_mem>>) src(%arg7 : memref<1000x32xf32, #tpu.memory_space<vmem>>) dst(%dma_wait3A_65 : memref<1000x32xf32, #tpu.memory_space<hbm>>)
      tpu.yield
    }) : () -> ()
    %mul3A_42 = arith.constant 5000 : i32
    %mul3A_43 = arith.muli %add3A, %mul3A_42 : i32
    %add3A_44 = arith.constant 4000 : i32
    %add3A_45 = arith.addi %mul3A_43, %add3A_44 : i32
    %multiple_of3A_46 = tpu.assume_multiple %add3A_45, 8 : i32
    %run_scoped3A_47 = arith.constant 0 : i32
    "tpu.region"() ({
      %run_scoped3A_57 = tpu.sem_alloc : memref<!tpu.dma_semaphore, #tpu.memory_space<semaphore_mem>>
      %dma_start3A_58 = tpu.memref_slice %arg3[%run_scoped3A_47, %multiple_of3A_46] : memref<2x160000xi32, #tpu.memory_space<hbm>> -> memref<1x1000xi32, #tpu.memory_space<hbm>>
      %dma_start3A_59 = tpu.memref_squeeze %dma_start3A_58 : memref<1x1000xi32, #tpu.memory_space<hbm>> -> memref<1000xi32, #tpu.memory_space<hbm>>
      %dma_start3A_60 = tpu.memref_slice %arg3[%run_scoped3A_47, %multiple_of3A_46] : memref<2x160000xi32, #tpu.memory_space<hbm>> -> memref<1x1000xi32, #tpu.memory_space<hbm>>
      %dma_start3A_61 = tpu.memref_squeeze %dma_start3A_60 : memref<1x1000xi32, #tpu.memory_space<hbm>> -> memref<1000xi32, #tpu.memory_space<hbm>>
      tpu.enqueue_dma source(%dma_start3A_61 : memref<1000xi32, #tpu.memory_space<hbm>>) target(%arg5 : memref<1000xi32, #tpu.memory_space<vmem>>) target_semaphore(%run_scoped3A_57 : memref<!tpu.dma_semaphore, #tpu.memory_space<semaphore_mem>>)
      %dma_wait3A_62 = tpu.memref_slice %arg3[%run_scoped3A_47, %multiple_of3A_46] : memref<2x160000xi32, #tpu.memory_space<hbm>> -> memref<1x1000xi32, #tpu.memory_space<hbm>>
      %dma_wait3A_63 = tpu.memref_squeeze %dma_wait3A_62 : memref<1x1000xi32, #tpu.memory_space<hbm>> -> memref<1000xi32, #tpu.memory_space<hbm>>
      %dma_wait3A_64 = tpu.memref_slice %arg3[%run_scoped3A_47, %multiple_of3A_46] : memref<2x160000xi32, #tpu.memory_space<hbm>> -> memref<1x1000xi32, #tpu.memory_space<hbm>>
      %dma_wait3A_65 = tpu.memref_squeeze %dma_wait3A_64 : memref<1x1000xi32, #tpu.memory_space<hbm>> -> memref<1000xi32, #tpu.memory_space<hbm>>
      tpu.wait_dma2 semaphore(%run_scoped3A_57 : memref<!tpu.dma_semaphore, #tpu.memory_space<semaphore_mem>>) src(%dma_wait3A_65 : memref<1000xi32, #tpu.memory_space<hbm>>) dst(%arg5 : memref<1000xi32, #tpu.memory_space<vmem>>)
      tpu.yield
    }) : () -> ()
    %dma_start3A_48 = arith.constant 0 : i32
    %dma_start3A_49 = arith.constant 0 : i32
    %dma_start3A_50 = tpu.memref_slice %arg2[%dma_start3A_48, %dma_start3A_49] : memref<10000x32xf32, #tpu.memory_space<hbm>> -> memref<10000x32xf32, #tpu.memory_space<hbm>>
    tpu.enqueue_indirect_dma source(%dma_start3A_50 : memref<10000x32xf32, #tpu.memory_space<hbm>>) target(%arg7 : memref<1000x32xf32, #tpu.memory_space<vmem>>) offsets(%arg5 : memref<1000xi32, #tpu.memory_space<vmem>>) semaphore(%arg9 : memref<!tpu.dma_semaphore, #tpu.memory_space<semaphore_mem>>)
    %dma_wait3A_51 = arith.constant 0 : i32
    %dma_wait3A_52 = arith.constant 0 : i32
    %dma_wait3A_53 = tpu.memref_slice %arg2[%dma_wait3A_51, %dma_wait3A_52] : memref<10000x32xf32, #tpu.memory_space<hbm>> -> memref<10000x32xf32, #tpu.memory_space<hbm>>
    tpu.wait_indirect_dma semaphore(%arg9 : memref<!tpu.dma_semaphore, #tpu.memory_space<semaphore_mem>>) src(%dma_wait3A_53 : memref<10000x32xf32, #tpu.memory_space<hbm>>) dst(%arg7 : memref<1000x32xf32, #tpu.memory_space<vmem>>)
    "tpu.region"() ({
      %run_scoped3A_57 = tpu.sem_alloc : memref<!tpu.dma_semaphore, #tpu.memory_space<semaphore_mem>>
      %dma_start3A_58 = arith.constant 0 : i32
      %dma_start3A_59 = tpu.memref_slice %arg4[%multiple_of3A_46, %dma_start3A_58] : memref<160000x32xf32, #tpu.memory_space<hbm>> -> memref<1000x32xf32, #tpu.memory_space<hbm>>
      %dma_start3A_60 = arith.constant 0 : i32
      %dma_start3A_61 = tpu.memref_slice %arg4[%multiple_of3A_46, %dma_start3A_60] : memref<160000x32xf32, #tpu.memory_space<hbm>> -> memref<1000x32xf32, #tpu.memory_space<hbm>>
      tpu.enqueue_dma source(%arg7 : memref<1000x32xf32, #tpu.memory_space<vmem>>) target(%dma_start3A_61 : memref<1000x32xf32, #tpu.memory_space<hbm>>) target_semaphore(%run_scoped3A_57 : memref<!tpu.dma_semaphore, #tpu.memory_space<semaphore_mem>>)
      %dma_wait3A_62 = arith.constant 0 : i32
      %dma_wait3A_63 = tpu.memref_slice %arg4[%multiple_of3A_46, %dma_wait3A_62] : memref<160000x32xf32, #tpu.memory_space<hbm>> -> memref<1000x32xf32, #tpu.memory_space<hbm>>
      %dma_wait3A_64 = arith.constant 0 : i32
      %dma_wait3A_65 = tpu.memref_slice %arg4[%multiple_of3A_46, %dma_wait3A_64] : memref<160000x32xf32, #tpu.memory_space<hbm>> -> memref<1000x32xf32, #tpu.memory_space<hbm>>
      tpu.wait_dma2 semaphore(%run_scoped3A_57 : memref<!tpu.dma_semaphore, #tpu.memory_space<semaphore_mem>>) src(%arg7 : memref<1000x32xf32, #tpu.memory_space<vmem>>) dst(%dma_wait3A_65 : memref<1000x32xf32, #tpu.memory_space<hbm>>)
      tpu.yield
    }) : () -> ()
    %dma_wait3A_54 = arith.constant 0 : i32
    %dma_wait3A_55 = arith.constant 0 : i32
    %dma_wait3A_56 = tpu.memref_slice %arg2[%dma_wait3A_54, %dma_wait3A_55] : memref<10000x32xf32, #tpu.memory_space<hbm>> -> memref<10000x32xf32, #tpu.memory_space<hbm>>
    tpu.wait_indirect_dma semaphore(%arg10 : memref<!tpu.dma_semaphore, #tpu.memory_space<semaphore_mem>>) src(%dma_wait3A_56 : memref<10000x32xf32, #tpu.memory_space<hbm>>) dst(%arg8 : memref<1000x32xf32, #tpu.memory_space<vmem>>)
    "tpu.region"() ({
      %run_scoped3A_57 = tpu.sem_alloc : memref<!tpu.dma_semaphore, #tpu.memory_space<semaphore_mem>>
      %dma_start3A_58 = arith.constant 0 : i32
      %dma_start3A_59 = tpu.memref_slice %arg4[%multiple_of3A_34, %dma_start3A_58] : memref<160000x32xf32, #tpu.memory_space<hbm>> -> memref<1000x32xf32, #tpu.memory_space<hbm>>
      %dma_start3A_60 = arith.constant 0 : i32
      %dma_start3A_61 = tpu.memref_slice %arg4[%multiple_of3A_34, %dma_start3A_60] : memref<160000x32xf32, #tpu.memory_space<hbm>> -> memref<1000x32xf32, #tpu.memory_space<hbm>>
      tpu.enqueue_dma source(%arg8 : memref<1000x32xf32, #tpu.memory_space<vmem>>) target(%dma_start3A_61 : memref<1000x32xf32, #tpu.memory_space<hbm>>) target_semaphore(%run_scoped3A_57 : memref<!tpu.dma_semaphore, #tpu.memory_space<semaphore_mem>>)
      %dma_wait3A_62 = arith.constant 0 : i32
      %dma_wait3A_63 = tpu.memref_slice %arg4[%multiple_of3A_34, %dma_wait3A_62] : memref<160000x32xf32, #tpu.memory_space<hbm>> -> memref<1000x32xf32, #tpu.memory_space<hbm>>
      %dma_wait3A_64 = arith.constant 0 : i32
      %dma_wait3A_65 = tpu.memref_slice %arg4[%multiple_of3A_34, %dma_wait3A_64] : memref<160000x32xf32, #tpu.memory_space<hbm>> -> memref<1000x32xf32, #tpu.memory_space<hbm>>
      tpu.wait_dma2 semaphore(%run_scoped3A_57 : memref<!tpu.dma_semaphore, #tpu.memory_space<semaphore_mem>>) src(%arg8 : memref<1000x32xf32, #tpu.memory_space<vmem>>) dst(%dma_wait3A_65 : memref<1000x32xf32, #tpu.memory_space<hbm>>)
      tpu.yield
    }) : () -> ()
    return
  }
}

module attributes {stable_mosaic.version = 14 : i64} {
  func.func @_edge_body(%arg0: i32, %arg1: memref<800x128xf32, #tpu.memory_space<vmem>>, %arg2: memref<800x128xf32, #tpu.memory_space<vmem>>, %arg3: memref<128x256xf32, #tpu.memory_space<vmem>>, %arg4: memref<1x256xf32, #tpu.memory_space<vmem>>, %arg5: memref<256x4096xbf16, #tpu.memory_space<vmem>>, %arg6: memref<128x128xbf16, #tpu.memory_space<vmem>>, %arg7: memref<128x4096xbf16, #tpu.memory_space<vmem>>, %arg8: memref<512x128xf32, #tpu.memory_space<vmem>>, %arg9: memref<800x128xf32, #tpu.memory_space<vmem>>) attributes {dimension_semantics = [#tpu.dimension_semantics<arbitrary>], iteration_bounds = array<i64: 50>, scalar_prefetch = 0 : i64, scratch_operands = 0 : i64, tpu.core_type = #tpu.core_type<tc>, window_params = [{transform_indices = @transform_0, window_bounds = array<i64: 800, 128>}, {transform_indices = @transform_1, window_bounds = array<i64: 800, 128>}, {pipeline_mode = #tpu.pipeline_mode<synchronous>, transform_indices = @transform_2, window_bounds = array<i64: 128, 256>}, {pipeline_mode = #tpu.pipeline_mode<synchronous>, transform_indices = @transform_3, window_bounds = array<i64: 1, 256>}, {pipeline_mode = #tpu.pipeline_mode<synchronous>, transform_indices = @transform_4, window_bounds = array<i64: 256, 4096>}, {pipeline_mode = #tpu.pipeline_mode<synchronous>, transform_indices = @transform_5, window_bounds = array<i64: 128, 128>}, {pipeline_mode = #tpu.pipeline_mode<synchronous>, transform_indices = @transform_6, window_bounds = array<i64: 128, 4096>}, {pipeline_mode = #tpu.pipeline_mode<synchronous>, transform_indices = @transform_7, window_bounds = array<i64: 512, 128>}, {transform_indices = @transform_8, window_bounds = array<i64: 800, 128>}]} {
    %get3A = arith.constant 0 : index
    %get3A_0 = arith.constant 0 : index
    %get3A_1 = vector.load %arg1[%get3A, %get3A_0] : memref<800x128xf32, #tpu.memory_space<vmem>>, vector<800x128xf32>
    %get3A_2 = arith.constant 0 : index
    %get3A_3 = arith.constant 0 : index
    %get3A_4 = vector.load %arg3[%get3A_2, %get3A_3] : memref<128x256xf32, #tpu.memory_space<vmem>>, vector<128x256xf32>
    %dot_general3A = arith.constant dense<0.000000e+00> : vector<800x256xf32>
    %dot_general3A_5 = tpu.matmul %get3A_1, %get3A_4, %dot_general3A {dimension_numbers = #tpu.dot_dimension_numbers<[1], [0], [0], [1], [0, 0, 1, 1], [], []>, transpose_lhs_hint = false} : vector<800x128xf32>, vector<128x256xf32>, vector<800x256xf32> -> vector<800x256xf32>
    %get3A_6 = arith.constant 0 : index
    %get3A_7 = arith.constant 0 : index
    %get3A_8 = vector.load %arg4[%get3A_6, %get3A_7] : memref<1x256xf32, #tpu.memory_space<vmem>>, vector<1x256xf32>
    %add3A = vector.broadcast %get3A_8 : vector<1x256xf32> to vector<800x256xf32>
    %add3A_9 = arith.addf %dot_general3A_5, %add3A : vector<800x256xf32>
    %max3A = arith.constant 0.000000e+00 : f32
    %max3A_10 = vector.broadcast %max3A : f32 to vector<800x256xf32>
    %max3A_11 = arith.maximumf %add3A_9, %max3A_10 : vector<800x256xf32>
    %convert_element_type3A = arith.truncf %max3A_11 : vector<800x256xf32> to vector<800x256xbf16>
    %get3A_12 = arith.constant 0 : index
    %get3A_13 = arith.constant 0 : index
    %get3A_14 = vector.load %arg5[%get3A_12, %get3A_13] : memref<256x4096xbf16, #tpu.memory_space<vmem>>, vector<256x4096xbf16>
    %dot_general3A_15 = arith.constant dense<0.000000e+00> : vector<800x4096xf32>
    %dot_general3A_16 = tpu.matmul %convert_element_type3A, %get3A_14, %dot_general3A_15 {dimension_numbers = #tpu.dot_dimension_numbers<[1], [0], [0], [1], [0, 0, 1, 1], [], []>, transpose_lhs_hint = false} : vector<800x256xbf16>, vector<256x4096xbf16>, vector<800x4096xf32> -> vector<800x4096xf32>
    %get3A_17 = arith.constant 0 : index
    %get3A_18 = arith.constant 0 : index
    %get3A_19 = vector.load %arg2[%get3A_17, %get3A_18] : memref<800x128xf32, #tpu.memory_space<vmem>>, vector<800x128xf32>
    %convert_element_type3A_20 = arith.truncf %get3A_19 : vector<800x128xf32> to vector<800x128xbf16>
    %get3A_21 = arith.constant 0 : index
    %get3A_22 = arith.constant 0 : index
    %get3A_23 = vector.load %arg7[%get3A_21, %get3A_22] : memref<128x4096xbf16, #tpu.memory_space<vmem>>, vector<128x4096xbf16>
    %dot_general3A_24 = arith.constant dense<0.000000e+00> : vector<800x4096xf32>
    %dot_general3A_25 = tpu.matmul %convert_element_type3A_20, %get3A_23, %dot_general3A_24 {dimension_numbers = #tpu.dot_dimension_numbers<[1], [0], [0], [1], [0, 0, 1, 1], [], []>, transpose_lhs_hint = false} : vector<800x128xbf16>, vector<128x4096xbf16>, vector<800x4096xf32> -> vector<800x4096xf32>
    %mul3A = arith.mulf %dot_general3A_16, %dot_general3A_25 : vector<800x4096xf32>
    %slice3A = vector.extract_strided_slice %mul3A {offsets = [0, 0], sizes = [800, 128], strides = [1, 1]} : vector<800x4096xf32> to vector<800x128xf32>
    %slice3A_26 = vector.extract_strided_slice %mul3A {offsets = [0, 128], sizes = [800, 128], strides = [1, 1]} : vector<800x4096xf32> to vector<800x128xf32>
    %add3A_27 = arith.addf %slice3A, %slice3A_26 : vector<800x128xf32>
    %slice3A_28 = vector.extract_strided_slice %mul3A {offsets = [0, 256], sizes = [800, 128], strides = [1, 1]} : vector<800x4096xf32> to vector<800x128xf32>
    %add3A_29 = arith.addf %add3A_27, %slice3A_28 : vector<800x128xf32>
    %slice3A_30 = vector.extract_strided_slice %mul3A {offsets = [0, 384], sizes = [800, 128], strides = [1, 1]} : vector<800x4096xf32> to vector<800x128xf32>
    %add3A_31 = arith.addf %add3A_29, %slice3A_30 : vector<800x128xf32>
    %slice3A_32 = vector.extract_strided_slice %mul3A {offsets = [0, 512], sizes = [800, 128], strides = [1, 1]} : vector<800x4096xf32> to vector<800x128xf32>
    %add3A_33 = arith.addf %add3A_31, %slice3A_32 : vector<800x128xf32>
    %slice3A_34 = vector.extract_strided_slice %mul3A {offsets = [0, 640], sizes = [800, 128], strides = [1, 1]} : vector<800x4096xf32> to vector<800x128xf32>
    %add3A_35 = arith.addf %add3A_33, %slice3A_34 : vector<800x128xf32>
    %slice3A_36 = vector.extract_strided_slice %mul3A {offsets = [0, 768], sizes = [800, 128], strides = [1, 1]} : vector<800x4096xf32> to vector<800x128xf32>
    %add3A_37 = arith.addf %add3A_35, %slice3A_36 : vector<800x128xf32>
    %slice3A_38 = vector.extract_strided_slice %mul3A {offsets = [0, 896], sizes = [800, 128], strides = [1, 1]} : vector<800x4096xf32> to vector<800x128xf32>
    %add3A_39 = arith.addf %add3A_37, %slice3A_38 : vector<800x128xf32>
    %slice3A_40 = vector.extract_strided_slice %mul3A {offsets = [0, 1024], sizes = [800, 128], strides = [1, 1]} : vector<800x4096xf32> to vector<800x128xf32>
    %slice3A_41 = vector.extract_strided_slice %mul3A {offsets = [0, 1152], sizes = [800, 128], strides = [1, 1]} : vector<800x4096xf32> to vector<800x128xf32>
    %add3A_42 = arith.addf %slice3A_40, %slice3A_41 : vector<800x128xf32>
    %slice3A_43 = vector.extract_strided_slice %mul3A {offsets = [0, 1280], sizes = [800, 128], strides = [1, 1]} : vector<800x4096xf32> to vector<800x128xf32>
    %add3A_44 = arith.addf %add3A_42, %slice3A_43 : vector<800x128xf32>
    %slice3A_45 = vector.extract_strided_slice %mul3A {offsets = [0, 1408], sizes = [800, 128], strides = [1, 1]} : vector<800x4096xf32> to vector<800x128xf32>
    %add3A_46 = arith.addf %add3A_44, %slice3A_45 : vector<800x128xf32>
    %slice3A_47 = vector.extract_strided_slice %mul3A {offsets = [0, 1536], sizes = [800, 128], strides = [1, 1]} : vector<800x4096xf32> to vector<800x128xf32>
    %add3A_48 = arith.addf %add3A_46, %slice3A_47 : vector<800x128xf32>
    %slice3A_49 = vector.extract_strided_slice %mul3A {offsets = [0, 1664], sizes = [800, 128], strides = [1, 1]} : vector<800x4096xf32> to vector<800x128xf32>
    %add3A_50 = arith.addf %add3A_48, %slice3A_49 : vector<800x128xf32>
    %slice3A_51 = vector.extract_strided_slice %mul3A {offsets = [0, 1792], sizes = [800, 128], strides = [1, 1]} : vector<800x4096xf32> to vector<800x128xf32>
    %add3A_52 = arith.addf %add3A_50, %slice3A_51 : vector<800x128xf32>
    %slice3A_53 = vector.extract_strided_slice %mul3A {offsets = [0, 1920], sizes = [800, 128], strides = [1, 1]} : vector<800x4096xf32> to vector<800x128xf32>
    %add3A_54 = arith.addf %add3A_52, %slice3A_53 : vector<800x128xf32>
    %slice3A_55 = vector.extract_strided_slice %mul3A {offsets = [0, 2048], sizes = [800, 128], strides = [1, 1]} : vector<800x4096xf32> to vector<800x128xf32>
    %slice3A_56 = vector.extract_strided_slice %mul3A {offsets = [0, 2176], sizes = [800, 128], strides = [1, 1]} : vector<800x4096xf32> to vector<800x128xf32>
    %add3A_57 = arith.addf %slice3A_55, %slice3A_56 : vector<800x128xf32>
    %slice3A_58 = vector.extract_strided_slice %mul3A {offsets = [0, 2304], sizes = [800, 128], strides = [1, 1]} : vector<800x4096xf32> to vector<800x128xf32>
    %add3A_59 = arith.addf %add3A_57, %slice3A_58 : vector<800x128xf32>
    %slice3A_60 = vector.extract_strided_slice %mul3A {offsets = [0, 2432], sizes = [800, 128], strides = [1, 1]} : vector<800x4096xf32> to vector<800x128xf32>
    %add3A_61 = arith.addf %add3A_59, %slice3A_60 : vector<800x128xf32>
    %slice3A_62 = vector.extract_strided_slice %mul3A {offsets = [0, 2560], sizes = [800, 128], strides = [1, 1]} : vector<800x4096xf32> to vector<800x128xf32>
    %add3A_63 = arith.addf %add3A_61, %slice3A_62 : vector<800x128xf32>
    %slice3A_64 = vector.extract_strided_slice %mul3A {offsets = [0, 2688], sizes = [800, 128], strides = [1, 1]} : vector<800x4096xf32> to vector<800x128xf32>
    %add3A_65 = arith.addf %add3A_63, %slice3A_64 : vector<800x128xf32>
    %slice3A_66 = vector.extract_strided_slice %mul3A {offsets = [0, 2816], sizes = [800, 128], strides = [1, 1]} : vector<800x4096xf32> to vector<800x128xf32>
    %add3A_67 = arith.addf %add3A_65, %slice3A_66 : vector<800x128xf32>
    %slice3A_68 = vector.extract_strided_slice %mul3A {offsets = [0, 2944], sizes = [800, 128], strides = [1, 1]} : vector<800x4096xf32> to vector<800x128xf32>
    %add3A_69 = arith.addf %add3A_67, %slice3A_68 : vector<800x128xf32>
    %slice3A_70 = vector.extract_strided_slice %mul3A {offsets = [0, 3072], sizes = [800, 128], strides = [1, 1]} : vector<800x4096xf32> to vector<800x128xf32>
    %slice3A_71 = vector.extract_strided_slice %mul3A {offsets = [0, 3200], sizes = [800, 128], strides = [1, 1]} : vector<800x4096xf32> to vector<800x128xf32>
    %add3A_72 = arith.addf %slice3A_70, %slice3A_71 : vector<800x128xf32>
    %slice3A_73 = vector.extract_strided_slice %mul3A {offsets = [0, 3328], sizes = [800, 128], strides = [1, 1]} : vector<800x4096xf32> to vector<800x128xf32>
    %add3A_74 = arith.addf %add3A_72, %slice3A_73 : vector<800x128xf32>
    %slice3A_75 = vector.extract_strided_slice %mul3A {offsets = [0, 3456], sizes = [800, 128], strides = [1, 1]} : vector<800x4096xf32> to vector<800x128xf32>
    %add3A_76 = arith.addf %add3A_74, %slice3A_75 : vector<800x128xf32>
    %slice3A_77 = vector.extract_strided_slice %mul3A {offsets = [0, 3584], sizes = [800, 128], strides = [1, 1]} : vector<800x4096xf32> to vector<800x128xf32>
    %add3A_78 = arith.addf %add3A_76, %slice3A_77 : vector<800x128xf32>
    %slice3A_79 = vector.extract_strided_slice %mul3A {offsets = [0, 3712], sizes = [800, 128], strides = [1, 1]} : vector<800x4096xf32> to vector<800x128xf32>
    %add3A_80 = arith.addf %add3A_78, %slice3A_79 : vector<800x128xf32>
    %slice3A_81 = vector.extract_strided_slice %mul3A {offsets = [0, 3840], sizes = [800, 128], strides = [1, 1]} : vector<800x4096xf32> to vector<800x128xf32>
    %add3A_82 = arith.addf %add3A_80, %slice3A_81 : vector<800x128xf32>
    %slice3A_83 = vector.extract_strided_slice %mul3A {offsets = [0, 3968], sizes = [800, 128], strides = [1, 1]} : vector<800x4096xf32> to vector<800x128xf32>
    %add3A_84 = arith.addf %add3A_82, %slice3A_83 : vector<800x128xf32>
    %concatenate3A = tpu.concatenate %add3A_39, %add3A_54, %add3A_69, %add3A_84 in 1 : vector<800x128xf32>, vector<800x128xf32>, vector<800x128xf32>, vector<800x128xf32> -> vector<800x512xf32>
    %get3A_85 = arith.constant 0 : index
    %get3A_86 = arith.constant 0 : index
    %get3A_87 = vector.load %arg8[%get3A_85, %get3A_86] : memref<512x128xf32, #tpu.memory_space<vmem>>, vector<512x128xf32>
    %dot_general3A_88 = arith.constant dense<0.000000e+00> : vector<800x128xf32>
    %dot_general3A_89 = tpu.matmul %concatenate3A, %get3A_87, %dot_general3A_88 {dimension_numbers = #tpu.dot_dimension_numbers<[1], [0], [0], [1], [0, 0, 1, 1], [], []>, transpose_lhs_hint = false} : vector<800x512xf32>, vector<512x128xf32>, vector<800x128xf32> -> vector<800x128xf32>
    %get3A_90 = arith.constant 0 : index
    %get3A_91 = arith.constant 0 : index
    %get3A_92 = vector.load %arg6[%get3A_90, %get3A_91] : memref<128x128xbf16, #tpu.memory_space<vmem>>, vector<128x128xbf16>
    %dot_general3A_93 = arith.constant dense<0.000000e+00> : vector<800x128xf32>
    %dot_general3A_94 = tpu.matmul %convert_element_type3A_20, %get3A_92, %dot_general3A_93 {dimension_numbers = #tpu.dot_dimension_numbers<[1], [0], [0], [1], [0, 0, 1, 1], [], []>, transpose_lhs_hint = false} : vector<800x128xbf16>, vector<128x128xbf16>, vector<800x128xf32> -> vector<800x128xf32>
    %add3A_95 = arith.addf %dot_general3A_89, %dot_general3A_94 : vector<800x128xf32>
    %swap3A = arith.constant 0 : index
    %swap3A_96 = arith.constant 0 : index
    %swap3A_97 = vector.load %arg9[%swap3A, %swap3A_96] : memref<800x128xf32, #tpu.memory_space<vmem>>, vector<800x128xf32>
    tpu.vector_store %arg9[%swap3A, %swap3A_96], %add3A_95 {strides = array<i32>} : memref<800x128xf32, #tpu.memory_space<vmem>>, vector<800x128xf32>,
    return
  }
  func.func @transform_0(%arg0: i32) -> (i32, i32) {
    %c0_i32 = arith.constant 0 : i32
    %c0_i32_0 = arith.constant 0 : i32
    return %arg0, %c0_i32 : i32, i32
  }
  func.func @transform_1(%arg0: i32) -> (i32, i32) {
    %c0_i32 = arith.constant 0 : i32
    %c0_i32_0 = arith.constant 0 : i32
    return %arg0, %c0_i32 : i32, i32
  }
  func.func @transform_2(%arg0: i32) -> (i32, i32) {
    %c0_i32 = arith.constant 0 : i32
    %c0_i32_0 = arith.constant 0 : i32
    %c0_i32_1 = arith.constant 0 : i32
    return %c0_i32, %c0_i32_0 : i32, i32
  }
  func.func @transform_3(%arg0: i32) -> (i32, i32) {
    %c0_i32 = arith.constant 0 : i32
    %c0_i32_0 = arith.constant 0 : i32
    %c0_i32_1 = arith.constant 0 : i32
    return %c0_i32, %c0_i32_0 : i32, i32
  }
  func.func @transform_4(%arg0: i32) -> (i32, i32) {
    %c0_i32 = arith.constant 0 : i32
    %c0_i32_0 = arith.constant 0 : i32
    %c0_i32_1 = arith.constant 0 : i32
    return %c0_i32, %c0_i32_0 : i32, i32
  }
  func.func @transform_5(%arg0: i32) -> (i32, i32) {
    %c0_i32 = arith.constant 0 : i32
    %c0_i32_0 = arith.constant 0 : i32
    %c0_i32_1 = arith.constant 0 : i32
    return %c0_i32, %c0_i32_0 : i32, i32
  }
  func.func @transform_6(%arg0: i32) -> (i32, i32) {
    %c0_i32 = arith.constant 0 : i32
    %c0_i32_0 = arith.constant 0 : i32
    %c0_i32_1 = arith.constant 0 : i32
    return %c0_i32, %c0_i32_0 : i32, i32
  }
  func.func @transform_7(%arg0: i32) -> (i32, i32) {
    %c0_i32 = arith.constant 0 : i32
    %c0_i32_0 = arith.constant 0 : i32
    %c0_i32_1 = arith.constant 0 : i32
    return %c0_i32, %c0_i32_0 : i32, i32
  }
  func.func @transform_8(%arg0: i32) -> (i32, i32) {
    %c0_i32 = arith.constant 0 : i32
    %c0_i32_0 = arith.constant 0 : i32
    return %arg0, %c0_i32 : i32, i32
  }
}

module attributes {stable_mosaic.version = 14 : i64} {
  func.func @_node_body(%arg0: memref<2x10000x32xf32, #tpu.memory_space<vmem>>, %arg1: memref<10000x32xf32, #tpu.memory_space<vmem>>, %arg2: memref<32x32xf32, #tpu.memory_space<vmem>>, %arg3: memref<1x32xf32, #tpu.memory_space<vmem>>, %arg4: memref<1x32xf32, #tpu.memory_space<vmem>>, %arg5: memref<1x32xf32, #tpu.memory_space<vmem>>, %arg6: memref<10000x32xf32, #tpu.memory_space<vmem>>) attributes {dimension_semantics = [], scalar_prefetch = 0 : i64, scratch_operands = 0 : i64, tpu.core_type = #tpu.core_type<tc>} {
    %get3A = arith.constant 0 : index
    %get3A_0 = arith.constant 0 : index
    %get3A_1 = arith.constant 0 : index
    %get3A_2 = vector.load %arg0[%get3A, %get3A_0, %get3A_1] : memref<2x10000x32xf32, #tpu.memory_space<vmem>>, vector<1x10000x32xf32>
    %get3A_3 = vector.shape_cast %get3A_2 : vector<1x10000x32xf32> to vector<10000x32xf32>
    %get3A_4 = arith.constant 1 : index
    %get3A_5 = arith.constant 0 : index
    %get3A_6 = arith.constant 0 : index
    %get3A_7 = vector.load %arg0[%get3A_4, %get3A_5, %get3A_6] : memref<2x10000x32xf32, #tpu.memory_space<vmem>>, vector<1x10000x32xf32>
    %get3A_8 = vector.shape_cast %get3A_7 : vector<1x10000x32xf32> to vector<10000x32xf32>
    %add3A = arith.addf %get3A_3, %get3A_8 : vector<10000x32xf32>
    %get3A_9 = arith.constant 0 : index
    %get3A_10 = arith.constant 0 : index
    %get3A_11 = vector.load %arg1[%get3A_9, %get3A_10] : memref<10000x32xf32, #tpu.memory_space<vmem>>, vector<10000x32xf32>
    %get3A_12 = arith.constant 0 : index
    %get3A_13 = arith.constant 0 : index
    %get3A_14 = vector.load %arg2[%get3A_12, %get3A_13] : memref<32x32xf32, #tpu.memory_space<vmem>>, vector<32x32xf32>
    %dot_general3A = arith.constant dense<0.000000e+00> : vector<10000x32xf32>
    %dot_general3A_15 = tpu.matmul %get3A_11, %get3A_14, %dot_general3A {dimension_numbers = #tpu.dot_dimension_numbers<[1], [0], [0], [1], [0, 0, 1, 1], [], []>, transpose_lhs_hint = false} : vector<10000x32xf32>, vector<32x32xf32>, vector<10000x32xf32> -> vector<10000x32xf32>
    %add3A_16 = arith.addf %add3A, %dot_general3A_15 : vector<10000x32xf32>
    %get3A_17 = arith.constant 0 : index
    %get3A_18 = arith.constant 0 : index
    %get3A_19 = vector.load %arg3[%get3A_17, %get3A_18] : memref<1x32xf32, #tpu.memory_space<vmem>>, vector<1x32xf32>
    %add3A_20 = vector.broadcast %get3A_19 : vector<1x32xf32> to vector<10000x32xf32>
    %add3A_21 = arith.addf %add3A_16, %add3A_20 : vector<10000x32xf32>
    %reduce_sum3A = arith.constant dense<0.000000e+00> : vector<32xf32>
    %reduce_sum3A_22 = vector.multi_reduction <add>, %add3A_21, %reduce_sum3A [0] : vector<10000x32xf32> to vector<32xf32>
    %broadcast_in_dim3A = vector.shape_cast %reduce_sum3A_22 : vector<32xf32> to vector<1x32xf32>
    %div3A = arith.constant 1.000000e+04 : f32
    %div3A_23 = vector.broadcast %div3A : f32 to vector<1x32xf32>
    %div3A_24 = arith.divf %broadcast_in_dim3A, %div3A_23 : vector<1x32xf32>
    %sub3A = vector.broadcast %div3A_24 : vector<1x32xf32> to vector<10000x32xf32>
    %sub3A_25 = arith.subf %add3A_21, %sub3A : vector<10000x32xf32>
    %integer_pow3A = arith.mulf %sub3A_25, %sub3A_25 : vector<10000x32xf32>
    %reduce_sum3A_26 = arith.constant dense<0.000000e+00> : vector<32xf32>
    %reduce_sum3A_27 = vector.multi_reduction <add>, %integer_pow3A, %reduce_sum3A_26 [0] : vector<10000x32xf32> to vector<32xf32>
    %broadcast_in_dim3A_28 = vector.shape_cast %reduce_sum3A_27 : vector<32xf32> to vector<1x32xf32>
    %div3A_29 = arith.constant 1.000000e+04 : f32
    %div3A_30 = vector.broadcast %div3A_29 : f32 to vector<1x32xf32>
    %div3A_31 = arith.divf %broadcast_in_dim3A_28, %div3A_30 : vector<1x32xf32>
    %get3A_32 = arith.constant 0 : index
    %get3A_33 = arith.constant 0 : index
    %get3A_34 = vector.load %arg4[%get3A_32, %get3A_33] : memref<1x32xf32, #tpu.memory_space<vmem>>, vector<1x32xf32>
    %sub3A_35 = vector.broadcast %div3A_24 : vector<1x32xf32> to vector<10000x32xf32>
    %sub3A_36 = arith.subf %add3A_21, %sub3A_35 : vector<10000x32xf32>
    %mul3A = vector.broadcast %get3A_34 : vector<1x32xf32> to vector<10000x32xf32>
    %mul3A_37 = arith.mulf %mul3A, %sub3A_36 : vector<10000x32xf32>
    %add3A_38 = arith.constant 9.99999974E-6 : f32
    %add3A_39 = vector.broadcast %add3A_38 : f32 to vector<1x32xf32>
    %add3A_40 = arith.addf %div3A_31, %add3A_39 : vector<1x32xf32>
    %rsqrt3A = math.rsqrt %add3A_40 : vector<1x32xf32>
    %mul3A_41 = vector.broadcast %rsqrt3A : vector<1x32xf32> to vector<10000x32xf32>
    %mul3A_42 = arith.mulf %mul3A_37, %mul3A_41 : vector<10000x32xf32>
    %get3A_43 = arith.constant 0 : index
    %get3A_44 = arith.constant 0 : index
    %get3A_45 = vector.load %arg5[%get3A_43, %get3A_44] : memref<1x32xf32, #tpu.memory_space<vmem>>, vector<1x32xf32>
    %add3A_46 = vector.broadcast %get3A_45 : vector<1x32xf32> to vector<10000x32xf32>
    %add3A_47 = arith.addf %mul3A_42, %add3A_46 : vector<10000x32xf32>
    %max3A = arith.constant 0.000000e+00 : f32
    %max3A_48 = vector.broadcast %max3A : f32 to vector<10000x32xf32>
    %max3A_49 = arith.maximumf %add3A_47, %max3A_48 : vector<10000x32xf32>
    %swap3A = arith.constant 0 : index
    %swap3A_50 = arith.constant 0 : index
    %swap3A_51 = vector.load %arg6[%swap3A, %swap3A_50] : memref<10000x32xf32, #tpu.memory_space<vmem>>, vector<10000x32xf32>
    tpu.vector_store %arg6[%swap3A, %swap3A_50], %max3A_49 {strides = array<i32>} : memref<10000x32xf32, #tpu.memory_space<vmem>>, vector<10000x32xf32>,
    return
  }
}

module attributes {stable_mosaic.version = 14 : i64} {
  func.func @_final_body(%arg0: memref<2x10000x32xf32, #tpu.memory_space<vmem>>, %arg1: memref<10000x32xf32, #tpu.memory_space<vmem>>, %arg2: memref<32x32xf32, #tpu.memory_space<vmem>>, %arg3: memref<1x32xf32, #tpu.memory_space<vmem>>, %arg4: memref<1x32xf32, #tpu.memory_space<vmem>>, %arg5: memref<1x32xf32, #tpu.memory_space<vmem>>, %arg6: memref<1x10000xi32, #tpu.memory_space<vmem>>, %arg7: memref<32x256xf32, #tpu.memory_space<vmem>>, %arg8: memref<1x256xf32, #tpu.memory_space<vmem>>, %arg9: memref<64x256xf32, #tpu.memory_space<vmem>>) attributes {dimension_semantics = [], scalar_prefetch = 0 : i64, scratch_operands = 0 : i64, tpu.core_type = #tpu.core_type<tc>} {
    %get3A = arith.constant 0 : index
    %get3A_0 = arith.constant 0 : index
    %get3A_1 = arith.constant 0 : index
    %get3A_2 = vector.load %arg0[%get3A, %get3A_0, %get3A_1] : memref<2x10000x32xf32, #tpu.memory_space<vmem>>, vector<1x10000x32xf32>
    %get3A_3 = vector.shape_cast %get3A_2 : vector<1x10000x32xf32> to vector<10000x32xf32>
    %get3A_4 = arith.constant 1 : index
    %get3A_5 = arith.constant 0 : index
    %get3A_6 = arith.constant 0 : index
    %get3A_7 = vector.load %arg0[%get3A_4, %get3A_5, %get3A_6] : memref<2x10000x32xf32, #tpu.memory_space<vmem>>, vector<1x10000x32xf32>
    %get3A_8 = vector.shape_cast %get3A_7 : vector<1x10000x32xf32> to vector<10000x32xf32>
    %add3A = arith.addf %get3A_3, %get3A_8 : vector<10000x32xf32>
    %get3A_9 = arith.constant 0 : index
    %get3A_10 = arith.constant 0 : index
    %get3A_11 = vector.load %arg1[%get3A_9, %get3A_10] : memref<10000x32xf32, #tpu.memory_space<vmem>>, vector<10000x32xf32>
    %get3A_12 = arith.constant 0 : index
    %get3A_13 = arith.constant 0 : index
    %get3A_14 = vector.load %arg2[%get3A_12, %get3A_13] : memref<32x32xf32, #tpu.memory_space<vmem>>, vector<32x32xf32>
    %dot_general3A = arith.constant dense<0.000000e+00> : vector<10000x32xf32>
    %dot_general3A_15 = tpu.matmul %get3A_11, %get3A_14, %dot_general3A {dimension_numbers = #tpu.dot_dimension_numbers<[1], [0], [0], [1], [0, 0, 1, 1], [], []>, transpose_lhs_hint = false} : vector<10000x32xf32>, vector<32x32xf32>, vector<10000x32xf32> -> vector<10000x32xf32>
    %add3A_16 = arith.addf %add3A, %dot_general3A_15 : vector<10000x32xf32>
    %get3A_17 = arith.constant 0 : index
    %get3A_18 = arith.constant 0 : index
    %get3A_19 = vector.load %arg3[%get3A_17, %get3A_18] : memref<1x32xf32, #tpu.memory_space<vmem>>, vector<1x32xf32>
    %add3A_20 = vector.broadcast %get3A_19 : vector<1x32xf32> to vector<10000x32xf32>
    %add3A_21 = arith.addf %add3A_16, %add3A_20 : vector<10000x32xf32>
    %reduce_sum3A = arith.constant dense<0.000000e+00> : vector<32xf32>
    %reduce_sum3A_22 = vector.multi_reduction <add>, %add3A_21, %reduce_sum3A [0] : vector<10000x32xf32> to vector<32xf32>
    %broadcast_in_dim3A = vector.shape_cast %reduce_sum3A_22 : vector<32xf32> to vector<1x32xf32>
    %div3A = arith.constant 1.000000e+04 : f32
    %div3A_23 = vector.broadcast %div3A : f32 to vector<1x32xf32>
    %div3A_24 = arith.divf %broadcast_in_dim3A, %div3A_23 : vector<1x32xf32>
    %sub3A = vector.broadcast %div3A_24 : vector<1x32xf32> to vector<10000x32xf32>
    %sub3A_25 = arith.subf %add3A_21, %sub3A : vector<10000x32xf32>
    %integer_pow3A = arith.mulf %sub3A_25, %sub3A_25 : vector<10000x32xf32>
    %reduce_sum3A_26 = arith.constant dense<0.000000e+00> : vector<32xf32>
    %reduce_sum3A_27 = vector.multi_reduction <add>, %integer_pow3A, %reduce_sum3A_26 [0] : vector<10000x32xf32> to vector<32xf32>
    %broadcast_in_dim3A_28 = vector.shape_cast %reduce_sum3A_27 : vector<32xf32> to vector<1x32xf32>
    %div3A_29 = arith.constant 1.000000e+04 : f32
    %div3A_30 = vector.broadcast %div3A_29 : f32 to vector<1x32xf32>
    %div3A_31 = arith.divf %broadcast_in_dim3A_28, %div3A_30 : vector<1x32xf32>
    %get3A_32 = arith.constant 0 : index
    %get3A_33 = arith.constant 0 : index
    %get3A_34 = vector.load %arg4[%get3A_32, %get3A_33] : memref<1x32xf32, #tpu.memory_space<vmem>>, vector<1x32xf32>
    %sub3A_35 = vector.broadcast %div3A_24 : vector<1x32xf32> to vector<10000x32xf32>
    %sub3A_36 = arith.subf %add3A_21, %sub3A_35 : vector<10000x32xf32>
    %mul3A = vector.broadcast %get3A_34 : vector<1x32xf32> to vector<10000x32xf32>
    %mul3A_37 = arith.mulf %mul3A, %sub3A_36 : vector<10000x32xf32>
    %add3A_38 = arith.constant 9.99999974E-6 : f32
    %add3A_39 = vector.broadcast %add3A_38 : f32 to vector<1x32xf32>
    %add3A_40 = arith.addf %div3A_31, %add3A_39 : vector<1x32xf32>
    %rsqrt3A = math.rsqrt %add3A_40 : vector<1x32xf32>
    %mul3A_41 = vector.broadcast %rsqrt3A : vector<1x32xf32> to vector<10000x32xf32>
    %mul3A_42 = arith.mulf %mul3A_37, %mul3A_41 : vector<10000x32xf32>
    %get3A_43 = arith.constant 0 : index
    %get3A_44 = arith.constant 0 : index
    %get3A_45 = vector.load %arg5[%get3A_43, %get3A_44] : memref<1x32xf32, #tpu.memory_space<vmem>>, vector<1x32xf32>
    %add3A_46 = vector.broadcast %get3A_45 : vector<1x32xf32> to vector<10000x32xf32>
    %add3A_47 = arith.addf %mul3A_42, %add3A_46 : vector<10000x32xf32>
    %max3A = arith.constant 0.000000e+00 : f32
    %max3A_48 = vector.broadcast %max3A : f32 to vector<10000x32xf32>
    %max3A_49 = arith.maximumf %add3A_47, %max3A_48 : vector<10000x32xf32>
    %iota3A = tpu.iota {dimensions = array<i32: 0>} : vector<64x10000xi32>
    %get3A_50 = arith.constant 0 : index
    %get3A_51 = arith.constant 0 : index
    %get3A_52 = vector.load %arg6[%get3A_50, %get3A_51] : memref<1x10000xi32, #tpu.memory_space<vmem>>, vector<1x10000xi32>
    %eq3A = vector.broadcast %get3A_52 : vector<1x10000xi32> to vector<64x10000xi32>
    %eq3A_53 = arith.cmpi eq, %iota3A, %eq3A : vector<64x10000xi32>
    %convert_element_type3A = arith.extui %eq3A_53 : vector<64x10000xi1> to vector<64x10000xi32>
    %convert_element_type3A_54 = arith.sitofp %convert_element_type3A : vector<64x10000xi32> to vector<64x10000xf32>
    %dot_general3A_55 = arith.constant dense<0.000000e+00> : vector<64x32xf32>
    %dot_general3A_56 = tpu.matmul %convert_element_type3A_54, %max3A_49, %dot_general3A_55 {dimension_numbers = #tpu.dot_dimension_numbers<[1], [0], [0], [1], [0, 0, 1, 1], [], []>, transpose_lhs_hint = false} : vector<64x10000xf32>, vector<10000x32xf32>, vector<64x32xf32> -> vector<64x32xf32>
    %get3A_57 = arith.constant 0 : index
    %get3A_58 = arith.constant 0 : index
    %get3A_59 = vector.load %arg7[%get3A_57, %get3A_58] : memref<32x256xf32, #tpu.memory_space<vmem>>, vector<32x256xf32>
    %dot_general3A_60 = arith.constant dense<0.000000e+00> : vector<64x256xf32>
    %dot_general3A_61 = tpu.matmul %dot_general3A_56, %get3A_59, %dot_general3A_60 {dimension_numbers = #tpu.dot_dimension_numbers<[1], [0], [0], [1], [0, 0, 1, 1], [], []>, transpose_lhs_hint = false} : vector<64x32xf32>, vector<32x256xf32>, vector<64x256xf32> -> vector<64x256xf32>
    %get3A_62 = arith.constant 0 : index
    %get3A_63 = arith.constant 0 : index
    %get3A_64 = vector.load %arg8[%get3A_62, %get3A_63] : memref<1x256xf32, #tpu.memory_space<vmem>>, vector<1x256xf32>
    %add3A_65 = vector.broadcast %get3A_64 : vector<1x256xf32> to vector<64x256xf32>
    %add3A_66 = arith.addf %dot_general3A_61, %add3A_65 : vector<64x256xf32>
    %swap3A = arith.constant 0 : index
    %swap3A_67 = arith.constant 0 : index
    %swap3A_68 = vector.load %arg9[%swap3A, %swap3A_67] : memref<64x256xf32, #tpu.memory_space<vmem>>, vector<64x256xf32>
    tpu.vector_store %arg9[%swap3A, %swap3A_67], %add3A_66 {strides = array<i32>} : memref<64x256xf32, #tpu.memory_space<vmem>>, vector<64x256xf32>,
    return
  }
}

</mosaic_0001>

<sc_bundles>
// kernel: kernel.10.cloned.1.call-start
scs
__scs_entry_jumppad:
0x0: {  	(pc) =	sbr.rel $0x88, $3  }
0x1: {  	(tag) =	ssettag $0x0;
	lr =	simm.s32 $0x1  }
0x2: {  	[smem:$0x3F8F] =	sst lr;
	_ =	strace $0xD0000000  }
0x3: {  	_ = 	snop  }
0x4: {  	_ = 	snop  }
0x5: {  	_ = 	snop  }
0x6: {  	_ = 	snop  }
0x7: {  	_ = 	snop  }
__scs_overlays_trampoline_lowered:
0x8: {  	[smem:$0x3F9E] =	sst s0  }
0x9: {  	[smem:$0x3F9F] =	sst s1  }
0xa: {  	[smem:$0x3FA0] =	sst s2  }
0xb: {  	[smem:$0x3FA1] =	sst s3  }
0xc: {  	[smem:$0x3FA2] =	sst s4  }
0xd: {  	[smem:$0x3FA3] =	sst s5  }
0xe: {  	[smem:$0x3FA4] =	sst s6  }
0xf: {  	[smem:$0x3FA5] =	sst s7  }
0x10: {  	[smem:$0x3FA6] =	sst s8  }
0x11: {  	[smem:$0x3FA7] =	sst s9;
	s0 =	simm.s32 @!p0 $0x0  }
0x12: {  	s1 =	sld [smem:$0x3F8D];
	s0 =	simm.s32 @p0 $0x1  }
0x13: {  	[smem:$0x3FA8] =	sst s0;
	s0 =	simm.s32 @!p1 $0x0  }
0x14: {  	s2 =	sld [smem:$0x3F8C];
	s0 =	simm.s32 @p1 $0x1  }
0x15: {  	[smem:$0x3FA9] =	sst s0;
	s0 =	simm.s32 @!p2 $0x0  }
0x16: {  	s3 =	sld [smem:$0x3FDB];
	s0 =	simm.s32 @p2 $0x1  }
0x17: {  	s4 =	simm.s32 $0x1BF5;
	[smem:$0x3FAB] =	sst s0  }
0x18: {  	s0 =	sld [smem:$0x3F8E];
	_ =	swait.ge [sflag:s4], $0x0  }
0x19: {  	s7 =	sld [smem:$0x3F8F]  }
0x1a: {  	s8 =	sadd.s32 $0xFFFFE003, lr  }
0x1b: {  	s9 =	sadd.s32 $0xFFFFFEF7, lr;
	s5 =	simm.s32 $0xFFFFFFFF;
	p2 =	slt.u32 s8, $0xFFFFF086  }
0x1c: {  	p1 =	slt.u32 s9, $0xF7A;
	s5 =	simm.s32 @!p2 $0x0  }
0x1d: {  	s5 =	simm.s32 @p1 $0x1;
	p0 =	seq.s32 s7, s2  }
0x1e: {  	s7 =	smul.u32 @!p0 $0xF7A, s2;
	p2 =	seq.s32 @!p0 s5, $0x0  }
0x1f: {  	s9 =	smul.u32 $0xF7A, s1;
	s8 =	simm.s32 @!p0 $0x1BF5;
	p2 =	por !p2, p0  }
0x20: {  	[sflag:s8] =	ssyncset.s32 @!p0 $0xFFFFF086;
	s6 =	sadd.s32 @!p0 s3, s7;
	s7 =	simm.s32 @!p0 $0x108  }
0x21: {  	s3 =	sadd.s32 s3, s9;
	s6 =	sadd.s32 @!p0 $0x88, s6;
	s7 =	simm.s32 @p2 $0x1082  }
0x22: {  	[simem:s7], [sflag:s8] =	dma.local @!p0 [hbm:s6], $0xF7A  }
0x23: {  	s9 =	sor.u32 $0xD0000000, s2;
	s6 =	simm.s32 $0x108;
	_ =	swait.ge @!p0 [sflag:s8], $0x0  }
0x24: {  	s3 =	sadd.s32 $0x88, s3;
	s6 =	simm.s32 @!p1 $0x1082;
	[sflag:s4] =	ssyncset.s32 $0xFFFFF086  }
0x25: {  	[simem:s6], [sflag:s4] =	dma.local [hbm:s3], $0xF7A  }
0x26: {  	[smem:$0x3F8F] =	sst s1;
	(tag) =	ssettag s2;
	_ =	strace s9  }
0x27: {  	s1 =	sld [smem:$0x3F9F]  }
0x28: {  	s2 =	sld [smem:$0x3FA0]  }
0x29: {  	s4 =	sld [smem:$0x3FA2]  }
0x2a: {  	p0 =	seq.s32 s5, $0x0;
	s5 =	sld [smem:$0x3FA3]  }
0x2b: {  	s6 =	sld [smem:$0x3FA4]  }
0x2c: {  	s7 =	sld [smem:$0x3FA5]  }
0x2d: {  	s3 =	simm.s32 $0x108;
	s8 =	sld [smem:$0x3FA6]  }
0x2e: {  	s3 =	simm.s32 @!p0 $0x1082;
	s9 =	sld [smem:$0x3FA7]  }
0x2f: {  	lr =	sadd.s32 s0, s3;
	s0 =	sld [smem:$0x3F9E]  }
0x30: {  	s3 =	sld [smem:$0x3FA1]  }
0x31: {  	[smem:$0x3FAA] =	sst s10  }
0x32: {  	s10 =	sld [smem:$0x3FA8];
	_ =	sdelay $0x3  }
0x33: {  	p0 =	seq.s32 s10, $0x1;
	s10 =	sld [smem:$0x3FAA];
	_ =	sdelay $0x3  }
0x34: {  	[smem:$0x3FAA] =	sst s10  }
0x35: {  	s10 =	sld [smem:$0x3FA9];
	_ =	sdelay $0x3  }
0x36: {  	p1 =	seq.s32 s10, $0x1;
	s10 =	sld [smem:$0x3FAA];
	_ =	sdelay $0x3  }
0x37: {  	[smem:$0x3FAA] =	sst s10  }
0x38: {  	s10 =	sld [smem:$0x3FAB]  }
0x39: {  	_ = 	snop;
	(pc) =	sbr.ind lr, $3  }
0x3a: {  	_ = 	snop  }
0x3b: {  	_ = 	snop  }
0x3c: {  	p2 =	seq.s32 s10, $0x1;
	s10 =	sld [smem:$0x3FAA]  }
0x3d: {  	_ =	shalt  }
0x3e: {  	_ =	shalt  }
0x3f: {  	_ =	shalt  }
0x40: {  	_ =	shalt  }
0x41: {  	_ =	shalt  }
0x42: {  	_ =	shalt  }
0x43: {  	_ =	shalt  }
0x44: {  	_ =	shalt  }
0x45: {  	_ =	shalt  }
0x46: {  	_ =	shalt  }
0x47: {  	_ =	shalt  }
0x48: {  	_ =	shalt  }
0x49: {  	_ =	shalt  }
0x4a: {  	_ =	shalt  }
0x4b: {  	_ =	shalt  }
0x4c: {  	_ =	shalt  }
0x4d: {  	_ =	shalt  }
0x4e: {  	_ =	shalt  }
0x4f: {  	_ =	shalt  }
0x50: {  	_ =	shalt  }
0x51: {  	_ =	shalt  }
0x52: {  	_ =	shalt  }
0x53: {  	_ =	shalt  }
0x54: {  	_ =	shalt  }
0x55: {  	_ =	shalt  }
0x56: {  	_ =	shalt  }
0x57: {  	_ =	shalt  }
0x58: {  	_ =	shalt  }
0x59: {  	_ =	shalt  }
0x5a: {  	_ =	shalt  }
0x5b: {  	_ =	shalt  }
0x5c: {  	_ =	shalt  }
0x5d: {  	_ =	shalt  }
0x5e: {  	_ =	shalt  }
0x5f: {  	_ =	shalt  }
0x60: {  	_ =	shalt  }
0x61: {  	_ =	shalt  }
0x62: {  	_ =	shalt  }
0x63: {  	_ =	shalt  }
0x64: {  	_ =	shalt  }
0x65: {  	_ =	shalt  }
0x66: {  	_ =	shalt  }
0x67: {  	_ =	shalt  }
0x68: {  	_ =	shalt  }
0x69: {  	_ =	shalt  }
0x6a: {  	_ =	shalt  }
0x6b: {  	_ =	shalt  }
0x6c: {  	_ =	shalt  }
0x6d: {  	_ =	shalt  }
0x6e: {  	_ =	shalt  }
0x6f: {  	_ =	shalt  }
0x70: {  	_ =	shalt  }
0x71: {  	_ =	shalt  }
0x72: {  	_ =	shalt  }
0x73: {  	_ =	shalt  }
0x74: {  	_ =	shalt  }
0x75: {  	_ =	shalt  }
0x76: {  	_ =	shalt  }
0x77: {  	_ =	shalt  }
0x78: {  	_ =	shalt  }
0x79: {  	_ =	shalt  }
0x7a: {  	_ =	shalt  }
0x7b: {  	_ =	shalt  }
0x7c: {  	_ =	shalt  }
0x7d: {  	_ =	shalt  }
0x7e: {  	_ =	shalt  }
0x7f: {  	_ =	shalt  }
0x80: {  	_ =	shalt  }
0x81: {  	_ =	shalt  }
0x82: {  	_ =	shalt  }
0x83: {  	_ =	shalt  }
0x84: {  	_ =	shalt  }
0x85: {  	_ =	shalt  }
0x86: {  	_ =	shalt  }
0x87: {  	_ =	shalt  }
.Lfunc_end0:
.L_simem_size_0:
called_computation_lowered:
.L_overlay_start_0:
0x88: {  	s2 =	sld [smem:$0x3FD9]  }
0x89: {  	s3 =	sld [smem:$0x3FFE];
	_ =	sdelay $0x1  }
0x8a: {  	s1 =	srdreg.scid  }
0x8b: {  	s0 =	sand.u32 $0x1, s1  }
0x8c: {  	s16 =	sshll.u32 s0, $0xA;
	s2 =	sadd.s32 s3, s2  }
0x8d: {  	s2 =	sadd.s32 s2, s16  }
0x8e: {  	[smem:$0x3FB6] =	sst s2  }
0x8f: {  	_ = 	snop  }
0x90: {  	(tm) =	ssettm $0x1  }
0x91: {  	s17 =	sld [smem:$0x3FFB];
	_ =	sdelay $0x3  }
0x92: {  	_ =	strace s17  }
0x93: {  	s2 =	sld [smem:$0x3FFC];
	_ =	sdelay $0x3  }
0x94: {  	_ =	strace s2  }
0x95: {  	s2 =	sld [smem:$0x3FFD];
	_ =	sdelay $0x3  }
0x96: {  	_ =	strace s2  }
0x97: {  	_ =	strace $0x8FFFFFFF  }
0x98: {  	s18 =	sld [smem:$0x3FDB];
	_ =	sdelay $0x1  }
0x99: {  	s19 =	simm.s32 $_scs_section_size  }
0x9a: {  	s4 =	simm.s32 $_size__tile_overlayer_lowered;
	s5 =	simm.s32 $_tile_overlayer_lowered  }
0x9b: {  	s22 =	simm.s32 $0x1BFF;
	s21 =	sshll.u32 s5, $0x1;
	s2 =	sadd.s32 s19, s18  }
0x9c: {  	s6 =	simm.s32 $0x0;
	s20 =	sshll.u32 s4, $0x1;
	s4 =	sadd.s32 s21, s2  }
0x9d: {  	[timem:s6], [sflag:s22] =	dma.local [hbm:s4], s20  }
0x9e: {  	_ =	swait.ge [sflag:s22], s20  }
0x9f: {  	s3 =	ssub.s32 $0x0, s20;
	[sflag:s22] =	ssyncset.done $0x0  }
0xa0: {  	[sflag:s22] =	ssyncadd.s32 s3;
	_ =	sdelay $0x1  }
0xa1: {  	s23 =	simm.s32 $0x1B8B  }
0xa2: {  	_ =	swait.ge [sflag:s23], $0x1  }
0xa3: {  	[sflag:s23] =	ssyncset.done $0x0  }
0xa4: {  	s25 =	simm.s32 $0x1B8E;
	s24 =	sld [smem:$0x3FFE];
	[sflag:s23] =	ssyncadd.s32 $0xFFFFFFFF  }
0xa5: {  	s26 =	simm.s32 $execute0_lowered;
	[smem:$0x3FD2] =	sst s25  }
0xa6: {  	s4 =	sshll.u32 s26, $0x1;
	_ =	strace $0x80000046;
	[dreg:$0x1] =	wrdreg $0xFFFFFFFF  }
0xa7: {  	s28 =	simm.s32 $_size_execute0_lowered;
	s2 =	sadd.s32 s2, s4;
	[dreg:$0x0] =	wrdreg $0x0  }
0xa8: {  	s4 =	sshll.u32 s28, $0x1;
	[dreg:$0x2] =	wrdreg s2  }
0xa9: {  	[dreg:$0x3] =	wrdreg s4  }
0xaa: {  	[dreg:$0x4] =	wrdreg $0xC0  }
0xab: {  	_ =	task [dreg:s6], $0x5FFFF  }
0xac: {  	[dreg:$0x1] =	wrdreg $0xFFFFFFFF  }
0xad: {  	[dreg:$0x0] =	wrdreg $0x60  }
0xae: {  	[dreg:$0x2] =	wrdreg s24  }
0xaf: {  	[dreg:$0x3] =	wrdreg $0x9  }
0xb0: {  	_ =	task.clear_ibuf [dreg:s6], $0x4FFFF;
	_ =	strace $0x90000046  }
0xb1: {  	s29 =	simm.s32 $0x9;
	_ =	strace $0x80000048  }
0xb2: {  	_ =	swait.ge [sflag:s29], $0x1  }
0xb3: {  	[sflag:s29] =	ssyncadd.s32 $0xFFFFFFFF  }
0xb4: {  	_ =	strace $0x90000048  }
0xb5: {  	_ =	sfence  }
0xb6: {  	s30 =	sld [smem:$0x0];
	_ =	sdelay $0x2  }
0xb7: {  	s31 =	sshll.u32 s1, $0xD;
	s1 =	sshrl.u32 s1, $0x2  }
0xb8: {  	s3 =	sand.u32 $0x4000, s31;
	s1 =	sadd.s32 s1, s30  }
0xb9: {  	s0 =	sor.u32 s3, s0;
	s1 =	sshll.u32 s1, $0x11  }
0xba: {  	s0 =	sor.u32 s1, s0  }
0xbb: {  	s0 =	sadd.s32 $0x8F2B, s0  }
0xbc: {  	[sflag:s0] =	ssyncadd.remote.s32 $0x1  }
0xbd: {  	_ =	sfence.sel $0xFFFF  }
0xbe: {  	[dreg:$0x0] =	wrdreg $0xFFFFFFFF;
	(pc) =	sbr.abs _section_cstart, $3  }
0xbf: {  	[dreg:$0x1] =	wrdreg $0xFFFFFFFF  }
0xc0: {  	_ =	task.clear_ibuf [dreg:s6], $0x2FFFF;
	_ =	strace $0x9FFFFFFF  }
0xc1: {  	(tm) =	ssettm $0x7FFFFFFF  }
tec
execute0_lowered:
.L_overlay_start_1:
0x0: {  	(tag) =	ssettag $0x1  }
0x1: {  	s0 =	srdreg.scid  }
0x2: {  	s19 =	sand.u32 $0x1, s0  }
0x3: {  	s0 =	stileid.u32;
	s1 =	sshll.u32 s19, $0x4  }
0x4: {  	s11 =	sor.u32 s0, s1  }
0x5: {  	s12 =	rddreg [dreg:$0x0];
	s2 =	simm.s32 $0x0;
	s18 =	smul.u32 $0x1388, s11  }
0x6: {  	[smem:$0x7FF] =	sst s2  }
0x7: {  	s17 =	sadd.s32 $0xE200, s12;
	s1 =	rddreg [dreg:$0x1];
	s3 =	sshrl.u32 s18, $0x3  }
0x8: {  	_ =	strace $0x80000047;
	s4 =	sadd.s32 s17, s3;
	s3 =	simm.s32 $0x3  }
0x9: {  	[tilespmem:s2], [sflag:$0x3] =	stream.linear.gather [hbm4b:s4+s2], $0x3E8, $0x38;
	[tilespmem:$0x101D0] =	vst v63  }
0xa: {  	s6 =	simm.s32 $0x3E8;
	_ =	swait.ge [sflag:s3], $0x3E8  }
0xb: {  	s7 =	simm.s32 $0x7D0;
	s14 =	sadd.s32 $0x3E8, s18;
	[sflag:s3] =	ssyncset.done $0x0  }
0xc: {  	s5 =	sadd.s32 $0x4400, s12;
	s8 =	sshrl.u32 s14, $0x3;
	[sflag:s3] =	ssyncadd.s32 $0xFFFFFC18  }
0xd: {  	[tilespmem:s7], [sflag:$0x1] =	stream.indirect.gather [hbm4b:s5+s6], $0x20, s2, s6, $0xb8;
	[tilespmem:$0x101D0] =	vst v63  }
0xe: {  	s8 =	sadd.s32 s17, s8  }
0xf: {  	[tilespmem:s6], [sflag:$0x3] =	stream.linear.gather [hbm4b:s8+s2], $0x3E8, $0x38;
	[tilespmem:$0x101D0] =	vst v63  }
0x10: {  	_ =	swait.ge [sflag:s3], $0x3E8  }
0x11: {  	[sflag:s3] =	ssyncset.done $0x0  }
0x12: {  	s9 =	simm.s32 $0x84D0;
	s10 =	simm.s32 $0x1;
	[sflag:s3] =	ssyncadd.s32 $0xFFFFFC18  }
0x13: {  	[tilespmem:s9], [sflag:$0x2] =	stream.indirect.gather [hbm4b:s5+s6], $0x20, s6, s6, $0xb8;
	[tilespmem:$0x101D0] =	vst v63  }
0x14: {  	s11 =	smul.u32 $0x4E20, s11;
	_ =	swait.ge [sflag:s10], $0x7D00  }
0x15: {  	s20 =	sadd.s32 $0x18000, s12;
	[sflag:s10] =	ssyncset.done $0x0  }
0x16: {  	s11 =	sadd.s32 s20, s11;
	[sflag:s10] =	ssyncadd.s32 $0xFFFF8300  }
0x17: {  	[hbm4b:s11+s2] =	stream.linear.scatter [tilespmem:s7], [sflag:$0x3], $0x7D00, $0x38;
	[tilespmem:$0x101D0] =	vst v63  }
0x18: {  	s16 =	sadd.s32 $0x7D0, s18;
	_ =	swait.ge [sflag:s3], $0x7D00  }
0x19: {  	s28 =	sshrl.u32 s16, $0x3;
	[sflag:s3] =	ssyncset.done $0x0  }
0x1a: {  	s12 =	sadd.s32 s17, s28;
	[sflag:s3] =	ssyncadd.s32 $0xFFFF8300  }
0x1b: {  	[tilespmem:s2], [sflag:$0x3] =	stream.linear.gather [hbm4b:s12+s2], $0x3E8, $0x38;
	[tilespmem:$0x101D0] =	vst v63  }
0x1c: {  	_ =	swait.ge [sflag:s3], $0x3E8  }
0x1d: {  	[sflag:s3] =	ssyncset.done $0x0  }
0x1e: {  	s13 =	simm.s32 $0x2;
	[sflag:s3] =	ssyncadd.s32 $0xFFFFFC18  }
0x1f: {  	[tilespmem:s7], [sflag:$0x1] =	stream.indirect.gather [hbm4b:s5+s6], $0x20, s2, s6, $0xb8;
	[tilespmem:$0x101D0] =	vst v63  }
0x20: {  	_ =	swait.ge [sflag:s13], $0x7D00  }
0x21: {  	s14 =	sshll.u32 s14, $0x2;
	[sflag:s13] =	ssyncset.done $0x0  }
0x22: {  	s14 =	sadd.s32 s20, s14;
	[sflag:s13] =	ssyncadd.s32 $0xFFFF8300  }
0x23: {  	[hbm4b:s14+s2] =	stream.linear.scatter [tilespmem:s9], [sflag:$0x3], $0x7D00, $0x38;
	[tilespmem:$0x101D0] =	vst v63  }
0x24: {  	s21 =	sadd.s32 $0xBB8, s18;
	_ =	swait.ge [sflag:s3], $0x7D00  }
0x25: {  	s15 =	sshrl.u32 s21, $0x3;
	[sflag:s3] =	ssyncset.done $0x0  }
0x26: {  	s15 =	sadd.s32 s17, s15;
	[sflag:s3] =	ssyncadd.s32 $0xFFFF8300  }
0x27: {  	[tilespmem:s6], [sflag:$0x3] =	stream.linear.gather [hbm4b:s15+s2], $0x3E8, $0x38;
	[tilespmem:$0x101D0] =	vst v63  }
0x28: {  	_ =	swait.ge [sflag:s3], $0x3E8  }
0x29: {  	[sflag:s3] =	ssyncset.done $0x0  }
0x2a: {  	[sflag:s3] =	ssyncadd.s32 $0xFFFFFC18  }
0x2b: {  	[tilespmem:s9], [sflag:$0x2] =	stream.indirect.gather [hbm4b:s5+s6], $0x20, s6, s6, $0xb8;
	[tilespmem:$0x101D0] =	vst v63  }
0x2c: {  	_ =	swait.ge [sflag:s10], $0x7D00  }
0x2d: {  	s16 =	sshll.u32 s16, $0x2;
	[sflag:s10] =	ssyncset.done $0x0  }
0x2e: {  	s16 =	sadd.s32 s20, s16;
	[sflag:s10] =	ssyncadd.s32 $0xFFFF8300  }
0x2f: {  	[hbm4b:s16+s2] =	stream.linear.scatter [tilespmem:s7], [sflag:$0x3], $0x7D00, $0x38;
	[tilespmem:$0x101D0] =	vst v63  }
0x30: {  	s18 =	sadd.s32 $0xFA0, s18;
	_ =	swait.ge [sflag:s3], $0x7D00  }
0x31: {  	s22 =	sshrl.u32 s18, $0x3;
	[sflag:s3] =	ssyncset.done $0x0  }
0x32: {  	s17 =	sadd.s32 s17, s22;
	[sflag:s3] =	ssyncadd.s32 $0xFFFF8300  }
0x33: {  	[tilespmem:s2], [sflag:$0x3] =	stream.linear.gather [hbm4b:s17+s2], $0x3E8, $0x38;
	[tilespmem:$0x101D0] =	vst v63  }
0x34: {  	_ =	swait.ge [sflag:s3], $0x3E8  }
0x35: {  	[sflag:s3] =	ssyncset.done $0x0  }
0x36: {  	[sflag:s3] =	ssyncadd.s32 $0xFFFFFC18  }
0x37: {  	[tilespmem:s7], [sflag:$0x1] =	stream.indirect.gather [hbm4b:s5+s6], $0x20, s2, s6, $0xb8;
	[tilespmem:$0x101D0] =	vst v63  }
0x38: {  	_ =	swait.ge [sflag:s10], $0x7D00  }
0x39: {  	s18 =	sshll.u32 s18, $0x2;
	[sflag:s10] =	ssyncset.done $0x0  }
0x3a: {  	s19 =	ssub.s32 $0x2, s19;
	s18 =	sadd.s32 s20, s18;
	[sflag:s10] =	ssyncadd.s32 $0xFFFF8300  }
0x3b: {  	[hbm4b:s18+s2] =	stream.linear.scatter [tilespmem:s7], [sflag:$0x3], $0x7D00, $0x38;
	[tilespmem:$0x101D0] =	vst v63  }
0x3c: {  	s29 =	sshrl.u32 s19, $0x1;
	_ =	swait.ge [sflag:s3], $0x7D00  }
0x3d: {  	s22 =	ssub.s32 s19, s29;
	[sflag:s3] =	ssyncset.done $0x0  }
0x3e: {  	s31 =	smax.u32 s22, $0x1;
	[sflag:s3] =	ssyncadd.s32 $0xFFFF8300  }
0x3f: {  	p0 =	sne.s32 s31, $0x1;
	_ =	swait.ge [sflag:s13], $0x7D00  }
.Ltmp0:
0x40: {  	s30 =	sshll.u32 s21, $0x2;
	[sflag:s13] =	ssyncset.done $0x0;
	(pc) =	sbr.rel @!p0 .LBB2_2-.Ltmp0, $4  }
0x41: {  	s19 =	sadd.s32 s20, s30;
	[sflag:s13] =	ssyncadd.s32 $0xFFFF8300  }
0x42: {  	[hbm4b:s19+s2] =	stream.linear.scatter [tilespmem:s9], [sflag:$0x3], $0x7D00, $0x38;
	[tilespmem:$0x101D0] =	vst v63  }
0x43: {  	_ =	swait.ge [sflag:s3], $0x7D00  }
0x44: {  	s20 =	sadd.s32 $0xFFFFFFFF, s31;
	[sflag:s3] =	ssyncset.done $0x0  }
.LBB2_1:
0x45: {  	p0 =	sne.s32 s20, $0x1;
	s20 =	sadd.s32 $0xFFFFFFFF, s20;
	[sflag:s3] =	ssyncadd.s32 $0xFFFF8300  }
0x46: {  	[tilespmem:s2], [sflag:$0x3] =	stream.linear.gather [hbm4b:s4+s2], $0x3E8, $0x38;
	[tilespmem:$0x101D0] =	vst v63  }
0x47: {  	_ =	swait.ge [sflag:s3], $0x3E8  }
0x48: {  	[sflag:s3] =	ssyncset.done $0x0  }
0x49: {  	[sflag:s3] =	ssyncadd.s32 $0xFFFFFC18  }
0x4a: {  	[tilespmem:s7], [sflag:$0x1] =	stream.indirect.gather [hbm4b:s5+s6], $0x20, s2, s6, $0xb8;
	[tilespmem:$0x101D0] =	vst v63  }
0x4b: {  	_ = 	snop  }
0x4c: {  	[tilespmem:s6], [sflag:$0x3] =	stream.linear.gather [hbm4b:s8+s2], $0x3E8, $0x38;
	[tilespmem:$0x101D0] =	vst v63  }
0x4d: {  	_ =	swait.ge [sflag:s3], $0x3E8  }
0x4e: {  	[sflag:s3] =	ssyncset.done $0x0  }
0x4f: {  	[sflag:s3] =	ssyncadd.s32 $0xFFFFFC18  }
0x50: {  	[tilespmem:s9], [sflag:$0x2] =	stream.indirect.gather [hbm4b:s5+s6], $0x20, s6, s6, $0xb8;
	[tilespmem:$0x101D0] =	vst v63  }
0x51: {  	_ =	swait.ge [sflag:s10], $0x7D00  }
0x52: {  	[sflag:s10] =	ssyncset.done $0x0  }
0x53: {  	[sflag:s10] =	ssyncadd.s32 $0xFFFF8300  }
0x54: {  	[hbm4b:s11+s2] =	stream.linear.scatter [tilespmem:s7], [sflag:$0x3], $0x7D00, $0x38;
	[tilespmem:$0x101D0] =	vst v63  }
0x55: {  	_ =	swait.ge [sflag:s3], $0x7D00  }
0x56: {  	[sflag:s3] =	ssyncset.done $0x0  }
0x57: {  	[sflag:s3] =	ssyncadd.s32 $0xFFFF8300  }
0x58: {  	[tilespmem:s2], [sflag:$0x3] =	stream.linear.gather [hbm4b:s12+s2], $0x3E8, $0x38;
	[tilespmem:$0x101D0] =	vst v63  }
0x59: {  	_ =	swait.ge [sflag:s3], $0x3E8  }
0x5a: {  	[sflag:s3] =	ssyncset.done $0x0  }
0x5b: {  	[sflag:s3] =	ssyncadd.s32 $0xFFFFFC18  }
0x5c: {  	[tilespmem:s7], [sflag:$0x1] =	stream.indirect.gather [hbm4b:s5+s6], $0x20, s2, s6, $0xb8;
	[tilespmem:$0x101D0] =	vst v63  }
0x5d: {  	_ =	swait.ge [sflag:s13], $0x7D00  }
0x5e: {  	[sflag:s13] =	ssyncset.done $0x0  }
0x5f: {  	[sflag:s13] =	ssyncadd.s32 $0xFFFF8300  }
0x60: {  	[hbm4b:s14+s2] =	stream.linear.scatter [tilespmem:s9], [sflag:$0x3], $0x7D00, $0x38;
	[tilespmem:$0x101D0] =	vst v63  }
0x61: {  	_ =	swait.ge [sflag:s3], $0x7D00  }
0x62: {  	[sflag:s3] =	ssyncset.done $0x0  }
0x63: {  	[sflag:s3] =	ssyncadd.s32 $0xFFFF8300  }
0x64: {  	[tilespmem:s6], [sflag:$0x3] =	stream.linear.gather [hbm4b:s15+s2], $0x3E8, $0x38;
	[tilespmem:$0x101D0] =	vst v63  }
0x65: {  	_ =	swait.ge [sflag:s3], $0x3E8  }
0x66: {  	[sflag:s3] =	ssyncset.done $0x0  }
0x67: {  	[sflag:s3] =	ssyncadd.s32 $0xFFFFFC18  }
0x68: {  	[tilespmem:s9], [sflag:$0x2] =	stream.indirect.gather [hbm4b:s5+s6], $0x20, s6, s6, $0xb8;
	[tilespmem:$0x101D0] =	vst v63  }
0x69: {  	_ =	swait.ge [sflag:s10], $0x7D00  }
0x6a: {  	[sflag:s10] =	ssyncset.done $0x0  }
0x6b: {  	[sflag:s10] =	ssyncadd.s32 $0xFFFF8300  }
0x6c: {  	[hbm4b:s16+s2] =	stream.linear.scatter [tilespmem:s7], [sflag:$0x3], $0x7D00, $0x38;
	[tilespmem:$0x101D0] =	vst v63  }
0x6d: {  	_ =	swait.ge [sflag:s3], $0x7D00  }
0x6e: {  	[sflag:s3] =	ssyncset.done $0x0  }
0x6f: {  	[sflag:s3] =	ssyncadd.s32 $0xFFFF8300  }
0x70: {  	[tilespmem:s2], [sflag:$0x3] =	stream.linear.gather [hbm4b:s17+s2], $0x3E8, $0x38;
	[tilespmem:$0x101D0] =	vst v63  }
0x71: {  	_ =	swait.ge [sflag:s3], $0x3E8  }
0x72: {  	[sflag:s3] =	ssyncset.done $0x0  }
0x73: {  	[sflag:s3] =	ssyncadd.s32 $0xFFFFFC18  }
0x74: {  	[tilespmem:s7], [sflag:$0x1] =	stream.indirect.gather [hbm4b:s5+s6], $0x20, s2, s6, $0xb8;
	[tilespmem:$0x101D0] =	vst v63  }
0x75: {  	_ =	swait.ge [sflag:s10], $0x7D00  }
0x76: {  	[sflag:s10] =	ssyncset.done $0x0  }
0x77: {  	[sflag:s10] =	ssyncadd.s32 $0xFFFF8300  }
0x78: {  	[hbm4b:s18+s2] =	stream.linear.scatter [tilespmem:s7], [sflag:$0x3], $0x7D00, $0x38;
	[tilespmem:$0x101D0] =	vst v63  }
0x79: {  	_ =	swait.ge [sflag:s3], $0x7D00  }
0x7a: {  	[sflag:s3] =	ssyncset.done $0x0  }
0x7b: {  	[sflag:s3] =	ssyncadd.s32 $0xFFFF8300  }
0x7c: {  	_ =	swait.ge [sflag:s13], $0x7D00  }
.Ltmp1:
0x7d: {  	[sflag:s13] =	ssyncset.done $0x0;
	(pc) =	sbr.rel @p0 .LBB2_1-.Ltmp1, $4  }
0x7e: {  	[sflag:s13] =	ssyncadd.s32 $0xFFFF8300  }
0x7f: {  	[hbm4b:s19+s2] =	stream.linear.scatter [tilespmem:s9], [sflag:$0x3], $0x7D00, $0x38;
	[tilespmem:$0x101D0] =	vst v63  }
0x80: {  	_ =	swait.ge [sflag:s3], $0x7D00  }
0x81: {  	[sflag:s3] =	ssyncset.done $0x0  }
.LBB2_2:
0x82: {  	[sflag:s3] =	ssyncadd.s32 $0xFFFF8300  }
0x83: {  	_ =	sfence.sel $0x180000  }
0x84: {  	[bflag:$0x0] =	sbarrier.arrive $0xFFFF  }
0x85: {  	p0 =	sne.s32 s0, $0x0;
	_ =	strace $0x90000047  }
0x86: {  	s0 =	sadd.s32 @!p0 $0x100000, s1;
	[bflag:$0x2] =	sbarrier.arrive $0xFFFF  }
0x87: {  	[sflag:s0] =	ssyncadd.tile.s32 @!p0 $0x1;
	_ =	shalt  }
.Lfunc_end2:
_tile_overlayer_lowered:
.L_overlay_start_2:
0x88: {  	(tag) =	ssettag $0x2  }
0x89: {  	s0 =	rddreg [dreg:$0x0];
	s2 =	stileid.u32  }
0x8a: {  	s1 =	rddreg [dreg:$0x1];
	p0 =	sne.s32 s2, $0x0  }
0x8b: {  	s3 =	rddreg [dreg:$0x2];
	[bflag:$0x3] =	sbarrier.arrive $0xFFFF;
	s2 =	simm.s32 @!p0 $0x1C03  }
0x8c: {  	[timem:s3], [sflag:s2] =	dma.local @!p0 [hbm:s0], s1  }
0x8d: {  	s0 =	simm.s32 @!p0 $0x3  }
0x8e: {  	_ =	swait.ge @!p0 [sflag:s0], s1  }
0x8f: {  	s1 =	ssub.s32 @!p0 $0x0, s1;
	[sflag:s0] =	ssyncset.done @!p0 $0x0  }
0x90: {  	[sflag:s0] =	ssyncadd.s32 @!p0 s1  }
0x91: {  	[bflag:$0x3] =	sbarrier.arrive $0xFFFF  }
0x92: {  	_ =	shalt  }

// kernel: kernel.13.cloned.1.call-start
scs
__scs_entry_jumppad:
0x0: {  	(pc) =	sbr.rel $0x88, $3  }
0x1: {  	(tag) =	ssettag $0x0;
	lr =	simm.s32 $0x1  }
0x2: {  	[smem:$0x3F8F] =	sst lr;
	_ =	strace $0xD0000000  }
0x3: {  	_ = 	snop  }
0x4: {  	_ = 	snop  }
0x5: {  	_ = 	snop  }
0x6: {  	_ = 	snop  }
0x7: {  	_ = 	snop  }
__scs_overlays_trampoline_lowered:
0x8: {  	[smem:$0x3F9E] =	sst s0  }
0x9: {  	[smem:$0x3F9F] =	sst s1  }
0xa: {  	[smem:$0x3FA0] =	sst s2  }
0xb: {  	[smem:$0x3FA1] =	sst s3  }
0xc: {  	[smem:$0x3FA2] =	sst s4  }
0xd: {  	[smem:$0x3FA3] =	sst s5  }
0xe: {  	[smem:$0x3FA4] =	sst s6  }
0xf: {  	[smem:$0x3FA5] =	sst s7  }
0x10: {  	[smem:$0x3FA6] =	sst s8  }
0x11: {  	[smem:$0x3FA7] =	sst s9;
	s0 =	simm.s32 @!p0 $0x0  }
0x12: {  	s1 =	sld [smem:$0x3F8D];
	s0 =	simm.s32 @p0 $0x1  }
0x13: {  	[smem:$0x3FA8] =	sst s0;
	s0 =	simm.s32 @!p1 $0x0  }
0x14: {  	s2 =	sld [smem:$0x3F8C];
	s0 =	simm.s32 @p1 $0x1  }
0x15: {  	[smem:$0x3FA9] =	sst s0;
	s0 =	simm.s32 @!p2 $0x0  }
0x16: {  	s3 =	sld [smem:$0x3FDB];
	s0 =	simm.s32 @p2 $0x1  }
0x17: {  	s4 =	simm.s32 $0x1BF5;
	[smem:$0x3FAB] =	sst s0  }
0x18: {  	s0 =	sld [smem:$0x3F8E];
	_ =	swait.ge [sflag:s4], $0x0  }
0x19: {  	s7 =	sld [smem:$0x3F8F]  }
0x1a: {  	s8 =	sadd.s32 $0xFFFFE003, lr  }
0x1b: {  	s9 =	sadd.s32 $0xFFFFFEF7, lr;
	s5 =	simm.s32 $0xFFFFFFFF;
	p2 =	slt.u32 s8, $0xFFFFF086  }
0x1c: {  	p1 =	slt.u32 s9, $0xF7A;
	s5 =	simm.s32 @!p2 $0x0  }
0x1d: {  	s5 =	simm.s32 @p1 $0x1;
	p0 =	seq.s32 s7, s2  }
0x1e: {  	s7 =	smul.u32 @!p0 $0xF7A, s2;
	p2 =	seq.s32 @!p0 s5, $0x0  }
0x1f: {  	s9 =	smul.u32 $0xF7A, s1;
	s8 =	simm.s32 @!p0 $0x1BF5;
	p2 =	por !p2, p0  }
0x20: {  	[sflag:s8] =	ssyncset.s32 @!p0 $0xFFFFF086;
	s6 =	sadd.s32 @!p0 s3, s7;
	s7 =	simm.s32 @!p0 $0x108  }
0x21: {  	s3 =	sadd.s32 s3, s9;
	s6 =	sadd.s32 @!p0 $0x88, s6;
	s7 =	simm.s32 @p2 $0x1082  }
0x22: {  	[simem:s7], [sflag:s8] =	dma.local @!p0 [hbm:s6], $0xF7A  }
0x23: {  	s9 =	sor.u32 $0xD0000000, s2;
	s6 =	simm.s32 $0x108;
	_ =	swait.ge @!p0 [sflag:s8], $0x0  }
0x24: {  	s3 =	sadd.s32 $0x88, s3;
	s6 =	simm.s32 @!p1 $0x1082;
	[sflag:s4] =	ssyncset.s32 $0xFFFFF086  }
0x25: {  	[simem:s6], [sflag:s4] =	dma.local [hbm:s3], $0xF7A  }
0x26: {  	[smem:$0x3F8F] =	sst s1;
	(tag) =	ssettag s2;
	_ =	strace s9  }
0x27: {  	s1 =	sld [smem:$0x3F9F]  }
0x28: {  	s2 =	sld [smem:$0x3FA0]  }
0x29: {  	s4 =	sld [smem:$0x3FA2]  }
0x2a: {  	p0 =	seq.s32 s5, $0x0;
	s5 =	sld [smem:$0x3FA3]  }
0x2b: {  	s6 =	sld [smem:$0x3FA4]  }
0x2c: {  	s7 =	sld [smem:$0x3FA5]  }
0x2d: {  	s3 =	simm.s32 $0x108;
	s8 =	sld [smem:$0x3FA6]  }
0x2e: {  	s3 =	simm.s32 @!p0 $0x1082;
	s9 =	sld [smem:$0x3FA7]  }
0x2f: {  	lr =	sadd.s32 s0, s3;
	s0 =	sld [smem:$0x3F9E]  }
0x30: {  	s3 =	sld [smem:$0x3FA1]  }
0x31: {  	[smem:$0x3FAA] =	sst s10  }
0x32: {  	s10 =	sld [smem:$0x3FA8];
	_ =	sdelay $0x3  }
0x33: {  	p0 =	seq.s32 s10, $0x1;
	s10 =	sld [smem:$0x3FAA];
	_ =	sdelay $0x3  }
0x34: {  	[smem:$0x3FAA] =	sst s10  }
0x35: {  	s10 =	sld [smem:$0x3FA9];
	_ =	sdelay $0x3  }
0x36: {  	p1 =	seq.s32 s10, $0x1;
	s10 =	sld [smem:$0x3FAA];
	_ =	sdelay $0x3  }
0x37: {  	[smem:$0x3FAA] =	sst s10  }
0x38: {  	s10 =	sld [smem:$0x3FAB]  }
0x39: {  	_ = 	snop;
	(pc) =	sbr.ind lr, $3  }
0x3a: {  	_ = 	snop  }
0x3b: {  	_ = 	snop  }
0x3c: {  	p2 =	seq.s32 s10, $0x1;
	s10 =	sld [smem:$0x3FAA]  }
0x3d: {  	_ =	shalt  }
0x3e: {  	_ =	shalt  }
0x3f: {  	_ =	shalt  }
0x40: {  	_ =	shalt  }
0x41: {  	_ =	shalt  }
0x42: {  	_ =	shalt  }
0x43: {  	_ =	shalt  }
0x44: {  	_ =	shalt  }
0x45: {  	_ =	shalt  }
0x46: {  	_ =	shalt  }
0x47: {  	_ =	shalt  }
0x48: {  	_ =	shalt  }
0x49: {  	_ =	shalt  }
0x4a: {  	_ =	shalt  }
0x4b: {  	_ =	shalt  }
0x4c: {  	_ =	shalt  }
0x4d: {  	_ =	shalt  }
0x4e: {  	_ =	shalt  }
0x4f: {  	_ =	shalt  }
0x50: {  	_ =	shalt  }
0x51: {  	_ =	shalt  }
0x52: {  	_ =	shalt  }
0x53: {  	_ =	shalt  }
0x54: {  	_ =	shalt  }
0x55: {  	_ =	shalt  }
0x56: {  	_ =	shalt  }
0x57: {  	_ =	shalt  }
0x58: {  	_ =	shalt  }
0x59: {  	_ =	shalt  }
0x5a: {  	_ =	shalt  }
0x5b: {  	_ =	shalt  }
0x5c: {  	_ =	shalt  }
0x5d: {  	_ =	shalt  }
0x5e: {  	_ =	shalt  }
0x5f: {  	_ =	shalt  }
0x60: {  	_ =	shalt  }
0x61: {  	_ =	shalt  }
0x62: {  	_ =	shalt  }
0x63: {  	_ =	shalt  }
0x64: {  	_ =	shalt  }
0x65: {  	_ =	shalt  }
0x66: {  	_ =	shalt  }
0x67: {  	_ =	shalt  }
0x68: {  	_ =	shalt  }
0x69: {  	_ =	shalt  }
0x6a: {  	_ =	shalt  }
0x6b: {  	_ =	shalt  }
0x6c: {  	_ =	shalt  }
0x6d: {  	_ =	shalt  }
0x6e: {  	_ =	shalt  }
0x6f: {  	_ =	shalt  }
0x70: {  	_ =	shalt  }
0x71: {  	_ =	shalt  }
0x72: {  	_ =	shalt  }
0x73: {  	_ =	shalt  }
0x74: {  	_ =	shalt  }
0x75: {  	_ =	shalt  }
0x76: {  	_ =	shalt  }
0x77: {  	_ =	shalt  }
0x78: {  	_ =	shalt  }
0x79: {  	_ =	shalt  }
0x7a: {  	_ =	shalt  }
0x7b: {  	_ =	shalt  }
0x7c: {  	_ =	shalt  }
0x7d: {  	_ =	shalt  }
0x7e: {  	_ =	shalt  }
0x7f: {  	_ =	shalt  }
0x80: {  	_ =	shalt  }
0x81: {  	_ =	shalt  }
0x82: {  	_ =	shalt  }
0x83: {  	_ =	shalt  }
0x84: {  	_ =	shalt  }
0x85: {  	_ =	shalt  }
0x86: {  	_ =	shalt  }
0x87: {  	_ =	shalt  }
.Lfunc_end0:
.L_simem_size_0:
called_computation.1_lowered:
.L_overlay_start_0:
0x88: {  	s2 =	sld [smem:$0x3FD9]  }
0x89: {  	s3 =	sld [smem:$0x3FFE];
	_ =	sdelay $0x1  }
0x8a: {  	s1 =	srdreg.scid  }
0x8b: {  	s0 =	sand.u32 $0x1, s1  }
0x8c: {  	s16 =	sshll.u32 s0, $0xA;
	s2 =	sadd.s32 s3, s2  }
0x8d: {  	s2 =	sadd.s32 s2, s16  }
0x8e: {  	[smem:$0x3FB6] =	sst s2  }
0x8f: {  	_ = 	snop  }
0x90: {  	(tm) =	ssettm $0x1  }
0x91: {  	s17 =	sld [smem:$0x3FFB];
	_ =	sdelay $0x3  }
0x92: {  	_ =	strace s17  }
0x93: {  	s2 =	sld [smem:$0x3FFC];
	_ =	sdelay $0x3  }
0x94: {  	_ =	strace s2  }
0x95: {  	s2 =	sld [smem:$0x3FFD];
	_ =	sdelay $0x3  }
0x96: {  	_ =	strace s2  }
0x97: {  	_ =	strace $0x8FFFFFFF  }
0x98: {  	s18 =	sld [smem:$0x3FDB];
	_ =	sdelay $0x1  }
0x99: {  	s19 =	simm.s32 $_scs_section_size  }
0x9a: {  	s4 =	simm.s32 $_size__tile_overlayer_lowered;
	s5 =	simm.s32 $_tile_overlayer_lowered  }
0x9b: {  	s22 =	simm.s32 $0x1BFF;
	s21 =	sshll.u32 s5, $0x1;
	s2 =	sadd.s32 s19, s18  }
0x9c: {  	s6 =	simm.s32 $0x0;
	s20 =	sshll.u32 s4, $0x1;
	s4 =	sadd.s32 s21, s2  }
0x9d: {  	[timem:s6], [sflag:s22] =	dma.local [hbm:s4], s20  }
0x9e: {  	_ =	swait.ge [sflag:s22], s20  }
0x9f: {  	s3 =	ssub.s32 $0x0, s20;
	[sflag:s22] =	ssyncset.done $0x0  }
0xa0: {  	[sflag:s22] =	ssyncadd.s32 s3;
	_ =	sdelay $0x1  }
0xa1: {  	s23 =	simm.s32 $0x1B8B  }
0xa2: {  	_ =	swait.ge [sflag:s23], $0x1  }
0xa3: {  	[sflag:s23] =	ssyncset.done $0x0  }
0xa4: {  	s25 =	simm.s32 $0x1B8E;
	s24 =	sld [smem:$0x3FFE];
	[sflag:s23] =	ssyncadd.s32 $0xFFFFFFFF  }
0xa5: {  	s26 =	simm.s32 $execute0_lowered;
	[smem:$0x3FD2] =	sst s25  }
0xa6: {  	s4 =	sshll.u32 s26, $0x1;
	_ =	strace $0x80000049;
	[dreg:$0x1] =	wrdreg $0xFFFFFFFF  }
0xa7: {  	s28 =	simm.s32 $_size_execute0_lowered;
	s2 =	sadd.s32 s2, s4;
	[dreg:$0x0] =	wrdreg $0x0  }
0xa8: {  	s4 =	sshll.u32 s28, $0x1;
	[dreg:$0x2] =	wrdreg s2  }
0xa9: {  	[dreg:$0x3] =	wrdreg s4  }
0xaa: {  	[dreg:$0x4] =	wrdreg $0xC0  }
0xab: {  	_ =	task [dreg:s6], $0x5FFFF  }
0xac: {  	[dreg:$0x1] =	wrdreg $0xFFFFFFFF  }
0xad: {  	[dreg:$0x0] =	wrdreg $0x60  }
0xae: {  	[dreg:$0x2] =	wrdreg s24  }
0xaf: {  	[dreg:$0x3] =	wrdreg $0x101D00  }
0xb0: {  	[dreg:$0x4] =	wrdreg $0x9  }
0xb1: {  	_ =	task.clear_ibuf [dreg:s6], $0x5FFFF;
	_ =	strace $0x90000049  }
0xb2: {  	s29 =	simm.s32 $0x9;
	_ =	strace $0x8000004B  }
0xb3: {  	_ =	swait.ge [sflag:s29], $0x1  }
0xb4: {  	[sflag:s29] =	ssyncadd.s32 $0xFFFFFFFF  }
0xb5: {  	_ =	strace $0x9000004B  }
0xb6: {  	_ =	sfence  }
0xb7: {  	s30 =	sld [smem:$0x0];
	_ =	sdelay $0x2  }
0xb8: {  	s31 =	sshll.u32 s1, $0xD;
	s1 =	sshrl.u32 s1, $0x2  }
0xb9: {  	s3 =	sand.u32 $0x4000, s31;
	s1 =	sadd.s32 s1, s30  }
0xba: {  	s0 =	sor.u32 s3, s0;
	s1 =	sshll.u32 s1, $0x11  }
0xbb: {  	s0 =	sor.u32 s1, s0  }
0xbc: {  	s0 =	sadd.s32 $0x8F2B, s0  }
0xbd: {  	[sflag:s0] =	ssyncadd.remote.s32 $0x1  }
0xbe: {  	_ =	sfence.sel $0xFFFF  }
0xbf: {  	[dreg:$0x0] =	wrdreg $0xFFFFFFFF;
	(pc) =	sbr.abs _section_cstart, $3  }
0xc0: {  	[dreg:$0x1] =	wrdreg $0xFFFFFFFF  }
0xc1: {  	_ =	task.clear_ibuf [dreg:s6], $0x2FFFF;
	_ =	strace $0x9FFFFFFF  }
0xc2: {  	(tm) =	ssettm $0x7FFFFFFF  }
0xc3: {  	_ =	shalt  }
tec
execute0_lowered:
.L_overlay_start_1:
0x0: {  	(tag) =	ssettag $0x1  }
0x1: {  	s25 =	rddreg [dreg:$0x0]  }
0x2: {  	s0 =	srdreg.scid;
	s2 =	rddreg [dreg:$0x1]  }
0x3: {  	s1 =	stileid.u32;
	s3 =	simm.s32 $0x0;
	s26 =	sand.u32 $0x1, s0  }
0x4: {  	s0 =	rddreg [dreg:$0x2];
	s28 =	smul.u32 $0x4E20, s1;
	s4 =	sshll.u32 s26, $0x4  }
0x5: {  	[smem:$0x7FF] =	sst s3;
	s21 =	sadd.s32 $0xE200, s25;
	s11 =	sor.u32 s1, s4  }
0x6: {  	s12 =	sadd.s32 $0xB4400, s25;
	s8 =	sshll.u32 s1, $0x6;
	s22 =	smul.u32 $0x1388, s11  }
0x7: {  	_ =	strace $0x8000004A;
	s24 =	sshrl.u32 s28, $0x3;
	s9 =	sadd.s32 s28, s2  }
0x8: {  	s6 =	smul.u32 $0x4E20, s11;
	s7 =	sadd.s32 s24, s25;
	s5 =	sshrl.u32 s22, $0x3  }
0x9: {  	s10 =	sshrl.u32 s9, $0x3;
	s9 =	simm.s32 $0x5;
	s23 =	sadd.s32 s21, s5  }
0xa: {  	s14 =	smul.u32 $0x27100, s11;
	s5 =	sadd.s32 s12, s6;
	s4 =	sadd.s32 $0x4E20, s23  }
0xb: {  	[tilespmem:s3], [sflag:$0x1] =	stream.linear.gather [hbm4b:s4+s3], $0x3E8, $0x38;
	[tilespmem:$0x14FF0] =	vst v63  }
0xc: {  	s6 =	sadd.s32 $0x4400, s7;
	s7 =	sor.u32 $0x1C05, s8;
	s8 =	simm.s32 $0x7D0  }
0xd: {  	[tilespmem:s8], [sflag:$0x3] =	stream.linear.gather [hbm4b:s5+s3], $0x7D00, $0x38;
	[tilespmem:$0x14FF0] =	vst v63  }
0xe: {  	[spmem:s10], [sflag:s7] =	dma.local [hbm:s6], $0x9C4  }
0xf: {  	_ =	swait.ge [sflag:s9], $0x9C4  }
0x10: {  	s13 =	sadd.s32 $0x274E8, s22;
	s30 =	sshrl.u32 s14, $0x3;
	[sflag:s9] =	ssyncset.done $0x0  }
0x11: {  	s29 =	sshrl.u32 s13, $0x3;
	s24 =	sadd.s32 s12, s30;
	[sflag:s9] =	ssyncadd.s32 $0xFFFFF63C  }
0x12: {  	s12 =	simm.s32 $0x3E8;
	s11 =	sadd.s32 s21, s29;
	[bflag:$0x0] =	sbarrier.arrive $0xFFFF  }
0x13: {  	[tilespmem:s12], [sflag:$0x2] =	stream.linear.gather [hbm4b:s11+s3], $0x3E8, $0x38;
	[tilespmem:$0x14FF0] =	vst v63  }
0x14: {  	s15 =	simm.s32 $0x1;
	s14 =	simm.s32 $0x84D0;
	s13 =	sadd.s32 $0xFA0, s24  }
0x15: {  	[tilespmem:s14], [sflag:$0x4] =	stream.linear.gather [hbm4b:s13+s3], $0x7D00, $0x38;
	[tilespmem:$0x14FF0] =	vst v63  }
0x16: {  	_ =	swait.ge [sflag:s15], $0x3E8  }
0x17: {  	[sflag:s15] =	ssyncset.done $0x0  }
0x18: {  	s16 =	simm.s32 $0x3;
	[sflag:s15] =	ssyncadd.s32 $0xFFFFFC18  }
0x19: {  	_ =	swait.ge [sflag:s16], $0x7D00  }
0x1a: {  	[sflag:s16] =	ssyncset.done $0x0  }
0x1b: {  	[sflag:s16] =	ssyncadd.s32 $0xFFFF8300  }
0x1c: {  	[spmem:s2] =	stream.indirect.scatter.add.f32 [tilespmem:s8], [sflag:$0x5], $0x20, s3, s12, $0xb8;
	[tilespmem:$0x14FF0] =	vst v63  }
0x1d: {  	_ =	swait.ge [sflag:s9], $0x7D00  }
0x1e: {  	[sflag:s9] =	ssyncset.done $0x0  }
0x1f: {  	s17 =	sadd.s32 $0x4F1A, s23;
	[sflag:s9] =	ssyncadd.s32 $0xFFFF8300  }
0x20: {  	[tilespmem:s3], [sflag:$0x1] =	stream.linear.gather [hbm4b:s17+s3], $0x3E8, $0x38;
	[tilespmem:$0x14FF0] =	vst v63  }
0x21: {  	s19 =	simm.s32 $0x2;
	s18 =	sadd.s32 $0x1F40, s24  }
0x22: {  	[tilespmem:s8], [sflag:$0x3] =	stream.linear.gather [hbm4b:s18+s3], $0x7D00, $0x38;
	[tilespmem:$0x14FF0] =	vst v63  }
0x23: {  	_ =	swait.ge [sflag:s19], $0x3E8  }
0x24: {  	[sflag:s19] =	ssyncset.done $0x0  }
0x25: {  	s20 =	simm.s32 $0x4;
	[sflag:s19] =	ssyncadd.s32 $0xFFFFFC18  }
0x26: {  	_ =	swait.ge [sflag:s20], $0x7D00  }
0x27: {  	[sflag:s20] =	ssyncset.done $0x0  }
0x28: {  	[sflag:s20] =	ssyncadd.s32 $0xFFFF8300  }
0x29: {  	[spmem:s2] =	stream.indirect.scatter.add.f32 [tilespmem:s14], [sflag:$0x5], $0x20, s12, s12, $0xb8;
	[tilespmem:$0x14FF0] =	vst v63  }
0x2a: {  	s22 =	sadd.s32 $0x27CB8, s22;
	_ =	swait.ge [sflag:s9], $0x7D00  }
0x2b: {  	s22 =	sshrl.u32 s22, $0x3;
	[sflag:s9] =	ssyncset.done $0x0  }
0x2c: {  	s21 =	sadd.s32 s21, s22;
	[sflag:s9] =	ssyncadd.s32 $0xFFFF8300  }
0x2d: {  	[tilespmem:s12], [sflag:$0x2] =	stream.linear.gather [hbm4b:s21+s3], $0x3E8, $0x38;
	[tilespmem:$0x14FF0] =	vst v63  }
0x2e: {  	s22 =	sadd.s32 $0x2EE0, s24  }
0x2f: {  	[tilespmem:s14], [sflag:$0x4] =	stream.linear.gather [hbm4b:s22+s3], $0x7D00, $0x38;
	[tilespmem:$0x14FF0] =	vst v63  }
0x30: {  	_ =	swait.ge [sflag:s15], $0x3E8  }
0x31: {  	[sflag:s15] =	ssyncset.done $0x0  }
0x32: {  	[sflag:s15] =	ssyncadd.s32 $0xFFFFFC18  }
0x33: {  	_ =	swait.ge [sflag:s16], $0x7D00  }
0x34: {  	[sflag:s16] =	ssyncset.done $0x0  }
0x35: {  	[sflag:s16] =	ssyncadd.s32 $0xFFFF8300  }
0x36: {  	[spmem:s2] =	stream.indirect.scatter.add.f32 [tilespmem:s8], [sflag:$0x5], $0x20, s3, s12, $0xb8;
	[tilespmem:$0x14FF0] =	vst v63  }
0x37: {  	_ =	swait.ge [sflag:s9], $0x7D00  }
0x38: {  	[sflag:s9] =	ssyncset.done $0x0  }
0x39: {  	s23 =	sadd.s32 $0x5014, s23;
	[sflag:s9] =	ssyncadd.s32 $0xFFFF8300  }
0x3a: {  	[tilespmem:s3], [sflag:$0x1] =	stream.linear.gather [hbm4b:s23+s3], $0x3E8, $0x38;
	[tilespmem:$0x14FF0] =	vst v63  }
0x3b: {  	s24 =	sadd.s32 $0x3E80, s24  }
0x3c: {  	[tilespmem:s8], [sflag:$0x3] =	stream.linear.gather [hbm4b:s24+s3], $0x7D00, $0x38;
	[tilespmem:$0x14FF0] =	vst v63  }
0x3d: {  	_ =	swait.ge [sflag:s19], $0x3E8  }
0x3e: {  	[sflag:s19] =	ssyncset.done $0x0  }
0x3f: {  	[sflag:s19] =	ssyncadd.s32 $0xFFFFFC18  }
0x40: {  	_ =	swait.ge [sflag:s20], $0x7D00  }
0x41: {  	[sflag:s20] =	ssyncset.done $0x0  }
0x42: {  	[sflag:s20] =	ssyncadd.s32 $0xFFFF8300  }
0x43: {  	[spmem:s2] =	stream.indirect.scatter.add.f32 [tilespmem:s14], [sflag:$0x5], $0x20, s12, s12, $0xb8;
	[tilespmem:$0x14FF0] =	vst v63  }
0x44: {  	_ =	swait.ge [sflag:s9], $0x7D00  }
0x45: {  	[sflag:s9] =	ssyncset.done $0x0  }
0x46: {  	[sflag:s9] =	ssyncadd.s32 $0xFFFF8300  }
0x47: {  	_ =	swait.ge [sflag:s15], $0x3E8  }
0x48: {  	[sflag:s15] =	ssyncset.done $0x0  }
0x49: {  	[sflag:s15] =	ssyncadd.s32 $0xFFFFFC18  }
0x4a: {  	s29 =	smul.u32 $0x4E200, s26;
	s26 =	ssub.s32 $0x2, s26;
	_ =	swait.ge [sflag:s16], $0x7D00  }
0x4b: {  	s31 =	sshrl.u32 s26, $0x1;
	[sflag:s16] =	ssyncset.done $0x0  }
0x4c: {  	s26 =	ssub.s32 s26, s31;
	[sflag:s16] =	ssyncadd.s32 $0xFFFF8300  }
0x4d: {  	[spmem:s2] =	stream.indirect.scatter.add.f32 [tilespmem:s8], [sflag:$0x5], $0x20, s3, s12, $0xb8;
	[tilespmem:$0x14FF0] =	vst v63  }
0x4e: {  	s28 =	sadd.s32 s28, s29;
	s26 =	smax.u32 s26, $0x1;
	_ =	swait.ge [sflag:s9], $0x7D00  }
0x4f: {  	s28 =	sshrl.u32 s28, $0x3;
	p0 =	sne.s32 s26, $0x1;
	[sflag:s9] =	ssyncset.done $0x0  }
.Ltmp0:
0x50: {  	s25 =	sadd.s32 s28, s25;
	[sflag:s9] =	ssyncadd.s32 $0xFFFF8300;
	(pc) =	sbr.rel @!p0 .LBB2_2-.Ltmp0, $4  }
0x51: {  	s25 =	sadd.s32 $0x18000, s25;
	[bflag:$0x0] =	sbarrier.arrive $0xFFFF  }
0x52: {  	[hbm:s25], [sflag:s7] =	dma.local [spmem:s10], $0x9C4  }
0x53: {  	_ =	swait.ge [sflag:s9], $0x9C4  }
0x54: {  	s26 =	sadd.s32 $0xFFFFFFFF, s26;
	[sflag:s9] =	ssyncset.done $0x0  }
.LBB2_1:
0x55: {  	p0 =	sne.s32 s26, $0x1;
	s26 =	sadd.s32 $0xFFFFFFFF, s26;
	[sflag:s9] =	ssyncadd.s32 $0xFFFFF63C  }
0x56: {  	[tilespmem:s3], [sflag:$0x1] =	stream.linear.gather [hbm4b:s4+s3], $0x3E8, $0x38;
	[tilespmem:$0x14FF0] =	vst v63  }
0x57: {  	_ = 	snop  }
0x58: {  	[tilespmem:s8], [sflag:$0x3] =	stream.linear.gather [hbm4b:s5+s3], $0x7D00, $0x38;
	[tilespmem:$0x14FF0] =	vst v63  }
0x59: {  	[spmem:s10], [sflag:s7] =	dma.local [hbm:s6], $0x9C4  }
0x5a: {  	_ =	swait.ge [sflag:s9], $0x9C4  }
0x5b: {  	[sflag:s9] =	ssyncset.done $0x0  }
0x5c: {  	[sflag:s9] =	ssyncadd.s32 $0xFFFFF63C  }
0x5d: {  	[bflag:$0x0] =	sbarrier.arrive $0xFFFF  }
0x5e: {  	[tilespmem:s12], [sflag:$0x2] =	stream.linear.gather [hbm4b:s11+s3], $0x3E8, $0x38;
	[tilespmem:$0x14FF0] =	vst v63  }
0x5f: {  	_ = 	snop  }
0x60: {  	[tilespmem:s14], [sflag:$0x4] =	stream.linear.gather [hbm4b:s13+s3], $0x7D00, $0x38;
	[tilespmem:$0x14FF0] =	vst v63  }
0x61: {  	_ =	swait.ge [sflag:s15], $0x3E8  }
0x62: {  	[sflag:s15] =	ssyncset.done $0x0  }
0x63: {  	[sflag:s15] =	ssyncadd.s32 $0xFFFFFC18  }
0x64: {  	_ =	swait.ge [sflag:s16], $0x7D00  }
0x65: {  	[sflag:s16] =	ssyncset.done $0x0  }
0x66: {  	[sflag:s16] =	ssyncadd.s32 $0xFFFF8300  }
0x67: {  	[spmem:s2] =	stream.indirect.scatter.add.f32 [tilespmem:s8], [sflag:$0x5], $0x20, s3, s12, $0xb8;
	[tilespmem:$0x14FF0] =	vst v63  }
0x68: {  	_ =	swait.ge [sflag:s9], $0x7D00  }
0x69: {  	[sflag:s9] =	ssyncset.done $0x0  }
0x6a: {  	[sflag:s9] =	ssyncadd.s32 $0xFFFF8300  }
0x6b: {  	[tilespmem:s3], [sflag:$0x1] =	stream.linear.gather [hbm4b:s17+s3], $0x3E8, $0x38;
	[tilespmem:$0x14FF0] =	vst v63  }
0x6c: {  	_ = 	snop  }
0x6d: {  	[tilespmem:s8], [sflag:$0x3] =	stream.linear.gather [hbm4b:s18+s3], $0x7D00, $0x38;
	[tilespmem:$0x14FF0] =	vst v63  }
0x6e: {  	_ =	swait.ge [sflag:s19], $0x3E8  }
0x6f: {  	[sflag:s19] =	ssyncset.done $0x0  }
0x70: {  	[sflag:s19] =	ssyncadd.s32 $0xFFFFFC18  }
0x71: {  	_ =	swait.ge [sflag:s20], $0x7D00  }
0x72: {  	[sflag:s20] =	ssyncset.done $0x0  }
0x73: {  	[sflag:s20] =	ssyncadd.s32 $0xFFFF8300  }
0x74: {  	[spmem:s2] =	stream.indirect.scatter.add.f32 [tilespmem:s14], [sflag:$0x5], $0x20, s12, s12, $0xb8;
	[tilespmem:$0x14FF0] =	vst v63  }
0x75: {  	_ =	swait.ge [sflag:s9], $0x7D00  }
0x76: {  	[sflag:s9] =	ssyncset.done $0x0  }
0x77: {  	[sflag:s9] =	ssyncadd.s32 $0xFFFF8300  }
0x78: {  	[tilespmem:s12], [sflag:$0x2] =	stream.linear.gather [hbm4b:s21+s3], $0x3E8, $0x38;
	[tilespmem:$0x14FF0] =	vst v63  }
0x79: {  	_ = 	snop  }
0x7a: {  	[tilespmem:s14], [sflag:$0x4] =	stream.linear.gather [hbm4b:s22+s3], $0x7D00, $0x38;
	[tilespmem:$0x14FF0] =	vst v63  }
0x7b: {  	_ =	swait.ge [sflag:s15], $0x3E8  }
0x7c: {  	[sflag:s15] =	ssyncset.done $0x0  }
0x7d: {  	[sflag:s15] =	ssyncadd.s32 $0xFFFFFC18  }
0x7e: {  	_ =	swait.ge [sflag:s16], $0x7D00  }
0x7f: {  	[sflag:s16] =	ssyncset.done $0x0  }
0x80: {  	[sflag:s16] =	ssyncadd.s32 $0xFFFF8300  }
0x81: {  	[spmem:s2] =	stream.indirect.scatter.add.f32 [tilespmem:s8], [sflag:$0x5], $0x20, s3, s12, $0xb8;
	[tilespmem:$0x14FF0] =	vst v63  }
0x82: {  	_ =	swait.ge [sflag:s9], $0x7D00  }
0x83: {  	[sflag:s9] =	ssyncset.done $0x0  }
0x84: {  	[sflag:s9] =	ssyncadd.s32 $0xFFFF8300  }
0x85: {  	[tilespmem:s3], [sflag:$0x1] =	stream.linear.gather [hbm4b:s23+s3], $0x3E8, $0x38;
	[tilespmem:$0x14FF0] =	vst v63  }
0x86: {  	_ = 	snop  }
0x87: {  	[tilespmem:s8], [sflag:$0x3] =	stream.linear.gather [hbm4b:s24+s3], $0x7D00, $0x38;
	[tilespmem:$0x14FF0] =	vst v63  }
0x88: {  	_ =	swait.ge [sflag:s19], $0x3E8  }
0x89: {  	[sflag:s19] =	ssyncset.done $0x0  }
0x8a: {  	[sflag:s19] =	ssyncadd.s32 $0xFFFFFC18  }
0x8b: {  	_ =	swait.ge [sflag:s20], $0x7D00  }
0x8c: {  	[sflag:s20] =	ssyncset.done $0x0  }
0x8d: {  	[sflag:s20] =	ssyncadd.s32 $0xFFFF8300  }
0x8e: {  	[spmem:s2] =	stream.indirect.scatter.add.f32 [tilespmem:s14], [sflag:$0x5], $0x20, s12, s12, $0xb8;
	[tilespmem:$0x14FF0] =	vst v63  }
0x8f: {  	_ =	swait.ge [sflag:s9], $0x7D00  }
0x90: {  	[sflag:s9] =	ssyncset.done $0x0  }
0x91: {  	[sflag:s9] =	ssyncadd.s32 $0xFFFF8300  }
0x92: {  	_ =	swait.ge [sflag:s15], $0x3E8  }
0x93: {  	[sflag:s15] =	ssyncset.done $0x0  }
0x94: {  	[sflag:s15] =	ssyncadd.s32 $0xFFFFFC18  }
0x95: {  	_ =	swait.ge [sflag:s16], $0x7D00  }
0x96: {  	[sflag:s16] =	ssyncset.done $0x0  }
0x97: {  	[sflag:s16] =	ssyncadd.s32 $0xFFFF8300  }
0x98: {  	[spmem:s2] =	stream.indirect.scatter.add.f32 [tilespmem:s8], [sflag:$0x5], $0x20, s3, s12, $0xb8;
	[tilespmem:$0x14FF0] =	vst v63  }
0x99: {  	_ =	swait.ge [sflag:s9], $0x7D00  }
0x9a: {  	[sflag:s9] =	ssyncset.done $0x0  }
.Ltmp1:
0x9b: {  	[sflag:s9] =	ssyncadd.s32 $0xFFFF8300;
	(pc) =	sbr.rel @p0 .LBB2_1-.Ltmp1, $4  }
0x9c: {  	[bflag:$0x0] =	sbarrier.arrive $0xFFFF  }
0x9d: {  	[hbm:s25], [sflag:s7] =	dma.local [spmem:s10], $0x9C4  }
0x9e: {  	_ =	swait.ge [sflag:s9], $0x9C4  }
0x9f: {  	[sflag:s9] =	ssyncset.done $0x0  }
.LBB2_2:
0xa0: {  	[sflag:s9] =	ssyncadd.s32 $0xFFFFF63C  }
0xa1: {  	_ =	sfence.sel $0x180000  }
0xa2: {  	[bflag:$0x0] =	sbarrier.arrive $0xFFFF  }
0xa3: {  	p0 =	sne.s32 s1, $0x0;
	_ =	strace $0x9000004A  }
0xa4: {  	s0 =	sadd.s32 @!p0 $0x100000, s0;
	[bflag:$0x2] =	sbarrier.arrive $0xFFFF  }
0xa5: {  	[sflag:s0] =	ssyncadd.tile.s32 @!p0 $0x1;
	_ =	shalt  }
.Lfunc_end2:
_tile_overlayer_lowered:
.L_overlay_start_2:
0xa6: {  	(tag) =	ssettag $0x2  }
0xa7: {  	s0 =	rddreg [dreg:$0x0];
	s2 =	stileid.u32  }
0xa8: {  	s1 =	rddreg [dreg:$0x1];
	p0 =	sne.s32 s2, $0x0  }
0xa9: {  	s3 =	rddreg [dreg:$0x2];
	[bflag:$0x3] =	sbarrier.arrive $0xFFFF;
	s2 =	simm.s32 @!p0 $0x1C05  }
0xaa: {  	[timem:s3], [sflag:s2] =	dma.local @!p0 [hbm:s0], s1  }
0xab: {  	s0 =	simm.s32 @!p0 $0x5  }
0xac: {  	_ =	swait.ge @!p0 [sflag:s0], s1  }
0xad: {  	s1 =	ssub.s32 @!p0 $0x0, s1;
	[sflag:s0] =	ssyncset.done @!p0 $0x0  }
0xae: {  	[sflag:s0] =	ssyncadd.s32 @!p0 s1  }
0xaf: {  	[bflag:$0x3] =	sbarrier.arrive $0xFFFF  }
0xb0: {  	_ =	shalt  }

// kernel: kernel.16.cloned.1.call-start
scs
__scs_entry_jumppad:
0x0: {  	(pc) =	sbr.rel $0x88, $3  }
0x1: {  	(tag) =	ssettag $0x0;
	lr =	simm.s32 $0x1  }
0x2: {  	[smem:$0x3F8F] =	sst lr;
	_ =	strace $0xD0000000  }
0x3: {  	_ = 	snop  }
0x4: {  	_ = 	snop  }
0x5: {  	_ = 	snop  }
0x6: {  	_ = 	snop  }
0x7: {  	_ = 	snop  }
__scs_overlays_trampoline_lowered:
0x8: {  	[smem:$0x3F9E] =	sst s0  }
0x9: {  	[smem:$0x3F9F] =	sst s1  }
0xa: {  	[smem:$0x3FA0] =	sst s2  }
0xb: {  	[smem:$0x3FA1] =	sst s3  }
0xc: {  	[smem:$0x3FA2] =	sst s4  }
0xd: {  	[smem:$0x3FA3] =	sst s5  }
0xe: {  	[smem:$0x3FA4] =	sst s6  }
0xf: {  	[smem:$0x3FA5] =	sst s7  }
0x10: {  	[smem:$0x3FA6] =	sst s8  }
0x11: {  	[smem:$0x3FA7] =	sst s9;
	s0 =	simm.s32 @!p0 $0x0  }
0x12: {  	s1 =	sld [smem:$0x3F8D];
	s0 =	simm.s32 @p0 $0x1  }
0x13: {  	[smem:$0x3FA8] =	sst s0;
	s0 =	simm.s32 @!p1 $0x0  }
0x14: {  	s2 =	sld [smem:$0x3F8C];
	s0 =	simm.s32 @p1 $0x1  }
0x15: {  	[smem:$0x3FA9] =	sst s0;
	s0 =	simm.s32 @!p2 $0x0  }
0x16: {  	s3 =	sld [smem:$0x3FDB];
	s0 =	simm.s32 @p2 $0x1  }
0x17: {  	s4 =	simm.s32 $0x1BF5;
	[smem:$0x3FAB] =	sst s0  }
0x18: {  	s0 =	sld [smem:$0x3F8E];
	_ =	swait.ge [sflag:s4], $0x0  }
0x19: {  	s7 =	sld [smem:$0x3F8F]  }
0x1a: {  	s8 =	sadd.s32 $0xFFFFE003, lr  }
0x1b: {  	s9 =	sadd.s32 $0xFFFFFEF7, lr;
	s5 =	simm.s32 $0xFFFFFFFF;
	p2 =	slt.u32 s8, $0xFFFFF086  }
0x1c: {  	p1 =	slt.u32 s9, $0xF7A;
	s5 =	simm.s32 @!p2 $0x0  }
0x1d: {  	s5 =	simm.s32 @p1 $0x1;
	p0 =	seq.s32 s7, s2  }
0x1e: {  	s7 =	smul.u32 @!p0 $0xF7A, s2;
	p2 =	seq.s32 @!p0 s5, $0x0  }
0x1f: {  	s9 =	smul.u32 $0xF7A, s1;
	s8 =	simm.s32 @!p0 $0x1BF5;
	p2 =	por !p2, p0  }
0x20: {  	[sflag:s8] =	ssyncset.s32 @!p0 $0xFFFFF086;
	s6 =	sadd.s32 @!p0 s3, s7;
	s7 =	simm.s32 @!p0 $0x108  }
0x21: {  	s3 =	sadd.s32 s3, s9;
	s6 =	sadd.s32 @!p0 $0x88, s6;
	s7 =	simm.s32 @p2 $0x1082  }
0x22: {  	[simem:s7], [sflag:s8] =	dma.local @!p0 [hbm:s6], $0xF7A  }
0x23: {  	s9 =	sor.u32 $0xD0000000, s2;
	s6 =	simm.s32 $0x108;
	_ =	swait.ge @!p0 [sflag:s8], $0x0  }
0x24: {  	s3 =	sadd.s32 $0x88, s3;
	s6 =	simm.s32 @!p1 $0x1082;
	[sflag:s4] =	ssyncset.s32 $0xFFFFF086  }
0x25: {  	[simem:s6], [sflag:s4] =	dma.local [hbm:s3], $0xF7A  }
0x26: {  	[smem:$0x3F8F] =	sst s1;
	(tag) =	ssettag s2;
	_ =	strace s9  }
0x27: {  	s1 =	sld [smem:$0x3F9F]  }
0x28: {  	s2 =	sld [smem:$0x3FA0]  }
0x29: {  	s4 =	sld [smem:$0x3FA2]  }
0x2a: {  	p0 =	seq.s32 s5, $0x0;
	s5 =	sld [smem:$0x3FA3]  }
0x2b: {  	s6 =	sld [smem:$0x3FA4]  }
0x2c: {  	s7 =	sld [smem:$0x3FA5]  }
0x2d: {  	s3 =	simm.s32 $0x108;
	s8 =	sld [smem:$0x3FA6]  }
0x2e: {  	s3 =	simm.s32 @!p0 $0x1082;
	s9 =	sld [smem:$0x3FA7]  }
0x2f: {  	lr =	sadd.s32 s0, s3;
	s0 =	sld [smem:$0x3F9E]  }
0x30: {  	s3 =	sld [smem:$0x3FA1]  }
0x31: {  	[smem:$0x3FAA] =	sst s10  }
0x32: {  	s10 =	sld [smem:$0x3FA8];
	_ =	sdelay $0x3  }
0x33: {  	p0 =	seq.s32 s10, $0x1;
	s10 =	sld [smem:$0x3FAA];
	_ =	sdelay $0x3  }
0x34: {  	[smem:$0x3FAA] =	sst s10  }
0x35: {  	s10 =	sld [smem:$0x3FA9];
	_ =	sdelay $0x3  }
0x36: {  	p1 =	seq.s32 s10, $0x1;
	s10 =	sld [smem:$0x3FAA];
	_ =	sdelay $0x3  }
0x37: {  	[smem:$0x3FAA] =	sst s10  }
0x38: {  	s10 =	sld [smem:$0x3FAB]  }
0x39: {  	_ = 	snop;
	(pc) =	sbr.ind lr, $3  }
0x3a: {  	_ = 	snop  }
0x3b: {  	_ = 	snop  }
0x3c: {  	p2 =	seq.s32 s10, $0x1;
	s10 =	sld [smem:$0x3FAA]  }
0x3d: {  	_ =	shalt  }
0x3e: {  	_ =	shalt  }
0x3f: {  	_ =	shalt  }
0x40: {  	_ =	shalt  }
0x41: {  	_ =	shalt  }
0x42: {  	_ =	shalt  }
0x43: {  	_ =	shalt  }
0x44: {  	_ =	shalt  }
0x45: {  	_ =	shalt  }
0x46: {  	_ =	shalt  }
0x47: {  	_ =	shalt  }
0x48: {  	_ =	shalt  }
0x49: {  	_ =	shalt  }
0x4a: {  	_ =	shalt  }
0x4b: {  	_ =	shalt  }
0x4c: {  	_ =	shalt  }
0x4d: {  	_ =	shalt  }
0x4e: {  	_ =	shalt  }
0x4f: {  	_ =	shalt  }
0x50: {  	_ =	shalt  }
0x51: {  	_ =	shalt  }
0x52: {  	_ =	shalt  }
0x53: {  	_ =	shalt  }
0x54: {  	_ =	shalt  }
0x55: {  	_ =	shalt  }
0x56: {  	_ =	shalt  }
0x57: {  	_ =	shalt  }
0x58: {  	_ =	shalt  }
0x59: {  	_ =	shalt  }
0x5a: {  	_ =	shalt  }
0x5b: {  	_ =	shalt  }
0x5c: {  	_ =	shalt  }
0x5d: {  	_ =	shalt  }
0x5e: {  	_ =	shalt  }
0x5f: {  	_ =	shalt  }
0x60: {  	_ =	shalt  }
0x61: {  	_ =	shalt  }
0x62: {  	_ =	shalt  }
0x63: {  	_ =	shalt  }
0x64: {  	_ =	shalt  }
0x65: {  	_ =	shalt  }
0x66: {  	_ =	shalt  }
0x67: {  	_ =	shalt  }
0x68: {  	_ =	shalt  }
0x69: {  	_ =	shalt  }
0x6a: {  	_ =	shalt  }
0x6b: {  	_ =	shalt  }
0x6c: {  	_ =	shalt  }
0x6d: {  	_ =	shalt  }
0x6e: {  	_ =	shalt  }
0x6f: {  	_ =	shalt  }
0x70: {  	_ =	shalt  }
0x71: {  	_ =	shalt  }
0x72: {  	_ =	shalt  }
0x73: {  	_ =	shalt  }
0x74: {  	_ =	shalt  }
0x75: {  	_ =	shalt  }
0x76: {  	_ =	shalt  }
0x77: {  	_ =	shalt  }
0x78: {  	_ =	shalt  }
0x79: {  	_ =	shalt  }
0x7a: {  	_ =	shalt  }
0x7b: {  	_ =	shalt  }
0x7c: {  	_ =	shalt  }
0x7d: {  	_ =	shalt  }
0x7e: {  	_ =	shalt  }
0x7f: {  	_ =	shalt  }
0x80: {  	_ =	shalt  }
0x81: {  	_ =	shalt  }
0x82: {  	_ =	shalt  }
0x83: {  	_ =	shalt  }
0x84: {  	_ =	shalt  }
0x85: {  	_ =	shalt  }
0x86: {  	_ =	shalt  }
0x87: {  	_ =	shalt  }
.Lfunc_end0:
.L_simem_size_0:
called_computation.2_lowered:
.L_overlay_start_0:
0x88: {  	s2 =	sld [smem:$0x3FD9]  }
0x89: {  	s3 =	sld [smem:$0x3FFE];
	_ =	sdelay $0x1  }
0x8a: {  	s1 =	srdreg.scid  }
0x8b: {  	s0 =	sand.u32 $0x1, s1  }
0x8c: {  	s16 =	sshll.u32 s0, $0xA;
	s2 =	sadd.s32 s3, s2  }
0x8d: {  	s2 =	sadd.s32 s2, s16  }
0x8e: {  	[smem:$0x3FB6] =	sst s2  }
0x8f: {  	_ = 	snop  }
0x90: {  	(tm) =	ssettm $0x1  }
0x91: {  	s17 =	sld [smem:$0x3FFB];
	_ =	sdelay $0x3  }
0x92: {  	_ =	strace s17  }
0x93: {  	s2 =	sld [smem:$0x3FFC];
	_ =	sdelay $0x3  }
0x94: {  	_ =	strace s2  }
0x95: {  	s2 =	sld [smem:$0x3FFD];
	_ =	sdelay $0x3  }
0x96: {  	_ =	strace s2  }
0x97: {  	_ =	strace $0x8FFFFFFF  }
0x98: {  	s18 =	sld [smem:$0x3FDB];
	_ =	sdelay $0x1  }
0x99: {  	s19 =	simm.s32 $_scs_section_size  }
0x9a: {  	s4 =	simm.s32 $_size__tile_overlayer_lowered;
	s5 =	simm.s32 $_tile_overlayer_lowered  }
0x9b: {  	s22 =	simm.s32 $0x1BFF;
	s21 =	sshll.u32 s5, $0x1;
	s2 =	sadd.s32 s19, s18  }
0x9c: {  	s6 =	simm.s32 $0x0;
	s20 =	sshll.u32 s4, $0x1;
	s4 =	sadd.s32 s21, s2  }
0x9d: {  	[timem:s6], [sflag:s22] =	dma.local [hbm:s4], s20  }
0x9e: {  	_ =	swait.ge [sflag:s22], s20  }
0x9f: {  	s3 =	ssub.s32 $0x0, s20;
	[sflag:s22] =	ssyncset.done $0x0  }
0xa0: {  	[sflag:s22] =	ssyncadd.s32 s3;
	_ =	sdelay $0x1  }
0xa1: {  	s23 =	simm.s32 $0x1B8B  }
0xa2: {  	_ =	swait.ge [sflag:s23], $0x1  }
0xa3: {  	[sflag:s23] =	ssyncset.done $0x0  }
0xa4: {  	s25 =	simm.s32 $0x1B8E;
	s24 =	sld [smem:$0x3FFE];
	[sflag:s23] =	ssyncadd.s32 $0xFFFFFFFF  }
0xa5: {  	s26 =	simm.s32 $execute0_lowered;
	[smem:$0x3FD2] =	sst s25  }
0xa6: {  	s4 =	sshll.u32 s26, $0x1;
	_ =	strace $0x8000004C;
	[dreg:$0x1] =	wrdreg $0xFFFFFFFF  }
0xa7: {  	s28 =	simm.s32 $_size_execute0_lowered;
	s2 =	sadd.s32 s2, s4;
	[dreg:$0x0] =	wrdreg $0x0  }
0xa8: {  	s4 =	sshll.u32 s28, $0x1;
	[dreg:$0x2] =	wrdreg s2  }
0xa9: {  	[dreg:$0x3] =	wrdreg s4  }
0xaa: {  	[dreg:$0x4] =	wrdreg $0xC0  }
0xab: {  	_ =	task [dreg:s6], $0x5FFFF  }
0xac: {  	[dreg:$0x1] =	wrdreg $0xFFFFFFFF  }
0xad: {  	[dreg:$0x0] =	wrdreg $0x60  }
0xae: {  	[dreg:$0x2] =	wrdreg s24  }
0xaf: {  	[dreg:$0x3] =	wrdreg $0x9  }
0xb0: {  	_ =	task.clear_ibuf [dreg:s6], $0x4FFFF;
	_ =	strace $0x9000004C  }
0xb1: {  	s29 =	simm.s32 $0x9;
	_ =	strace $0x8000004E  }
0xb2: {  	_ =	swait.ge [sflag:s29], $0x1  }
0xb3: {  	[sflag:s29] =	ssyncadd.s32 $0xFFFFFFFF  }
0xb4: {  	_ =	strace $0x9000004E  }
0xb5: {  	_ =	sfence  }
0xb6: {  	s30 =	sld [smem:$0x0];
	_ =	sdelay $0x2  }
0xb7: {  	s31 =	sshll.u32 s1, $0xD;
	s1 =	sshrl.u32 s1, $0x2  }
0xb8: {  	s3 =	sand.u32 $0x4000, s31;
	s1 =	sadd.s32 s1, s30  }
0xb9: {  	s0 =	sor.u32 s3, s0;
	s1 =	sshll.u32 s1, $0x11  }
0xba: {  	s0 =	sor.u32 s1, s0  }
0xbb: {  	s0 =	sadd.s32 $0x8F2B, s0  }
0xbc: {  	[sflag:s0] =	ssyncadd.remote.s32 $0x1  }
0xbd: {  	_ =	sfence.sel $0xFFFF  }
0xbe: {  	[dreg:$0x0] =	wrdreg $0xFFFFFFFF;
	(pc) =	sbr.abs _section_cstart, $3  }
0xbf: {  	[dreg:$0x1] =	wrdreg $0xFFFFFFFF  }
0xc0: {  	_ =	task.clear_ibuf [dreg:s6], $0x2FFFF;
	_ =	strace $0x9FFFFFFF  }
0xc1: {  	(tm) =	ssettm $0x7FFFFFFF  }
tec
execute0_lowered:
.L_overlay_start_1:
0x0: {  	(tag) =	ssettag $0x1  }
0x1: {  	s0 =	srdreg.scid  }
0x2: {  	s19 =	sand.u32 $0x1, s0  }
0x3: {  	s0 =	stileid.u32;
	s1 =	sshll.u32 s19, $0x4  }
0x4: {  	s11 =	sor.u32 s0, s1  }
0x5: {  	s12 =	rddreg [dreg:$0x0];
	s2 =	simm.s32 $0x0;
	s18 =	smul.u32 $0x1388, s11  }
0x6: {  	[smem:$0x7FF] =	sst s2  }
0x7: {  	s17 =	sadd.s32 $0xE200, s12;
	s1 =	rddreg [dreg:$0x1];
	s3 =	sshrl.u32 s18, $0x3  }
0x8: {  	_ =	strace $0x8000004D;
	s4 =	sadd.s32 s17, s3;
	s3 =	simm.s32 $0x3  }
0x9: {  	[tilespmem:s2], [sflag:$0x3] =	stream.linear.gather [hbm4b:s4+s2], $0x3E8, $0x38;
	[tilespmem:$0x101D0] =	vst v63  }
0xa: {  	s6 =	simm.s32 $0x3E8;
	_ =	swait.ge [sflag:s3], $0x3E8  }
0xb: {  	s7 =	simm.s32 $0x7D0;
	s14 =	sadd.s32 $0x3E8, s18;
	[sflag:s3] =	ssyncset.done $0x0  }
0xc: {  	s5 =	sadd.s32 $0x18000, s12;
	s8 =	sshrl.u32 s14, $0x3;
	[sflag:s3] =	ssyncadd.s32 $0xFFFFFC18  }
0xd: {  	[tilespmem:s7], [sflag:$0x1] =	stream.indirect.gather [hbm4b:s5+s6], $0x20, s2, s6, $0xb8;
	[tilespmem:$0x101D0] =	vst v63  }
0xe: {  	s8 =	sadd.s32 s17, s8  }
0xf: {  	[tilespmem:s6], [sflag:$0x3] =	stream.linear.gather [hbm4b:s8+s2], $0x3E8, $0x38;
	[tilespmem:$0x101D0] =	vst v63  }
0x10: {  	_ =	swait.ge [sflag:s3], $0x3E8  }
0x11: {  	[sflag:s3] =	ssyncset.done $0x0  }
0x12: {  	s9 =	simm.s32 $0x84D0;
	s10 =	simm.s32 $0x1;
	[sflag:s3] =	ssyncadd.s32 $0xFFFFFC18  }
0x13: {  	[tilespmem:s9], [sflag:$0x2] =	stream.indirect.gather [hbm4b:s5+s6], $0x20, s6, s6, $0xb8;
	[tilespmem:$0x101D0] =	vst v63  }
0x14: {  	s11 =	smul.u32 $0x4E20, s11;
	_ =	swait.ge [sflag:s10], $0x7D00  }
0x15: {  	s20 =	sadd.s32 $0x21E00, s12;
	[sflag:s10] =	ssyncset.done $0x0  }
0x16: {  	s11 =	sadd.s32 s20, s11;
	[sflag:s10] =	ssyncadd.s32 $0xFFFF8300  }
0x17: {  	[hbm4b:s11+s2] =	stream.linear.scatter [tilespmem:s7], [sflag:$0x3], $0x7D00, $0x38;
	[tilespmem:$0x101D0] =	vst v63  }
0x18: {  	s16 =	sadd.s32 $0x7D0, s18;
	_ =	swait.ge [sflag:s3], $0x7D00  }
0x19: {  	s28 =	sshrl.u32 s16, $0x3;
	[sflag:s3] =	ssyncset.done $0x0  }
0x1a: {  	s12 =	sadd.s32 s17, s28;
	[sflag:s3] =	ssyncadd.s32 $0xFFFF8300  }
0x1b: {  	[tilespmem:s2], [sflag:$0x3] =	stream.linear.gather [hbm4b:s12+s2], $0x3E8, $0x38;
	[tilespmem:$0x101D0] =	vst v63  }
0x1c: {  	_ =	swait.ge [sflag:s3], $0x3E8  }
0x1d: {  	[sflag:s3] =	ssyncset.done $0x0  }
0x1e: {  	s13 =	simm.s32 $0x2;
	[sflag:s3] =	ssyncadd.s32 $0xFFFFFC18  }
0x1f: {  	[tilespmem:s7], [sflag:$0x1] =	stream.indirect.gather [hbm4b:s5+s6], $0x20, s2, s6, $0xb8;
	[tilespmem:$0x101D0] =	vst v63  }
0x20: {  	_ =	swait.ge [sflag:s13], $0x7D00  }
0x21: {  	s14 =	sshll.u32 s14, $0x2;
	[sflag:s13] =	ssyncset.done $0x0  }
0x22: {  	s14 =	sadd.s32 s20, s14;
	[sflag:s13] =	ssyncadd.s32 $0xFFFF8300  }
0x23: {  	[hbm4b:s14+s2] =	stream.linear.scatter [tilespmem:s9], [sflag:$0x3], $0x7D00, $0x38;
	[tilespmem:$0x101D0] =	vst v63  }
0x24: {  	s21 =	sadd.s32 $0xBB8, s18;
	_ =	swait.ge [sflag:s3], $0x7D00  }
0x25: {  	s15 =	sshrl.u32 s21, $0x3;
	[sflag:s3] =	ssyncset.done $0x0  }
0x26: {  	s15 =	sadd.s32 s17, s15;
	[sflag:s3] =	ssyncadd.s32 $0xFFFF8300  }
0x27: {  	[tilespmem:s6], [sflag:$0x3] =	stream.linear.gather [hbm4b:s15+s2], $0x3E8, $0x38;
	[tilespmem:$0x101D0] =	vst v63  }
0x28: {  	_ =	swait.ge [sflag:s3], $0x3E8  }
0x29: {  	[sflag:s3] =	ssyncset.done $0x0  }
0x2a: {  	[sflag:s3] =	ssyncadd.s32 $0xFFFFFC18  }
0x2b: {  	[tilespmem:s9], [sflag:$0x2] =	stream.indirect.gather [hbm4b:s5+s6], $0x20, s6, s6, $0xb8;
	[tilespmem:$0x101D0] =	vst v63  }
0x2c: {  	_ =	swait.ge [sflag:s10], $0x7D00  }
0x2d: {  	s16 =	sshll.u32 s16, $0x2;
	[sflag:s10] =	ssyncset.done $0x0  }
0x2e: {  	s16 =	sadd.s32 s20, s16;
	[sflag:s10] =	ssyncadd.s32 $0xFFFF8300  }
0x2f: {  	[hbm4b:s16+s2] =	stream.linear.scatter [tilespmem:s7], [sflag:$0x3], $0x7D00, $0x38;
	[tilespmem:$0x101D0] =	vst v63  }
0x30: {  	s18 =	sadd.s32 $0xFA0, s18;
	_ =	swait.ge [sflag:s3], $0x7D00  }
0x31: {  	s22 =	sshrl.u32 s18, $0x3;
	[sflag:s3] =	ssyncset.done $0x0  }
0x32: {  	s17 =	sadd.s32 s17, s22;
	[sflag:s3] =	ssyncadd.s32 $0xFFFF8300  }
0x33: {  	[tilespmem:s2], [sflag:$0x3] =	stream.linear.gather [hbm4b:s17+s2], $0x3E8, $0x38;
	[tilespmem:$0x101D0] =	vst v63  }
0x34: {  	_ =	swait.ge [sflag:s3], $0x3E8  }
0x35: {  	[sflag:s3] =	ssyncset.done $0x0  }
0x36: {  	[sflag:s3] =	ssyncadd.s32 $0xFFFFFC18  }
0x37: {  	[tilespmem:s7], [sflag:$0x1] =	stream.indirect.gather [hbm4b:s5+s6], $0x20, s2, s6, $0xb8;
	[tilespmem:$0x101D0] =	vst v63  }
0x38: {  	_ =	swait.ge [sflag:s10], $0x7D00  }
0x39: {  	s18 =	sshll.u32 s18, $0x2;
	[sflag:s10] =	ssyncset.done $0x0  }
0x3a: {  	s19 =	ssub.s32 $0x2, s19;
	s18 =	sadd.s32 s20, s18;
	[sflag:s10] =	ssyncadd.s32 $0xFFFF8300  }
0x3b: {  	[hbm4b:s18+s2] =	stream.linear.scatter [tilespmem:s7], [sflag:$0x3], $0x7D00, $0x38;
	[tilespmem:$0x101D0] =	vst v63  }
0x3c: {  	s29 =	sshrl.u32 s19, $0x1;
	_ =	swait.ge [sflag:s3], $0x7D00  }
0x3d: {  	s22 =	ssub.s32 s19, s29;
	[sflag:s3] =	ssyncset.done $0x0  }
0x3e: {  	s31 =	smax.u32 s22, $0x1;
	[sflag:s3] =	ssyncadd.s32 $0xFFFF8300  }
0x3f: {  	p0 =	sne.s32 s31, $0x1;
	_ =	swait.ge [sflag:s13], $0x7D00  }
.Ltmp0:
0x40: {  	s30 =	sshll.u32 s21, $0x2;
	[sflag:s13] =	ssyncset.done $0x0;
	(pc) =	sbr.rel @!p0 .LBB2_2-.Ltmp0, $4  }
0x41: {  	s19 =	sadd.s32 s20, s30;
	[sflag:s13] =	ssyncadd.s32 $0xFFFF8300  }
0x42: {  	[hbm4b:s19+s2] =	stream.linear.scatter [tilespmem:s9], [sflag:$0x3], $0x7D00, $0x38;
	[tilespmem:$0x101D0] =	vst v63  }
0x43: {  	_ =	swait.ge [sflag:s3], $0x7D00  }
0x44: {  	s20 =	sadd.s32 $0xFFFFFFFF, s31;
	[sflag:s3] =	ssyncset.done $0x0  }
.LBB2_1:
0x45: {  	p0 =	sne.s32 s20, $0x1;
	s20 =	sadd.s32 $0xFFFFFFFF, s20;
	[sflag:s3] =	ssyncadd.s32 $0xFFFF8300  }
0x46: {  	[tilespmem:s2], [sflag:$0x3] =	stream.linear.gather [hbm4b:s4+s2], $0x3E8, $0x38;
	[tilespmem:$0x101D0] =	vst v63  }
0x47: {  	_ =	swait.ge [sflag:s3], $0x3E8  }
0x48: {  	[sflag:s3] =	ssyncset.done $0x0  }
0x49: {  	[sflag:s3] =	ssyncadd.s32 $0xFFFFFC18  }
0x4a: {  	[tilespmem:s7], [sflag:$0x1] =	stream.indirect.gather [hbm4b:s5+s6], $0x20, s2, s6, $0xb8;
	[tilespmem:$0x101D0] =	vst v63  }
0x4b: {  	_ = 	snop  }
0x4c: {  	[tilespmem:s6], [sflag:$0x3] =	stream.linear.gather [hbm4b:s8+s2], $0x3E8, $0x38;
	[tilespmem:$0x101D0] =	vst v63  }
0x4d: {  	_ =	swait.ge [sflag:s3], $0x3E8  }
0x4e: {  	[sflag:s3] =	ssyncset.done $0x0  }
0x4f: {  	[sflag:s3] =	ssyncadd.s32 $0xFFFFFC18  }
0x50: {  	[tilespmem:s9], [sflag:$0x2] =	stream.indirect.gather [hbm4b:s5+s6], $0x20, s6, s6, $0xb8;
	[tilespmem:$0x101D0] =	vst v63  }
0x51: {  	_ =	swait.ge [sflag:s10], $0x7D00  }
0x52: {  	[sflag:s10] =	ssyncset.done $0x0  }
0x53: {  	[sflag:s10] =	ssyncadd.s32 $0xFFFF8300  }
0x54: {  	[hbm4b:s11+s2] =	stream.linear.scatter [tilespmem:s7], [sflag:$0x3], $0x7D00, $0x38;
	[tilespmem:$0x101D0] =	vst v63  }
0x55: {  	_ =	swait.ge [sflag:s3], $0x7D00  }
0x56: {  	[sflag:s3] =	ssyncset.done $0x0  }
0x57: {  	[sflag:s3] =	ssyncadd.s32 $0xFFFF8300  }
0x58: {  	[tilespmem:s2], [sflag:$0x3] =	stream.linear.gather [hbm4b:s12+s2], $0x3E8, $0x38;
	[tilespmem:$0x101D0] =	vst v63  }
0x59: {  	_ =	swait.ge [sflag:s3], $0x3E8  }
0x5a: {  	[sflag:s3] =	ssyncset.done $0x0  }
0x5b: {  	[sflag:s3] =	ssyncadd.s32 $0xFFFFFC18  }
0x5c: {  	[tilespmem:s7], [sflag:$0x1] =	stream.indirect.gather [hbm4b:s5+s6], $0x20, s2, s6, $0xb8;
	[tilespmem:$0x101D0] =	vst v63  }
0x5d: {  	_ =	swait.ge [sflag:s13], $0x7D00  }
0x5e: {  	[sflag:s13] =	ssyncset.done $0x0  }
0x5f: {  	[sflag:s13] =	ssyncadd.s32 $0xFFFF8300  }
0x60: {  	[hbm4b:s14+s2] =	stream.linear.scatter [tilespmem:s9], [sflag:$0x3], $0x7D00, $0x38;
	[tilespmem:$0x101D0] =	vst v63  }
0x61: {  	_ =	swait.ge [sflag:s3], $0x7D00  }
0x62: {  	[sflag:s3] =	ssyncset.done $0x0  }
0x63: {  	[sflag:s3] =	ssyncadd.s32 $0xFFFF8300  }
0x64: {  	[tilespmem:s6], [sflag:$0x3] =	stream.linear.gather [hbm4b:s15+s2], $0x3E8, $0x38;
	[tilespmem:$0x101D0] =	vst v63  }
0x65: {  	_ =	swait.ge [sflag:s3], $0x3E8  }
0x66: {  	[sflag:s3] =	ssyncset.done $0x0  }
0x67: {  	[sflag:s3] =	ssyncadd.s32 $0xFFFFFC18  }
0x68: {  	[tilespmem:s9], [sflag:$0x2] =	stream.indirect.gather [hbm4b:s5+s6], $0x20, s6, s6, $0xb8;
	[tilespmem:$0x101D0] =	vst v63  }
0x69: {  	_ =	swait.ge [sflag:s10], $0x7D00  }
0x6a: {  	[sflag:s10] =	ssyncset.done $0x0  }
0x6b: {  	[sflag:s10] =	ssyncadd.s32 $0xFFFF8300  }
0x6c: {  	[hbm4b:s16+s2] =	stream.linear.scatter [tilespmem:s7], [sflag:$0x3], $0x7D00, $0x38;
	[tilespmem:$0x101D0] =	vst v63  }
0x6d: {  	_ =	swait.ge [sflag:s3], $0x7D00  }
0x6e: {  	[sflag:s3] =	ssyncset.done $0x0  }
0x6f: {  	[sflag:s3] =	ssyncadd.s32 $0xFFFF8300  }
0x70: {  	[tilespmem:s2], [sflag:$0x3] =	stream.linear.gather [hbm4b:s17+s2], $0x3E8, $0x38;
	[tilespmem:$0x101D0] =	vst v63  }
0x71: {  	_ =	swait.ge [sflag:s3], $0x3E8  }
0x72: {  	[sflag:s3] =	ssyncset.done $0x0  }
0x73: {  	[sflag:s3] =	ssyncadd.s32 $0xFFFFFC18  }
0x74: {  	[tilespmem:s7], [sflag:$0x1] =	stream.indirect.gather [hbm4b:s5+s6], $0x20, s2, s6, $0xb8;
	[tilespmem:$0x101D0] =	vst v63  }
0x75: {  	_ =	swait.ge [sflag:s10], $0x7D00  }
0x76: {  	[sflag:s10] =	ssyncset.done $0x0  }
0x77: {  	[sflag:s10] =	ssyncadd.s32 $0xFFFF8300  }
0x78: {  	[hbm4b:s18+s2] =	stream.linear.scatter [tilespmem:s7], [sflag:$0x3], $0x7D00, $0x38;
	[tilespmem:$0x101D0] =	vst v63  }
0x79: {  	_ =	swait.ge [sflag:s3], $0x7D00  }
0x7a: {  	[sflag:s3] =	ssyncset.done $0x0  }
0x7b: {  	[sflag:s3] =	ssyncadd.s32 $0xFFFF8300  }
0x7c: {  	_ =	swait.ge [sflag:s13], $0x7D00  }
.Ltmp1:
0x7d: {  	[sflag:s13] =	ssyncset.done $0x0;
	(pc) =	sbr.rel @p0 .LBB2_1-.Ltmp1, $4  }
0x7e: {  	[sflag:s13] =	ssyncadd.s32 $0xFFFF8300  }
0x7f: {  	[hbm4b:s19+s2] =	stream.linear.scatter [tilespmem:s9], [sflag:$0x3], $0x7D00, $0x38;
	[tilespmem:$0x101D0] =	vst v63  }
0x80: {  	_ =	swait.ge [sflag:s3], $0x7D00  }
0x81: {  	[sflag:s3] =	ssyncset.done $0x0  }
.LBB2_2:
0x82: {  	[sflag:s3] =	ssyncadd.s32 $0xFFFF8300  }
0x83: {  	_ =	sfence.sel $0x180000  }
0x84: {  	[bflag:$0x0] =	sbarrier.arrive $0xFFFF  }
0x85: {  	p0 =	sne.s32 s0, $0x0;
	_ =	strace $0x9000004D  }
0x86: {  	s0 =	sadd.s32 @!p0 $0x100000, s1;
	[bflag:$0x2] =	sbarrier.arrive $0xFFFF  }
0x87: {  	[sflag:s0] =	ssyncadd.tile.s32 @!p0 $0x1;
	_ =	shalt  }
.Lfunc_end2:
_tile_overlayer_lowered:
.L_overlay_start_2:
0x88: {  	(tag) =	ssettag $0x2  }
0x89: {  	s0 =	rddreg [dreg:$0x0];
	s2 =	stileid.u32  }
0x8a: {  	s1 =	rddreg [dreg:$0x1];
	p0 =	sne.s32 s2, $0x0  }
0x8b: {  	s3 =	rddreg [dreg:$0x2];
	[bflag:$0x3] =	sbarrier.arrive $0xFFFF;
	s2 =	simm.s32 @!p0 $0x1C03  }
0x8c: {  	[timem:s3], [sflag:s2] =	dma.local @!p0 [hbm:s0], s1  }
0x8d: {  	s0 =	simm.s32 @!p0 $0x3  }
0x8e: {  	_ =	swait.ge @!p0 [sflag:s0], s1  }
0x8f: {  	s1 =	ssub.s32 @!p0 $0x0, s1;
	[sflag:s0] =	ssyncset.done @!p0 $0x0  }
0x90: {  	[sflag:s0] =	ssyncadd.s32 @!p0 s1  }
0x91: {  	[bflag:$0x3] =	sbarrier.arrive $0xFFFF  }
0x92: {  	_ =	shalt  }

// kernel: kernel.19.cloned.1.call-start
scs
__scs_entry_jumppad:
0x0: {  	(pc) =	sbr.rel $0x88, $3  }
0x1: {  	(tag) =	ssettag $0x0;
	lr =	simm.s32 $0x1  }
0x2: {  	[smem:$0x3F8F] =	sst lr;
	_ =	strace $0xD0000000  }
0x3: {  	_ = 	snop  }
0x4: {  	_ = 	snop  }
0x5: {  	_ = 	snop  }
0x6: {  	_ = 	snop  }
0x7: {  	_ = 	snop  }
__scs_overlays_trampoline_lowered:
0x8: {  	[smem:$0x3F9E] =	sst s0  }
0x9: {  	[smem:$0x3F9F] =	sst s1  }
0xa: {  	[smem:$0x3FA0] =	sst s2  }
0xb: {  	[smem:$0x3FA1] =	sst s3  }
0xc: {  	[smem:$0x3FA2] =	sst s4  }
0xd: {  	[smem:$0x3FA3] =	sst s5  }
0xe: {  	[smem:$0x3FA4] =	sst s6  }
0xf: {  	[smem:$0x3FA5] =	sst s7  }
0x10: {  	[smem:$0x3FA6] =	sst s8  }
0x11: {  	[smem:$0x3FA7] =	sst s9;
	s0 =	simm.s32 @!p0 $0x0  }
0x12: {  	s1 =	sld [smem:$0x3F8D];
	s0 =	simm.s32 @p0 $0x1  }
0x13: {  	[smem:$0x3FA8] =	sst s0;
	s0 =	simm.s32 @!p1 $0x0  }
0x14: {  	s2 =	sld [smem:$0x3F8C];
	s0 =	simm.s32 @p1 $0x1  }
0x15: {  	[smem:$0x3FA9] =	sst s0;
	s0 =	simm.s32 @!p2 $0x0  }
0x16: {  	s3 =	sld [smem:$0x3FDB];
	s0 =	simm.s32 @p2 $0x1  }
0x17: {  	s4 =	simm.s32 $0x1BF5;
	[smem:$0x3FAB] =	sst s0  }
0x18: {  	s0 =	sld [smem:$0x3F8E];
	_ =	swait.ge [sflag:s4], $0x0  }
0x19: {  	s7 =	sld [smem:$0x3F8F]  }
0x1a: {  	s8 =	sadd.s32 $0xFFFFE003, lr  }
0x1b: {  	s9 =	sadd.s32 $0xFFFFFEF7, lr;
	s5 =	simm.s32 $0xFFFFFFFF;
	p2 =	slt.u32 s8, $0xFFFFF086  }
0x1c: {  	p1 =	slt.u32 s9, $0xF7A;
	s5 =	simm.s32 @!p2 $0x0  }
0x1d: {  	s5 =	simm.s32 @p1 $0x1;
	p0 =	seq.s32 s7, s2  }
0x1e: {  	s7 =	smul.u32 @!p0 $0xF7A, s2;
	p2 =	seq.s32 @!p0 s5, $0x0  }
0x1f: {  	s9 =	smul.u32 $0xF7A, s1;
	s8 =	simm.s32 @!p0 $0x1BF5;
	p2 =	por !p2, p0  }
0x20: {  	[sflag:s8] =	ssyncset.s32 @!p0 $0xFFFFF086;
	s6 =	sadd.s32 @!p0 s3, s7;
	s7 =	simm.s32 @!p0 $0x108  }
0x21: {  	s3 =	sadd.s32 s3, s9;
	s6 =	sadd.s32 @!p0 $0x88, s6;
	s7 =	simm.s32 @p2 $0x1082  }
0x22: {  	[simem:s7], [sflag:s8] =	dma.local @!p0 [hbm:s6], $0xF7A  }
0x23: {  	s9 =	sor.u32 $0xD0000000, s2;
	s6 =	simm.s32 $0x108;
	_ =	swait.ge @!p0 [sflag:s8], $0x0  }
0x24: {  	s3 =	sadd.s32 $0x88, s3;
	s6 =	simm.s32 @!p1 $0x1082;
	[sflag:s4] =	ssyncset.s32 $0xFFFFF086  }
0x25: {  	[simem:s6], [sflag:s4] =	dma.local [hbm:s3], $0xF7A  }
0x26: {  	[smem:$0x3F8F] =	sst s1;
	(tag) =	ssettag s2;
	_ =	strace s9  }
0x27: {  	s1 =	sld [smem:$0x3F9F]  }
0x28: {  	s2 =	sld [smem:$0x3FA0]  }
0x29: {  	s4 =	sld [smem:$0x3FA2]  }
0x2a: {  	p0 =	seq.s32 s5, $0x0;
	s5 =	sld [smem:$0x3FA3]  }
0x2b: {  	s6 =	sld [smem:$0x3FA4]  }
0x2c: {  	s7 =	sld [smem:$0x3FA5]  }
0x2d: {  	s3 =	simm.s32 $0x108;
	s8 =	sld [smem:$0x3FA6]  }
0x2e: {  	s3 =	simm.s32 @!p0 $0x1082;
	s9 =	sld [smem:$0x3FA7]  }
0x2f: {  	lr =	sadd.s32 s0, s3;
	s0 =	sld [smem:$0x3F9E]  }
0x30: {  	s3 =	sld [smem:$0x3FA1]  }
0x31: {  	[smem:$0x3FAA] =	sst s10  }
0x32: {  	s10 =	sld [smem:$0x3FA8];
	_ =	sdelay $0x3  }
0x33: {  	p0 =	seq.s32 s10, $0x1;
	s10 =	sld [smem:$0x3FAA];
	_ =	sdelay $0x3  }
0x34: {  	[smem:$0x3FAA] =	sst s10  }
0x35: {  	s10 =	sld [smem:$0x3FA9];
	_ =	sdelay $0x3  }
0x36: {  	p1 =	seq.s32 s10, $0x1;
	s10 =	sld [smem:$0x3FAA];
	_ =	sdelay $0x3  }
0x37: {  	[smem:$0x3FAA] =	sst s10  }
0x38: {  	s10 =	sld [smem:$0x3FAB]  }
0x39: {  	_ = 	snop;
	(pc) =	sbr.ind lr, $3  }
0x3a: {  	_ = 	snop  }
0x3b: {  	_ = 	snop  }
0x3c: {  	p2 =	seq.s32 s10, $0x1;
	s10 =	sld [smem:$0x3FAA]  }
0x3d: {  	_ =	shalt  }
0x3e: {  	_ =	shalt  }
0x3f: {  	_ =	shalt  }
0x40: {  	_ =	shalt  }
0x41: {  	_ =	shalt  }
0x42: {  	_ =	shalt  }
0x43: {  	_ =	shalt  }
0x44: {  	_ =	shalt  }
0x45: {  	_ =	shalt  }
0x46: {  	_ =	shalt  }
0x47: {  	_ =	shalt  }
0x48: {  	_ =	shalt  }
0x49: {  	_ =	shalt  }
0x4a: {  	_ =	shalt  }
0x4b: {  	_ =	shalt  }
0x4c: {  	_ =	shalt  }
0x4d: {  	_ =	shalt  }
0x4e: {  	_ =	shalt  }
0x4f: {  	_ =	shalt  }
0x50: {  	_ =	shalt  }
0x51: {  	_ =	shalt  }
0x52: {  	_ =	shalt  }
0x53: {  	_ =	shalt  }
0x54: {  	_ =	shalt  }
0x55: {  	_ =	shalt  }
0x56: {  	_ =	shalt  }
0x57: {  	_ =	shalt  }
0x58: {  	_ =	shalt  }
0x59: {  	_ =	shalt  }
0x5a: {  	_ =	shalt  }
0x5b: {  	_ =	shalt  }
0x5c: {  	_ =	shalt  }
0x5d: {  	_ =	shalt  }
0x5e: {  	_ =	shalt  }
0x5f: {  	_ =	shalt  }
0x60: {  	_ =	shalt  }
0x61: {  	_ =	shalt  }
0x62: {  	_ =	shalt  }
0x63: {  	_ =	shalt  }
0x64: {  	_ =	shalt  }
0x65: {  	_ =	shalt  }
0x66: {  	_ =	shalt  }
0x67: {  	_ =	shalt  }
0x68: {  	_ =	shalt  }
0x69: {  	_ =	shalt  }
0x6a: {  	_ =	shalt  }
0x6b: {  	_ =	shalt  }
0x6c: {  	_ =	shalt  }
0x6d: {  	_ =	shalt  }
0x6e: {  	_ =	shalt  }
0x6f: {  	_ =	shalt  }
0x70: {  	_ =	shalt  }
0x71: {  	_ =	shalt  }
0x72: {  	_ =	shalt  }
0x73: {  	_ =	shalt  }
0x74: {  	_ =	shalt  }
0x75: {  	_ =	shalt  }
0x76: {  	_ =	shalt  }
0x77: {  	_ =	shalt  }
0x78: {  	_ =	shalt  }
0x79: {  	_ =	shalt  }
0x7a: {  	_ =	shalt  }
0x7b: {  	_ =	shalt  }
0x7c: {  	_ =	shalt  }
0x7d: {  	_ =	shalt  }
0x7e: {  	_ =	shalt  }
0x7f: {  	_ =	shalt  }
0x80: {  	_ =	shalt  }
0x81: {  	_ =	shalt  }
0x82: {  	_ =	shalt  }
0x83: {  	_ =	shalt  }
0x84: {  	_ =	shalt  }
0x85: {  	_ =	shalt  }
0x86: {  	_ =	shalt  }
0x87: {  	_ =	shalt  }
.Lfunc_end0:
.L_simem_size_0:
called_computation.3_lowered:
.L_overlay_start_0:
0x88: {  	s2 =	sld [smem:$0x3FD9]  }
0x89: {  	s3 =	sld [smem:$0x3FFE];
	_ =	sdelay $0x1  }
0x8a: {  	s1 =	srdreg.scid  }
0x8b: {  	s0 =	sand.u32 $0x1, s1  }
0x8c: {  	s16 =	sshll.u32 s0, $0xA;
	s2 =	sadd.s32 s3, s2  }
0x8d: {  	s2 =	sadd.s32 s2, s16  }
0x8e: {  	[smem:$0x3FB6] =	sst s2  }
0x8f: {  	_ = 	snop  }
0x90: {  	(tm) =	ssettm $0x1  }
0x91: {  	s17 =	sld [smem:$0x3FFB];
	_ =	sdelay $0x3  }
0x92: {  	_ =	strace s17  }
0x93: {  	s2 =	sld [smem:$0x3FFC];
	_ =	sdelay $0x3  }
0x94: {  	_ =	strace s2  }
0x95: {  	s2 =	sld [smem:$0x3FFD];
	_ =	sdelay $0x3  }
0x96: {  	_ =	strace s2  }
0x97: {  	_ =	strace $0x8FFFFFFF  }
0x98: {  	s18 =	sld [smem:$0x3FDB];
	_ =	sdelay $0x1  }
0x99: {  	s19 =	simm.s32 $_scs_section_size  }
0x9a: {  	s4 =	simm.s32 $_size__tile_overlayer_lowered;
	s5 =	simm.s32 $_tile_overlayer_lowered  }
0x9b: {  	s22 =	simm.s32 $0x1BFF;
	s21 =	sshll.u32 s5, $0x1;
	s2 =	sadd.s32 s19, s18  }
0x9c: {  	s6 =	simm.s32 $0x0;
	s20 =	sshll.u32 s4, $0x1;
	s4 =	sadd.s32 s21, s2  }
0x9d: {  	[timem:s6], [sflag:s22] =	dma.local [hbm:s4], s20  }
0x9e: {  	_ =	swait.ge [sflag:s22], s20  }
0x9f: {  	s3 =	ssub.s32 $0x0, s20;
	[sflag:s22] =	ssyncset.done $0x0  }
0xa0: {  	[sflag:s22] =	ssyncadd.s32 s3;
	_ =	sdelay $0x1  }
0xa1: {  	s23 =	simm.s32 $0x1B8B  }
0xa2: {  	_ =	swait.ge [sflag:s23], $0x1  }
0xa3: {  	[sflag:s23] =	ssyncset.done $0x0  }
0xa4: {  	s25 =	simm.s32 $0x1B8E;
	s24 =	sld [smem:$0x3FFE];
	[sflag:s23] =	ssyncadd.s32 $0xFFFFFFFF  }
0xa5: {  	s26 =	simm.s32 $execute0_lowered;
	[smem:$0x3FD2] =	sst s25  }
0xa6: {  	s4 =	sshll.u32 s26, $0x1;
	_ =	strace $0x8000004F;
	[dreg:$0x1] =	wrdreg $0xFFFFFFFF  }
0xa7: {  	s28 =	simm.s32 $_size_execute0_lowered;
	s2 =	sadd.s32 s2, s4;
	[dreg:$0x0] =	wrdreg $0x0  }
0xa8: {  	s4 =	sshll.u32 s28, $0x1;
	[dreg:$0x2] =	wrdreg s2  }
0xa9: {  	[dreg:$0x3] =	wrdreg s4  }
0xaa: {  	[dreg:$0x4] =	wrdreg $0xC0  }
0xab: {  	_ =	task [dreg:s6], $0x5FFFF  }
0xac: {  	[dreg:$0x1] =	wrdreg $0xFFFFFFFF  }
0xad: {  	[dreg:$0x0] =	wrdreg $0x60  }
0xae: {  	[dreg:$0x2] =	wrdreg s24  }
0xaf: {  	[dreg:$0x3] =	wrdreg $0x101D00  }
0xb0: {  	[dreg:$0x4] =	wrdreg $0x9  }
0xb1: {  	_ =	task.clear_ibuf [dreg:s6], $0x5FFFF;
	_ =	strace $0x9000004F  }
0xb2: {  	s29 =	simm.s32 $0x9;
	_ =	strace $0x80000051  }
0xb3: {  	_ =	swait.ge [sflag:s29], $0x1  }
0xb4: {  	[sflag:s29] =	ssyncadd.s32 $0xFFFFFFFF  }
0xb5: {  	_ =	strace $0x90000051  }
0xb6: {  	_ =	sfence  }
0xb7: {  	s30 =	sld [smem:$0x0];
	_ =	sdelay $0x2  }
0xb8: {  	s31 =	sshll.u32 s1, $0xD;
	s1 =	sshrl.u32 s1, $0x2  }
0xb9: {  	s3 =	sand.u32 $0x4000, s31;
	s1 =	sadd.s32 s1, s30  }
0xba: {  	s0 =	sor.u32 s3, s0;
	s1 =	sshll.u32 s1, $0x11  }
0xbb: {  	s0 =	sor.u32 s1, s0  }
0xbc: {  	s0 =	sadd.s32 $0x8F2B, s0  }
0xbd: {  	[sflag:s0] =	ssyncadd.remote.s32 $0x1  }
0xbe: {  	_ =	sfence.sel $0xFFFF  }
0xbf: {  	[dreg:$0x0] =	wrdreg $0xFFFFFFFF;
	(pc) =	sbr.abs _section_cstart, $3  }
0xc0: {  	[dreg:$0x1] =	wrdreg $0xFFFFFFFF  }
0xc1: {  	_ =	task.clear_ibuf [dreg:s6], $0x2FFFF;
	_ =	strace $0x9FFFFFFF  }
0xc2: {  	(tm) =	ssettm $0x7FFFFFFF  }
0xc3: {  	_ =	shalt  }
tec
execute0_lowered:
.L_overlay_start_1:
0x0: {  	(tag) =	ssettag $0x1  }
0x1: {  	s25 =	rddreg [dreg:$0x0]  }
0x2: {  	s0 =	srdreg.scid;
	s2 =	rddreg [dreg:$0x1]  }
0x3: {  	s1 =	stileid.u32;
	s3 =	simm.s32 $0x0;
	s26 =	sand.u32 $0x1, s0  }
0x4: {  	s0 =	rddreg [dreg:$0x2];
	s28 =	smul.u32 $0x4E20, s1;
	s4 =	sshll.u32 s26, $0x4  }
0x5: {  	[smem:$0x7FF] =	sst s3;
	s21 =	sadd.s32 $0xE200, s25;
	s11 =	sor.u32 s1, s4  }
0x6: {  	s12 =	sadd.s32 $0xBE200, s25;
	s8 =	sshll.u32 s1, $0x6;
	s22 =	smul.u32 $0x1388, s11  }
0x7: {  	_ =	strace $0x80000050;
	s24 =	sshrl.u32 s28, $0x3;
	s9 =	sadd.s32 s28, s2  }
0x8: {  	s6 =	smul.u32 $0x4E20, s11;
	s7 =	sadd.s32 s24, s25;
	s5 =	sshrl.u32 s22, $0x3  }
0x9: {  	s10 =	sshrl.u32 s9, $0x3;
	s9 =	simm.s32 $0x5;
	s23 =	sadd.s32 s21, s5  }
0xa: {  	s14 =	smul.u32 $0x27100, s11;
	s5 =	sadd.s32 s12, s6;
	s4 =	sadd.s32 $0x4E20, s23  }
0xb: {  	[tilespmem:s3], [sflag:$0x1] =	stream.linear.gather [hbm4b:s4+s3], $0x3E8, $0x38;
	[tilespmem:$0x14FF0] =	vst v63  }
0xc: {  	s6 =	sadd.s32 $0x4400, s7;
	s7 =	sor.u32 $0x1C05, s8;
	s8 =	simm.s32 $0x7D0  }
0xd: {  	[tilespmem:s8], [sflag:$0x3] =	stream.linear.gather [hbm4b:s5+s3], $0x7D00, $0x38;
	[tilespmem:$0x14FF0] =	vst v63  }
0xe: {  	[spmem:s10], [sflag:s7] =	dma.local [hbm:s6], $0x9C4  }
0xf: {  	_ =	swait.ge [sflag:s9], $0x9C4  }
0x10: {  	s13 =	sadd.s32 $0x274E8, s22;
	s30 =	sshrl.u32 s14, $0x3;
	[sflag:s9] =	ssyncset.done $0x0  }
0x11: {  	s29 =	sshrl.u32 s13, $0x3;
	s24 =	sadd.s32 s12, s30;
	[sflag:s9] =	ssyncadd.s32 $0xFFFFF63C  }
0x12: {  	s12 =	simm.s32 $0x3E8;
	s11 =	sadd.s32 s21, s29;
	[bflag:$0x0] =	sbarrier.arrive $0xFFFF  }
0x13: {  	[tilespmem:s12], [sflag:$0x2] =	stream.linear.gather [hbm4b:s11+s3], $0x3E8, $0x38;
	[tilespmem:$0x14FF0] =	vst v63  }
0x14: {  	s15 =	simm.s32 $0x1;
	s14 =	simm.s32 $0x84D0;
	s13 =	sadd.s32 $0xFA0, s24  }
0x15: {  	[tilespmem:s14], [sflag:$0x4] =	stream.linear.gather [hbm4b:s13+s3], $0x7D00, $0x38;
	[tilespmem:$0x14FF0] =	vst v63  }
0x16: {  	_ =	swait.ge [sflag:s15], $0x3E8  }
0x17: {  	[sflag:s15] =	ssyncset.done $0x0  }
0x18: {  	s16 =	simm.s32 $0x3;
	[sflag:s15] =	ssyncadd.s32 $0xFFFFFC18  }
0x19: {  	_ =	swait.ge [sflag:s16], $0x7D00  }
0x1a: {  	[sflag:s16] =	ssyncset.done $0x0  }
0x1b: {  	[sflag:s16] =	ssyncadd.s32 $0xFFFF8300  }
0x1c: {  	[spmem:s2] =	stream.indirect.scatter.add.f32 [tilespmem:s8], [sflag:$0x5], $0x20, s3, s12, $0xb8;
	[tilespmem:$0x14FF0] =	vst v63  }
0x1d: {  	_ =	swait.ge [sflag:s9], $0x7D00  }
0x1e: {  	[sflag:s9] =	ssyncset.done $0x0  }
0x1f: {  	s17 =	sadd.s32 $0x4F1A, s23;
	[sflag:s9] =	ssyncadd.s32 $0xFFFF8300  }
0x20: {  	[tilespmem:s3], [sflag:$0x1] =	stream.linear.gather [hbm4b:s17+s3], $0x3E8, $0x38;
	[tilespmem:$0x14FF0] =	vst v63  }
0x21: {  	s19 =	simm.s32 $0x2;
	s18 =	sadd.s32 $0x1F40, s24  }
0x22: {  	[tilespmem:s8], [sflag:$0x3] =	stream.linear.gather [hbm4b:s18+s3], $0x7D00, $0x38;
	[tilespmem:$0x14FF0] =	vst v63  }
0x23: {  	_ =	swait.ge [sflag:s19], $0x3E8  }
0x24: {  	[sflag:s19] =	ssyncset.done $0x0  }
0x25: {  	s20 =	simm.s32 $0x4;
	[sflag:s19] =	ssyncadd.s32 $0xFFFFFC18  }
0x26: {  	_ =	swait.ge [sflag:s20], $0x7D00  }
0x27: {  	[sflag:s20] =	ssyncset.done $0x0  }
0x28: {  	[sflag:s20] =	ssyncadd.s32 $0xFFFF8300  }
0x29: {  	[spmem:s2] =	stream.indirect.scatter.add.f32 [tilespmem:s14], [sflag:$0x5], $0x20, s12, s12, $0xb8;
	[tilespmem:$0x14FF0] =	vst v63  }
0x2a: {  	s22 =	sadd.s32 $0x27CB8, s22;
	_ =	swait.ge [sflag:s9], $0x7D00  }
0x2b: {  	s22 =	sshrl.u32 s22, $0x3;
	[sflag:s9] =	ssyncset.done $0x0  }
0x2c: {  	s21 =	sadd.s32 s21, s22;
	[sflag:s9] =	ssyncadd.s32 $0xFFFF8300  }
0x2d: {  	[tilespmem:s12], [sflag:$0x2] =	stream.linear.gather [hbm4b:s21+s3], $0x3E8, $0x38;
	[tilespmem:$0x14FF0] =	vst v63  }
0x2e: {  	s22 =	sadd.s32 $0x2EE0, s24  }
0x2f: {  	[tilespmem:s14], [sflag:$0x4] =	stream.linear.gather [hbm4b:s22+s3], $0x7D00, $0x38;
	[tilespmem:$0x14FF0] =	vst v63  }
0x30: {  	_ =	swait.ge [sflag:s15], $0x3E8  }
0x31: {  	[sflag:s15] =	ssyncset.done $0x0  }
0x32: {  	[sflag:s15] =	ssyncadd.s32 $0xFFFFFC18  }
0x33: {  	_ =	swait.ge [sflag:s16], $0x7D00  }
0x34: {  	[sflag:s16] =	ssyncset.done $0x0  }
0x35: {  	[sflag:s16] =	ssyncadd.s32 $0xFFFF8300  }
0x36: {  	[spmem:s2] =	stream.indirect.scatter.add.f32 [tilespmem:s8], [sflag:$0x5], $0x20, s3, s12, $0xb8;
	[tilespmem:$0x14FF0] =	vst v63  }
0x37: {  	_ =	swait.ge [sflag:s9], $0x7D00  }
0x38: {  	[sflag:s9] =	ssyncset.done $0x0  }
0x39: {  	s23 =	sadd.s32 $0x5014, s23;
	[sflag:s9] =	ssyncadd.s32 $0xFFFF8300  }
0x3a: {  	[tilespmem:s3], [sflag:$0x1] =	stream.linear.gather [hbm4b:s23+s3], $0x3E8, $0x38;
	[tilespmem:$0x14FF0] =	vst v63  }
0x3b: {  	s24 =	sadd.s32 $0x3E80, s24  }
0x3c: {  	[tilespmem:s8], [sflag:$0x3] =	stream.linear.gather [hbm4b:s24+s3], $0x7D00, $0x38;
	[tilespmem:$0x14FF0] =	vst v63  }
0x3d: {  	_ =	swait.ge [sflag:s19], $0x3E8  }
0x3e: {  	[sflag:s19] =	ssyncset.done $0x0  }
0x3f: {  	[sflag:s19] =	ssyncadd.s32 $0xFFFFFC18  }
0x40: {  	_ =	swait.ge [sflag:s20], $0x7D00  }
0x41: {  	[sflag:s20] =	ssyncset.done $0x0  }
0x42: {  	[sflag:s20] =	ssyncadd.s32 $0xFFFF8300  }
0x43: {  	[spmem:s2] =	stream.indirect.scatter.add.f32 [tilespmem:s14], [sflag:$0x5], $0x20, s12, s12, $0xb8;
	[tilespmem:$0x14FF0] =	vst v63  }
0x44: {  	_ =	swait.ge [sflag:s9], $0x7D00  }
0x45: {  	[sflag:s9] =	ssyncset.done $0x0  }
0x46: {  	[sflag:s9] =	ssyncadd.s32 $0xFFFF8300  }
0x47: {  	_ =	swait.ge [sflag:s15], $0x3E8  }
0x48: {  	[sflag:s15] =	ssyncset.done $0x0  }
0x49: {  	[sflag:s15] =	ssyncadd.s32 $0xFFFFFC18  }
0x4a: {  	s29 =	smul.u32 $0x4E200, s26;
	s26 =	ssub.s32 $0x2, s26;
	_ =	swait.ge [sflag:s16], $0x7D00  }
0x4b: {  	s31 =	sshrl.u32 s26, $0x1;
	[sflag:s16] =	ssyncset.done $0x0  }
0x4c: {  	s26 =	ssub.s32 s26, s31;
	[sflag:s16] =	ssyncadd.s32 $0xFFFF8300  }
0x4d: {  	[spmem:s2] =	stream.indirect.scatter.add.f32 [tilespmem:s8], [sflag:$0x5], $0x20, s3, s12, $0xb8;
	[tilespmem:$0x14FF0] =	vst v63  }
0x4e: {  	s28 =	sadd.s32 s28, s29;
	s26 =	smax.u32 s26, $0x1;
	_ =	swait.ge [sflag:s9], $0x7D00  }
0x4f: {  	s28 =	sshrl.u32 s28, $0x3;
	p0 =	sne.s32 s26, $0x1;
	[sflag:s9] =	ssyncset.done $0x0  }
.Ltmp0:
0x50: {  	s25 =	sadd.s32 s28, s25;
	[sflag:s9] =	ssyncadd.s32 $0xFFFF8300;
	(pc) =	sbr.rel @!p0 .LBB2_2-.Ltmp0, $4  }
0x51: {  	s25 =	sadd.s32 $0x18000, s25;
	[bflag:$0x0] =	sbarrier.arrive $0xFFFF  }
0x52: {  	[hbm:s25], [sflag:s7] =	dma.local [spmem:s10], $0x9C4  }
0x53: {  	_ =	swait.ge [sflag:s9], $0x9C4  }
0x54: {  	s26 =	sadd.s32 $0xFFFFFFFF, s26;
	[sflag:s9] =	ssyncset.done $0x0  }
.LBB2_1:
0x55: {  	p0 =	sne.s32 s26, $0x1;
	s26 =	sadd.s32 $0xFFFFFFFF, s26;
	[sflag:s9] =	ssyncadd.s32 $0xFFFFF63C  }
0x56: {  	[tilespmem:s3], [sflag:$0x1] =	stream.linear.gather [hbm4b:s4+s3], $0x3E8, $0x38;
	[tilespmem:$0x14FF0] =	vst v63  }
0x57: {  	_ = 	snop  }
0x58: {  	[tilespmem:s8], [sflag:$0x3] =	stream.linear.gather [hbm4b:s5+s3], $0x7D00, $0x38;
	[tilespmem:$0x14FF0] =	vst v63  }
0x59: {  	[spmem:s10], [sflag:s7] =	dma.local [hbm:s6], $0x9C4  }
0x5a: {  	_ =	swait.ge [sflag:s9], $0x9C4  }
0x5b: {  	[sflag:s9] =	ssyncset.done $0x0  }
0x5c: {  	[sflag:s9] =	ssyncadd.s32 $0xFFFFF63C  }
0x5d: {  	[bflag:$0x0] =	sbarrier.arrive $0xFFFF  }
0x5e: {  	[tilespmem:s12], [sflag:$0x2] =	stream.linear.gather [hbm4b:s11+s3], $0x3E8, $0x38;
	[tilespmem:$0x14FF0] =	vst v63  }
0x5f: {  	_ = 	snop  }
0x60: {  	[tilespmem:s14], [sflag:$0x4] =	stream.linear.gather [hbm4b:s13+s3], $0x7D00, $0x38;
	[tilespmem:$0x14FF0] =	vst v63  }
0x61: {  	_ =	swait.ge [sflag:s15], $0x3E8  }
0x62: {  	[sflag:s15] =	ssyncset.done $0x0  }
0x63: {  	[sflag:s15] =	ssyncadd.s32 $0xFFFFFC18  }
0x64: {  	_ =	swait.ge [sflag:s16], $0x7D00  }
0x65: {  	[sflag:s16] =	ssyncset.done $0x0  }
0x66: {  	[sflag:s16] =	ssyncadd.s32 $0xFFFF8300  }
0x67: {  	[spmem:s2] =	stream.indirect.scatter.add.f32 [tilespmem:s8], [sflag:$0x5], $0x20, s3, s12, $0xb8;
	[tilespmem:$0x14FF0] =	vst v63  }
0x68: {  	_ =	swait.ge [sflag:s9], $0x7D00  }
0x69: {  	[sflag:s9] =	ssyncset.done $0x0  }
0x6a: {  	[sflag:s9] =	ssyncadd.s32 $0xFFFF8300  }
0x6b: {  	[tilespmem:s3], [sflag:$0x1] =	stream.linear.gather [hbm4b:s17+s3], $0x3E8, $0x38;
	[tilespmem:$0x14FF0] =	vst v63  }
0x6c: {  	_ = 	snop  }
0x6d: {  	[tilespmem:s8], [sflag:$0x3] =	stream.linear.gather [hbm4b:s18+s3], $0x7D00, $0x38;
	[tilespmem:$0x14FF0] =	vst v63  }
0x6e: {  	_ =	swait.ge [sflag:s19], $0x3E8  }
0x6f: {  	[sflag:s19] =	ssyncset.done $0x0  }
0x70: {  	[sflag:s19] =	ssyncadd.s32 $0xFFFFFC18  }
0x71: {  	_ =	swait.ge [sflag:s20], $0x7D00  }
0x72: {  	[sflag:s20] =	ssyncset.done $0x0  }
0x73: {  	[sflag:s20] =	ssyncadd.s32 $0xFFFF8300  }
0x74: {  	[spmem:s2] =	stream.indirect.scatter.add.f32 [tilespmem:s14], [sflag:$0x5], $0x20, s12, s12, $0xb8;
	[tilespmem:$0x14FF0] =	vst v63  }
0x75: {  	_ =	swait.ge [sflag:s9], $0x7D00  }
0x76: {  	[sflag:s9] =	ssyncset.done $0x0  }
0x77: {  	[sflag:s9] =	ssyncadd.s32 $0xFFFF8300  }
0x78: {  	[tilespmem:s12], [sflag:$0x2] =	stream.linear.gather [hbm4b:s21+s3], $0x3E8, $0x38;
	[tilespmem:$0x14FF0] =	vst v63  }
0x79: {  	_ = 	snop  }
0x7a: {  	[tilespmem:s14], [sflag:$0x4] =	stream.linear.gather [hbm4b:s22+s3], $0x7D00, $0x38;
	[tilespmem:$0x14FF0] =	vst v63  }
0x7b: {  	_ =	swait.ge [sflag:s15], $0x3E8  }
0x7c: {  	[sflag:s15] =	ssyncset.done $0x0  }
0x7d: {  	[sflag:s15] =	ssyncadd.s32 $0xFFFFFC18  }
0x7e: {  	_ =	swait.ge [sflag:s16], $0x7D00  }
0x7f: {  	[sflag:s16] =	ssyncset.done $0x0  }
0x80: {  	[sflag:s16] =	ssyncadd.s32 $0xFFFF8300  }
0x81: {  	[spmem:s2] =	stream.indirect.scatter.add.f32 [tilespmem:s8], [sflag:$0x5], $0x20, s3, s12, $0xb8;
	[tilespmem:$0x14FF0] =	vst v63  }
0x82: {  	_ =	swait.ge [sflag:s9], $0x7D00  }
0x83: {  	[sflag:s9] =	ssyncset.done $0x0  }
0x84: {  	[sflag:s9] =	ssyncadd.s32 $0xFFFF8300  }
0x85: {  	[tilespmem:s3], [sflag:$0x1] =	stream.linear.gather [hbm4b:s23+s3], $0x3E8, $0x38;
	[tilespmem:$0x14FF0] =	vst v63  }
0x86: {  	_ = 	snop  }
0x87: {  	[tilespmem:s8], [sflag:$0x3] =	stream.linear.gather [hbm4b:s24+s3], $0x7D00, $0x38;
	[tilespmem:$0x14FF0] =	vst v63  }
0x88: {  	_ =	swait.ge [sflag:s19], $0x3E8  }
0x89: {  	[sflag:s19] =	ssyncset.done $0x0  }
0x8a: {  	[sflag:s19] =	ssyncadd.s32 $0xFFFFFC18  }
0x8b: {  	_ =	swait.ge [sflag:s20], $0x7D00  }
0x8c: {  	[sflag:s20] =	ssyncset.done $0x0  }
0x8d: {  	[sflag:s20] =	ssyncadd.s32 $0xFFFF8300  }
0x8e: {  	[spmem:s2] =	stream.indirect.scatter.add.f32 [tilespmem:s14], [sflag:$0x5], $0x20, s12, s12, $0xb8;
	[tilespmem:$0x14FF0] =	vst v63  }
0x8f: {  	_ =	swait.ge [sflag:s9], $0x7D00  }
0x90: {  	[sflag:s9] =	ssyncset.done $0x0  }
0x91: {  	[sflag:s9] =	ssyncadd.s32 $0xFFFF8300  }
0x92: {  	_ =	swait.ge [sflag:s15], $0x3E8  }
0x93: {  	[sflag:s15] =	ssyncset.done $0x0  }
0x94: {  	[sflag:s15] =	ssyncadd.s32 $0xFFFFFC18  }
0x95: {  	_ =	swait.ge [sflag:s16], $0x7D00  }
0x96: {  	[sflag:s16] =	ssyncset.done $0x0  }
0x97: {  	[sflag:s16] =	ssyncadd.s32 $0xFFFF8300  }
0x98: {  	[spmem:s2] =	stream.indirect.scatter.add.f32 [tilespmem:s8], [sflag:$0x5], $0x20, s3, s12, $0xb8;
	[tilespmem:$0x14FF0] =	vst v63  }
0x99: {  	_ =	swait.ge [sflag:s9], $0x7D00  }
0x9a: {  	[sflag:s9] =	ssyncset.done $0x0  }
.Ltmp1:
0x9b: {  	[sflag:s9] =	ssyncadd.s32 $0xFFFF8300;
	(pc) =	sbr.rel @p0 .LBB2_1-.Ltmp1, $4  }
0x9c: {  	[bflag:$0x0] =	sbarrier.arrive $0xFFFF  }
0x9d: {  	[hbm:s25], [sflag:s7] =	dma.local [spmem:s10], $0x9C4  }
0x9e: {  	_ =	swait.ge [sflag:s9], $0x9C4  }
0x9f: {  	[sflag:s9] =	ssyncset.done $0x0  }
.LBB2_2:
0xa0: {  	[sflag:s9] =	ssyncadd.s32 $0xFFFFF63C  }
0xa1: {  	_ =	sfence.sel $0x180000  }
0xa2: {  	[bflag:$0x0] =	sbarrier.arrive $0xFFFF  }
0xa3: {  	p0 =	sne.s32 s1, $0x0;
	_ =	strace $0x90000050  }
0xa4: {  	s0 =	sadd.s32 @!p0 $0x100000, s0;
	[bflag:$0x2] =	sbarrier.arrive $0xFFFF  }
0xa5: {  	[sflag:s0] =	ssyncadd.tile.s32 @!p0 $0x1;
	_ =	shalt  }
.Lfunc_end2:
_tile_overlayer_lowered:
.L_overlay_start_2:
0xa6: {  	(tag) =	ssettag $0x2  }
0xa7: {  	s0 =	rddreg [dreg:$0x0];
	s2 =	stileid.u32  }
0xa8: {  	s1 =	rddreg [dreg:$0x1];
	p0 =	sne.s32 s2, $0x0  }
0xa9: {  	s3 =	rddreg [dreg:$0x2];
	[bflag:$0x3] =	sbarrier.arrive $0xFFFF;
	s2 =	simm.s32 @!p0 $0x1C05  }
0xaa: {  	[timem:s3], [sflag:s2] =	dma.local @!p0 [hbm:s0], s1  }
0xab: {  	s0 =	simm.s32 @!p0 $0x5  }
0xac: {  	_ =	swait.ge @!p0 [sflag:s0], s1  }
0xad: {  	s1 =	ssub.s32 @!p0 $0x0, s1;
	[sflag:s0] =	ssyncset.done @!p0 $0x0  }
0xae: {  	[sflag:s0] =	ssyncadd.s32 @!p0 s1  }
0xaf: {  	[bflag:$0x3] =	sbarrier.arrive $0xFFFF  }
0xb0: {  	_ =	shalt  }

</sc_bundles>
